<compile_context>
chip_gen: v7x
topology: tpu7x:2x2x1
jax: 0.10.2.dev20260603
libtpu: 0.0.44.dev20260713+nightly
codegen_flags: <defaults>
</compile_context>

<pallas_src>
import functools

import jax
import jax.numpy as jnp
from jax import lax
from jax.experimental import pallas as pl
from jax.experimental.pallas import tpu as pltpu
from jax.experimental.pallas import tpu_sc as plsc

N = 10000
D = 256
E = 160000
NW = 32
EPW = E // NW
B = 2000
RB = 1000

_mesh = lambda: plsc.VectorSubcoreMesh(
    core_axis_name="c", subcore_axis_name="s", num_cores=2, num_subcores=16)
_sc_params = pltpu.CompilerParams(
    needs_layout_passes=False, use_tc_tiling_on_sc=False)


@functools.partial(
    pl.kernel,
    out_type=(
        jax.ShapeDtypeStruct((NW, N), jnp.float32),
        jax.ShapeDtypeStruct((E,), jnp.int32),
        jax.ShapeDtypeStruct((E,), jnp.int32),
    ),
    mesh=_mesh(),
    scratch_types=[
        pltpu.VMEM((EPW + 16,), jnp.int32),
        pltpu.VMEM((EPW + 16,), jnp.int32),
        pltpu.VMEM((EPW + 16,), jnp.int32),
        pltpu.VMEM((8 * N,), jnp.float32),
    ],
    compiler_params=_sc_params,
)
def _deg_kernel(src_hbm, dst_hbm, degp_hbm, src32_hbm, dst8_hbm,
                srcb, dstb, d8b, acc):
    wid = lax.axis_index("s") * 2 + lax.axis_index("c")
    base = wid * EPW
    pltpu.sync_copy(src_hbm.at[pl.ds(base, EPW)], srcb.at[pl.ds(0, EPW)])
    pltpu.sync_copy(dst_hbm.at[pl.ds(base, EPW)], dstb.at[pl.ds(0, EPW)])

    lanes = lax.iota(jnp.int32, 16)
    offs = (lanes & 7) * N
    mlo = lanes < 8
    mhi = lanes >= 8
    ones = jnp.ones((16,), jnp.float32)
    zero = jnp.zeros((16,), jnp.float32)

    @plsc.parallel_loop(0, (8 * N) // 16, unroll=8)
    def _(i):
        acc[pl.ds(i * 16, 16)] = zero

    nfull = EPW // 16

    @plsc.parallel_loop(0, nfull, unroll=8)
    def _(i):
        j = i * 16
        sv = srcb[pl.ds(j, 16)]
        srcb[pl.ds(j, 16)] = sv * 32
        dv = dstb[pl.ds(j, 16)]
        d8b[pl.ds(j, 16)] = dv * 8
        addr = dv + offs
        plsc.addupdate_scatter(acc, [addr], ones, mask=mlo)
        plsc.addupdate_scatter(acc, [addr], ones, mask=mhi)

    j = nfull * 16
    sv = srcb[pl.ds(j, 16)]
    srcb[pl.ds(j, 16)] = sv * 32
    dv = dstb[pl.ds(j, 16)]
    d8b[pl.ds(j, 16)] = dv * 8
    plsc.addupdate_scatter(acc, [dv + offs], ones, mask=mlo)

    @plsc.parallel_loop(0, N // 16, unroll=4)
    def _(i):
        s = acc[pl.ds(i * 16, 16)]
        for k in range(1, 8):
            s = s + acc[pl.ds(k * N + i * 16, 16)]
        acc[pl.ds(i * 16, 16)] = s

    pltpu.sync_copy(srcb.at[pl.ds(0, EPW)], src32_hbm.at[pl.ds(base, EPW)])
    pltpu.sync_copy(d8b.at[pl.ds(0, EPW)], dst8_hbm.at[pl.ds(base, EPW)])
    pltpu.sync_copy(acc.at[pl.ds(0, N)], degp_hbm.at[wid])


def _make_agg(K):
    npass = K // NW

    nb = E // B
    nb2 = nb // 2

    @functools.partial(
        pl.kernel,
        out_type=jax.ShapeDtypeStruct((K, 8 * N), jnp.float32),
        mesh=_mesh(),
        scratch_types=[
            pltpu.VMEM((2, B), jnp.int32),
            pltpu.VMEM((2, B), jnp.int32),
            pltpu.VMEM((2, B, 8), jnp.float32),
            pltpu.VMEM((8 * N,), jnp.float32),
            pltpu.SemaphoreType.DMA,
            pltpu.SemaphoreType.DMA,
            pltpu.SemaphoreType.DMA,
            pltpu.SemaphoreType.DMA,
            pltpu.SemaphoreType.DMA,
            pltpu.SemaphoreType.DMA,
        ],
        compiler_params=_sc_params,
    )
    def agg(xflat_hbm, srck_hbm, dst8_hbm, out_hbm, idxb, dstb, rows, acc,
            s0, s1, g0, g1, d0, d1):
        wid = lax.axis_index("s") * 2 + lax.axis_index("c")
        lanes = lax.iota(jnp.int32, 16)
        feat = lanes & 7
        half = lanes >> 3
        mlo = lanes < 8
        mhi = lanes >= 8
        zero = jnp.zeros((16,), jnp.float32)

        def process(dref, rref):
            @plsc.parallel_loop(0, B // 2, unroll=8)
            def _(k):
                ev = half + 2 * k
                dstv = plsc.load_gather(dref, [ev])
                addr = dstv + feat
                row = plsc.load_gather(rref, [ev, feat])
                plsc.addupdate_scatter(acc, [addr], row)

        nview = N * K - K + 1
        for p in range(npass):
            chunk = wid + NW * p
            xview = xflat_hbm.at[pl.ds(chunk, nview)]

            @plsc.parallel_loop(0, (8 * N) // 16, unroll=8)
            def _(i):
                acc[pl.ds(i * 16, 16)] = zero

            pltpu.sync_copy(srck_hbm.at[pl.ds(0, B)], idxb.at[0])
            pltpu.async_copy(xview.at[idxb.at[0]], rows.at[0], g0)
            pltpu.async_copy(srck_hbm.at[pl.ds(B, B)], idxb.at[1], s1)
            pltpu.async_copy(dst8_hbm.at[pl.ds(0, B)], dstb.at[0], d0)
            pltpu.async_copy(dst8_hbm.at[pl.ds(B, B)], dstb.at[1], d1)

            def bb(k, _):
                off = 2 * k * B
                more = k < nb2 - 1
                pltpu.make_async_copy(
                    srck_hbm.at[pl.ds(off + B, B)], idxb.at[1], s1).wait()
                pltpu.async_copy(xview.at[idxb.at[1]], rows.at[1], g1)
                pltpu.make_async_copy(
                    xview.at[idxb.at[0]], rows.at[0], g0).wait()

                @pl.when(more)
                def _():
                    pltpu.async_copy(
                        srck_hbm.at[pl.ds(off + 2 * B, B)], idxb.at[0], s0)
                pltpu.make_async_copy(
                    dst8_hbm.at[pl.ds(off, B)], dstb.at[0], d0).wait()
                process(dstb.at[0], rows.at[0])

                @pl.when(more)
                def _():
                    pltpu.async_copy(
                        dst8_hbm.at[pl.ds(off + 2 * B, B)], dstb.at[0], d0)
                    pltpu.make_async_copy(
                        srck_hbm.at[pl.ds(off + 2 * B, B)], idxb.at[0], s0).wait()
                    pltpu.async_copy(xview.at[idxb.at[0]], rows.at[0], g0)
                pltpu.make_async_copy(
                    xview.at[idxb.at[1]], rows.at[1], g1).wait()

                @pl.when(more)
                def _():
                    pltpu.async_copy(
                        srck_hbm.at[pl.ds(off + 3 * B, B)], idxb.at[1], s1)
                pltpu.make_async_copy(
                    dst8_hbm.at[pl.ds(off + B, B)], dstb.at[1], d1).wait()
                process(dstb.at[1], rows.at[1])

                @pl.when(more)
                def _():
                    pltpu.async_copy(
                        dst8_hbm.at[pl.ds(off + 3 * B, B)], dstb.at[1], d1)
                return 0
            lax.fori_loop(0, nb2, bb, 0)

            pltpu.sync_copy(acc, out_hbm.at[chunk])
    return agg


_agg32 = _make_agg(32)
_agg64 = _make_agg(64)


def _tc0_body(degp_ref, dinv_ref):
    deg = jnp.sum(degp_ref[...], axis=0) + 1.0
    dinv_ref[...] = lax.rsqrt(deg)[:, None]


def _tc1_body(dinv_ref, x_ref, w1_ref, xws_ref):
    xw = jnp.dot(x_ref[...], w1_ref[...], preferred_element_type=jnp.float32)
    xws_ref[...] = xw * dinv_ref[...]


def _tc2_body(agg_ref, xws_ref, dinv_ref, b1_ref, w2_ref, xws2_ref):
    h = jnp.maximum(dinv_ref[...] * (agg_ref[...] + xws_ref[...]) + b1_ref[...], 0.0)
    xw2 = jnp.dot(h, w2_ref[...], preferred_element_type=jnp.float32)
    xws2_ref[...] = xw2 * dinv_ref[...]


def _tc3_body(agg2_ref, xws2_ref, dinv_ref, b2_ref, out_ref):
    i = pl.program_id(0)
    h2 = jnp.maximum(dinv_ref[...] * (agg2_ref[...] + xws2_ref[...]) + b2_ref[...], 0.0)
    part = jnp.sum(h2, axis=0, keepdims=True)

    @pl.when(i == 0)
    def _():
        out_ref[...] = part

    @pl.when(i > 0)
    def _():
        out_ref[...] = out_ref[...] + part

    @pl.when(i == N // RB - 1)
    def _():
        out_ref[...] = out_ref[...] * (1.0 / N)


_tc0 = pl.pallas_call(
    _tc0_body,
    in_specs=[pl.BlockSpec((NW, N), lambda: (0, 0))],
    out_specs=pl.BlockSpec((N, 1), lambda: (0, 0)),
    out_shape=jax.ShapeDtypeStruct((N, 1), jnp.float32),
)

_tc1 = pl.pallas_call(
    _tc1_body,
    grid=(N // RB,),
    in_specs=[
        pl.BlockSpec((RB, 1), lambda i: (i, 0)),
        pl.BlockSpec((RB, D), lambda i: (i, 0)),
        pl.BlockSpec((D, D), lambda i: (0, 0)),
    ],
    out_specs=pl.BlockSpec((RB, D), lambda i: (i, 0)),
    out_shape=jax.ShapeDtypeStruct((N, D), jnp.float32),
)

_tc2 = pl.pallas_call(
    _tc2_body,
    grid=(N // RB,),
    in_specs=[
        pl.BlockSpec((RB, D), lambda i: (i, 0)),
        pl.BlockSpec((RB, D), lambda i: (i, 0)),
        pl.BlockSpec((RB, 1), lambda i: (i, 0)),
        pl.BlockSpec((1, D), lambda i: (0, 0)),
        pl.BlockSpec((D, 2 * D), lambda i: (0, 0)),
    ],
    out_specs=pl.BlockSpec((RB, 2 * D), lambda i: (i, 0)),
    out_shape=jax.ShapeDtypeStruct((N, 2 * D), jnp.float32),
)

_tc3 = pl.pallas_call(
    _tc3_body,
    grid=(N // RB,),
    in_specs=[
        pl.BlockSpec((RB, 2 * D), lambda i: (i, 0)),
        pl.BlockSpec((RB, 2 * D), lambda i: (i, 0)),
        pl.BlockSpec((RB, 1), lambda i: (i, 0)),
        pl.BlockSpec((1, 2 * D), lambda i: (0, 0)),
    ],
    out_specs=pl.BlockSpec((1, 2 * D), lambda i: (0, 0)),
    out_shape=jax.ShapeDtypeStruct((1, 2 * D), jnp.float32),
)


def kernel(x, edge_index, W1, b1, W2, b2):
    src = edge_index[0].astype(jnp.int32)
    dst = edge_index[1].astype(jnp.int32)
    degp, src32, dst8 = _deg_kernel(src, dst)

    dinv = _tc0(degp)
    xws1 = _tc1(dinv, x, W1)
    agg1 = _agg32(xws1.reshape(N * 32, 8), src32, dst8)
    agg1t = agg1.reshape(32, N, 8).transpose(1, 0, 2).reshape(N, D)

    xws2 = _tc2(agg1t, xws1, dinv, b1.reshape(1, D), W2)
    agg2 = _agg64(xws2.reshape(N * 64, 8), src32 + src32, dst8)
    agg2t = agg2.reshape(64, N, 8).transpose(1, 0, 2).reshape(N, 2 * D)

    out = _tc3(agg2t, xws2, dinv, b2.reshape(1, 2 * D))
    return out.reshape(2 * D)

# --- scband reference (transcript-rebuilt; emitter-appended) ---
"""Pipeline reference for scband-drug-gcn-47614007443895 (READ-ONLY COPY).

The authoritative reference and input builder live on the scoring server;
editing this copy changes nothing except your own understanding.
"""

import jax, jax.numpy as jnp
import numpy as np

N_NODES = 10000
D_FEAT = 256
N_EDGES = 160000

def setup_inputs(seed: int = 0) -> dict:
    key = jax.random.key(seed)
    k1, k2, k3, k4, k5, k6 = jax.random.split(key, 6)
    x = jax.random.normal(k1, (N_NODES, D_FEAT), dtype=jnp.float32)
    edge_index = jax.random.randint(k2, (2, N_EDGES), 0, N_NODES, dtype=jnp.int64)
    # GCNConv weights (PyG glorot init approximated)
    s1 = 1.0 / np.sqrt(D_FEAT)
    W1 = jax.random.uniform(k3, (D_FEAT, D_FEAT), dtype=jnp.float32, minval=-s1, maxval=s1)
    b1 = jnp.zeros((D_FEAT,), dtype=jnp.float32)
    W2 = jax.random.uniform(k4, (D_FEAT, 2 * D_FEAT), dtype=jnp.float32, minval=-s1, maxval=s1)
    b2 = jnp.zeros((2 * D_FEAT,), dtype=jnp.float32)
    return {"x": x, "edge_index": edge_index, "W1": W1, "b1": b1, "W2": W2, "b2": b2}

def gcn_conv(x, edge_index, W, b, num_nodes):
    # PyG GCNConv: add self-loops, symmetric normalization, then aggregate
    src = edge_index[0]
    dst = edge_index[1]
    loop = jnp.arange(num_nodes, dtype=src.dtype)
    src = jnp.concatenate([src, loop])
    dst = jnp.concatenate([dst, loop])
    deg = jnp.zeros((num_nodes,), dtype=x.dtype).at[dst].add(1.0)
    dinv = jnp.where(deg > 0, 1.0 / jnp.sqrt(deg), 0.0)
    norm = dinv[src] * dinv[dst]
    xw = x @ W
    msg = xw[src] * norm[:, None]
    out = jnp.zeros((num_nodes, xw.shape[1]), dtype=xw.dtype).at[dst].add(msg)
    return out + b

def reference(x, edge_index, W1, b1, W2, b2):
    # DrugGCN forward (dropout is identity in eval mode)
    h = gcn_conv(x, edge_index, W1, b1, N_NODES)
    h = jax.nn.relu(h)
    h = gcn_conv(h, edge_index, W2, b2, N_NODES)
    h = jax.nn.relu(h)
    return jnp.mean(h, axis=0)

if __name__ == "__main__":
    import jax
    _d = setup_inputs()
    print(jax.jit(kernel)(*tuple(_d.values())))

</pallas_src>

<mosaic_0001>
#map = affine_map<(d0, d1) -> (0, 0)>
#map1 = affine_map<(d0, d1) -> (0)>
module attributes {stable_mosaic.version = 14 : i64} {
  func.func @agg(%arg0: i32, %arg1: i32, %arg2: memref<320000x8xf32, #tpu.memory_space<hbm>>, %arg3: memref<160000xi32, #tpu.memory_space<hbm>>, %arg4: memref<160000xi32, #tpu.memory_space<hbm>>, %arg5: memref<32x80000xf32, #tpu.memory_space<hbm>>, %arg6: memref<2x2000xi32, #tpu.memory_space<vmem>>, %arg7: memref<2x2000xi32, #tpu.memory_space<vmem>>, %arg8: memref<2x2000x8xf32, #tpu.memory_space<vmem>>, %arg9: memref<80000xf32, #tpu.memory_space<vmem>>, %arg10: memref<!tpu.dma_semaphore, #tpu.memory_space<semaphore_mem>>, %arg11: memref<!tpu.dma_semaphore, #tpu.memory_space<semaphore_mem>>, %arg12: memref<!tpu.dma_semaphore, #tpu.memory_space<semaphore_mem>>, %arg13: memref<!tpu.dma_semaphore, #tpu.memory_space<semaphore_mem>>, %arg14: memref<!tpu.dma_semaphore, #tpu.memory_space<semaphore_mem>>, %arg15: memref<!tpu.dma_semaphore, #tpu.memory_space<semaphore_mem>>) attributes {dimension_semantics = [#tpu.dimension_semantics<core_parallel>, #tpu.dimension_semantics<subcore_parallel>], iteration_bounds = array<i64: 2, 16>, scalar_prefetch = 0 : i64, scratch_operands = 10 : i64, tpu.core_type = #tpu.core_type<sc_vector_subcore>, window_params = [{transform_indices = #map}, {transform_indices = #map1}, {transform_indices = #map1}, {transform_indices = #map}]} {
    %mul3A = arith.constant 2 : i32
    %mul3A_0 = arith.muli %arg1, %mul3A : i32
    %add3A = arith.addi %mul3A_0, %arg0 : i32
    %iota3A = tpu.iota {dimensions = array<i32: 0>} : vector<16xi32>
    %and3A = arith.constant 7 : i32
    %and3A_1 = vector.broadcast %and3A : i32 to vector<16xi32>
    %and3A_2 = arith.andi %iota3A, %and3A_1 : vector<16xi32>
    %shift_right_arithmetic3A = arith.constant 3 : i32
    %shift_right_arithmetic3A_3 = vector.broadcast %shift_right_arithmetic3A : i32 to vector<16xi32>
    %shift_right_arithmetic3A_4 = arith.shrsi %iota3A, %shift_right_arithmetic3A_3 : vector<16xi32>
    %lt3A = arith.constant 8 : i32
    %lt3A_5 = vector.broadcast %lt3A : i32 to vector<16xi32>
    %lt3A_6 = arith.cmpi slt, %iota3A, %lt3A_5 : vector<16xi32>
    %ge3A = arith.constant 8 : i32
    %ge3A_7 = vector.broadcast %ge3A : i32 to vector<16xi32>
    %ge3A_8 = arith.cmpi sge, %iota3A, %ge3A_7 : vector<16xi32>
    %broadcast_in_dim3A = arith.constant 0.000000e+00 : f32
    %broadcast_in_dim3A_9 = vector.broadcast %broadcast_in_dim3A : f32 to vector<16xf32>
    %add3A_10 = arith.constant 0 : i32
    %add3A_11 = arith.addi %add3A, %add3A_10 : i32
    %parallel_loop3A = arith.constant 0 : i32
    %parallel_loop3A_12 = arith.constant 5000 : i32
    %parallel_loop3A_13 = arith.constant 1 : i32
    scf.for %parallel_loop3A_66 = %parallel_loop3A to %parallel_loop3A_12 step %parallel_loop3A_13  : i32 {
      %parallel_loop3A_67 = arith.constant 16 : i32
      %parallel_loop3A_68 = arith.muli %parallel_loop3A_66, %parallel_loop3A_67 : i32
      %parallel_loop3A_69 = arith.index_cast %parallel_loop3A_68 : i32 to index
      %parallel_loop3A_70 = tpu.vector_load %arg9[%parallel_loop3A_69] {strides = array<i32>} : memref<80000xf32, #tpu.memory_space<vmem>>, vector<16xf32>,
      tpu.vector_store %arg9[%parallel_loop3A_69], %broadcast_in_dim3A_9 {strides = array<i32>} : memref<80000xf32, #tpu.memory_space<vmem>>, vector<16xf32>,
    } {sc.loop_unroll_factor = 8 : i64, sc.parallel_access}
    %run_scoped3A = arith.constant 0 : i32
    "tpu.region"() ({
      %run_scoped3A_66 = tpu.sem_alloc : memref<!tpu.dma_semaphore, #tpu.memory_space<semaphore_mem>>
      %dma_start3A_67 = arith.constant 0 : i32
      %dma_start3A_68 = tpu.memref_slice %arg6[%run_scoped3A, %dma_start3A_67] : memref<2x2000xi32, #tpu.memory_space<vmem>> -> memref<1x2000xi32, #tpu.memory_space<vmem>>
      %dma_start3A_69 = tpu.memref_squeeze %dma_start3A_68 : memref<1x2000xi32, #tpu.memory_space<vmem>> -> memref<2000xi32, #tpu.memory_space<vmem>>
      %dma_start3A_70 = arith.constant 0 : i32
      %dma_start3A_71 = tpu.memref_slice %arg3[%dma_start3A_70] : memref<160000xi32, #tpu.memory_space<hbm>> -> memref<2000xi32, #tpu.memory_space<hbm>>
      %dma_start3A_72 = arith.constant 0 : i32
      %dma_start3A_73 = tpu.memref_slice %arg6[%run_scoped3A, %dma_start3A_72] : memref<2x2000xi32, #tpu.memory_space<vmem>> -> memref<1x2000xi32, #tpu.memory_space<vmem>>
      %dma_start3A_74 = tpu.memref_squeeze %dma_start3A_73 : memref<1x2000xi32, #tpu.memory_space<vmem>> -> memref<2000xi32, #tpu.memory_space<vmem>>
      %dma_start3A_75 = arith.constant 0 : i32
      %dma_start3A_76 = tpu.memref_slice %arg3[%dma_start3A_75] : memref<160000xi32, #tpu.memory_space<hbm>> -> memref<2000xi32, #tpu.memory_space<hbm>>
      tpu.enqueue_dma source(%dma_start3A_76 : memref<2000xi32, #tpu.memory_space<hbm>>) target(%dma_start3A_74 : memref<2000xi32, #tpu.memory_space<vmem>>) target_semaphore(%run_scoped3A_66 : memref<!tpu.dma_semaphore, #tpu.memory_space<semaphore_mem>>)
      %dma_wait3A = arith.constant 0 : i32
      %dma_wait3A_77 = tpu.memref_slice %arg6[%run_scoped3A, %dma_wait3A] : memref<2x2000xi32, #tpu.memory_space<vmem>> -> memref<1x2000xi32, #tpu.memory_space<vmem>>
      %dma_wait3A_78 = tpu.memref_squeeze %dma_wait3A_77 : memref<1x2000xi32, #tpu.memory_space<vmem>> -> memref<2000xi32, #tpu.memory_space<vmem>>
      %dma_wait3A_79 = arith.constant 0 : i32
      %dma_wait3A_80 = tpu.memref_slice %arg3[%dma_wait3A_79] : memref<160000xi32, #tpu.memory_space<hbm>> -> memref<2000xi32, #tpu.memory_space<hbm>>
      %dma_wait3A_81 = arith.constant 0 : i32
      %dma_wait3A_82 = tpu.memref_slice %arg6[%run_scoped3A, %dma_wait3A_81] : memref<2x2000xi32, #tpu.memory_space<vmem>> -> memref<1x2000xi32, #tpu.memory_space<vmem>>
      %dma_wait3A_83 = tpu.memref_squeeze %dma_wait3A_82 : memref<1x2000xi32, #tpu.memory_space<vmem>> -> memref<2000xi32, #tpu.memory_space<vmem>>
      %dma_wait3A_84 = arith.constant 0 : i32
      %dma_wait3A_85 = tpu.memref_slice %arg3[%dma_wait3A_84] : memref<160000xi32, #tpu.memory_space<hbm>> -> memref<2000xi32, #tpu.memory_space<hbm>>
      tpu.wait_dma2 semaphore(%run_scoped3A_66 : memref<!tpu.dma_semaphore, #tpu.memory_space<semaphore_mem>>) src(%dma_wait3A_85 : memref<2000xi32, #tpu.memory_space<hbm>>) dst(%dma_wait3A_83 : memref<2000xi32, #tpu.memory_space<vmem>>)
      tpu.yield
    }) : () -> ()
    %dma_start3A = arith.constant 0 : i32
    %dma_start3A_14 = arith.constant 0 : i32
    %dma_start3A_15 = arith.constant 0 : i32
    %dma_start3A_16 = arith.constant 0 : i32
    %dma_start3A_17 = tpu.memref_slice %arg8[%dma_start3A_14, %dma_start3A_15, %dma_start3A_16] : memref<2x2000x8xf32, #tpu.memory_space<vmem>> -> memref<1x2000x8xf32, #tpu.memory_space<vmem>>
    %dma_start3A_18 = tpu.memref_squeeze %dma_start3A_17 : memref<1x2000x8xf32, #tpu.memory_space<vmem>> -> memref<2000x8xf32, #tpu.memory_space<vmem>>
    %dma_start3A_19 = arith.constant 0 : i32
    %dma_start3A_20 = tpu.memref_slice %arg6[%dma_start3A, %dma_start3A_19] : memref<2x2000xi32, #tpu.memory_space<vmem>> -> memref<1x2000xi32, #tpu.memory_space<vmem>>
    %dma_start3A_21 = tpu.memref_squeeze %dma_start3A_20 : memref<1x2000xi32, #tpu.memory_space<vmem>> -> memref<2000xi32, #tpu.memory_space<vmem>>
    %dma_start3A_22 = arith.constant 0 : i32
    %dma_start3A_23 = tpu.memref_slice %arg2[%add3A_11, %dma_start3A_22] : memref<320000x8xf32, #tpu.memory_space<hbm>> -> memref<319969x8xf32, #tpu.memory_space<hbm>>
    %dma_start3A_24 = arith.constant 0 : i32
    %dma_start3A_25 = arith.constant 0 : i32
    %dma_start3A_26 = tpu.memref_slice %dma_start3A_23[%dma_start3A_24, %dma_start3A_25] : memref<319969x8xf32, #tpu.memory_space<hbm>> -> memref<319969x8xf32, #tpu.memory_space<hbm>>
    tpu.enqueue_indirect_dma source(%dma_start3A_26 : memref<319969x8xf32, #tpu.memory_space<hbm>>) target(%dma_start3A_18 : memref<2000x8xf32, #tpu.memory_space<vmem>>) offsets(%dma_start3A_21 : memref<2000xi32, #tpu.memory_space<vmem>>) semaphore(%arg12 : memref<!tpu.dma_semaphore, #tpu.memory_space<semaphore_mem>>)
    %dma_start3A_27 = arith.constant 1 : i32
    %dma_start3A_28 = arith.constant 0 : i32
    %dma_start3A_29 = tpu.memref_slice %arg6[%dma_start3A_27, %dma_start3A_28] : memref<2x2000xi32, #tpu.memory_space<vmem>> -> memref<1x2000xi32, #tpu.memory_space<vmem>>
    %dma_start3A_30 = tpu.memref_squeeze %dma_start3A_29 : memref<1x2000xi32, #tpu.memory_space<vmem>> -> memref<2000xi32, #tpu.memory_space<vmem>>
    %dma_start3A_31 = arith.constant 2000 : i32
    %dma_start3A_32 = tpu.memref_slice %arg3[%dma_start3A_31] : memref<160000xi32, #tpu.memory_space<hbm>> -> memref<2000xi32, #tpu.memory_space<hbm>>
    %dma_start3A_33 = arith.constant 0 : i32
    %dma_start3A_34 = tpu.memref_slice %arg6[%dma_start3A_27, %dma_start3A_33] : memref<2x2000xi32, #tpu.memory_space<vmem>> -> memref<1x2000xi32, #tpu.memory_space<vmem>>
    %dma_start3A_35 = tpu.memref_squeeze %dma_start3A_34 : memref<1x2000xi32, #tpu.memory_space<vmem>> -> memref<2000xi32, #tpu.memory_space<vmem>>
    %dma_start3A_36 = arith.constant 2000 : i32
    %dma_start3A_37 = tpu.memref_slice %arg3[%dma_start3A_36] : memref<160000xi32, #tpu.memory_space<hbm>> -> memref<2000xi32, #tpu.memory_space<hbm>>
    tpu.enqueue_dma source(%dma_start3A_37 : memref<2000xi32, #tpu.memory_space<hbm>>) target(%dma_start3A_35 : memref<2000xi32, #tpu.memory_space<vmem>>) target_semaphore(%arg11 : memref<!tpu.dma_semaphore, #tpu.memory_space<semaphore_mem>>)
    %dma_start3A_38 = arith.constant 0 : i32
    %dma_start3A_39 = arith.constant 0 : i32
    %dma_start3A_40 = tpu.memref_slice %arg7[%dma_start3A_38, %dma_start3A_39] : memref<2x2000xi32, #tpu.memory_space<vmem>> -> memref<1x2000xi32, #tpu.memory_space<vmem>>
    %dma_start3A_41 = tpu.memref_squeeze %dma_start3A_40 : memref<1x2000xi32, #tpu.memory_space<vmem>> -> memref<2000xi32, #tpu.memory_space<vmem>>
    %dma_start3A_42 = arith.constant 0 : i32
    %dma_start3A_43 = tpu.memref_slice %arg4[%dma_start3A_42] : memref<160000xi32, #tpu.memory_space<hbm>> -> memref<2000xi32, #tpu.memory_space<hbm>>
    %dma_start3A_44 = arith.constant 0 : i32
    %dma_start3A_45 = tpu.memref_slice %arg7[%dma_start3A_38, %dma_start3A_44] : memref<2x2000xi32, #tpu.memory_space<vmem>> -> memref<1x2000xi32, #tpu.memory_space<vmem>>
    %dma_start3A_46 = tpu.memref_squeeze %dma_start3A_45 : memref<1x2000xi32, #tpu.memory_space<vmem>> -> memref<2000xi32, #tpu.memory_space<vmem>>
    %dma_start3A_47 = arith.constant 0 : i32
    %dma_start3A_48 = tpu.memref_slice %arg4[%dma_start3A_47] : memref<160000xi32, #tpu.memory_space<hbm>> -> memref<2000xi32, #tpu.memory_space<hbm>>
    tpu.enqueue_dma source(%dma_start3A_48 : memref<2000xi32, #tpu.memory_space<hbm>>) target(%dma_start3A_46 : memref<2000xi32, #tpu.memory_space<vmem>>) target_semaphore(%arg14 : memref<!tpu.dma_semaphore, #tpu.memory_space<semaphore_mem>>)
    %dma_start3A_49 = arith.constant 1 : i32
    %dma_start3A_50 = arith.constant 0 : i32
    %dma_start3A_51 = tpu.memref_slice %arg7[%dma_start3A_49, %dma_start3A_50] : memref<2x2000xi32, #tpu.memory_space<vmem>> -> memref<1x2000xi32, #tpu.memory_space<vmem>>
    %dma_start3A_52 = tpu.memref_squeeze %dma_start3A_51 : memref<1x2000xi32, #tpu.memory_space<vmem>> -> memref<2000xi32, #tpu.memory_space<vmem>>
    %dma_start3A_53 = arith.constant 2000 : i32
    %dma_start3A_54 = tpu.memref_slice %arg4[%dma_start3A_53] : memref<160000xi32, #tpu.memory_space<hbm>> -> memref<2000xi32, #tpu.memory_space<hbm>>
    %dma_start3A_55 = arith.constant 0 : i32
    %dma_start3A_56 = tpu.memref_slice %arg7[%dma_start3A_49, %dma_start3A_55] : memref<2x2000xi32, #tpu.memory_space<vmem>> -> memref<1x2000xi32, #tpu.memory_space<vmem>>
    %dma_start3A_57 = tpu.memref_squeeze %dma_start3A_56 : memref<1x2000xi32, #tpu.memory_space<vmem>> -> memref<2000xi32, #tpu.memory_space<vmem>>
    %dma_start3A_58 = arith.constant 2000 : i32
    %dma_start3A_59 = tpu.memref_slice %arg4[%dma_start3A_58] : memref<160000xi32, #tpu.memory_space<hbm>> -> memref<2000xi32, #tpu.memory_space<hbm>>
    tpu.enqueue_dma source(%dma_start3A_59 : memref<2000xi32, #tpu.memory_space<hbm>>) target(%dma_start3A_57 : memref<2000xi32, #tpu.memory_space<vmem>>) target_semaphore(%arg15 : memref<!tpu.dma_semaphore, #tpu.memory_space<semaphore_mem>>)
    %scan3A = arith.constant 0 : i32
    %scan3A_60 = arith.constant 0 : i32
    %scan3A_61 = arith.constant 40 : i32
    %scan3A_62 = arith.addi %scan3A_60, %scan3A_61 : i32
    %scan3A_63 = arith.constant 1 : i32
    %scan3A_64 = scf.for %scan3A_66 = %scan3A_60 to %scan3A_62 step %scan3A_63 iter_args(%scan3A_67 = %scan3A) -> (i32)  : i32 {
      %mul3A_68 = arith.constant 2 : i32
      %mul3A_69 = arith.muli %mul3A_68, %scan3A_66 : i32
      %mul3A_70 = arith.constant 2000 : i32
      %mul3A_71 = arith.muli %mul3A_69, %mul3A_70 : i32
      %lt3A_72 = arith.constant 39 : i32
      %lt3A_73 = arith.cmpi slt, %scan3A_66, %lt3A_72 : i32
      %add3A_74 = arith.constant 2000 : i32
      %add3A_75 = arith.addi %mul3A_71, %add3A_74 : i32
      %dma_wait3A = arith.constant 1 : i32
      %dma_wait3A_76 = arith.constant 0 : i32
      %dma_wait3A_77 = tpu.memref_slice %arg6[%dma_wait3A, %dma_wait3A_76] : memref<2x2000xi32, #tpu.memory_space<vmem>> -> memref<1x2000xi32, #tpu.memory_space<vmem>>
      %dma_wait3A_78 = tpu.memref_squeeze %dma_wait3A_77 : memref<1x2000xi32, #tpu.memory_space<vmem>> -> memref<2000xi32, #tpu.memory_space<vmem>>
      %dma_wait3A_79 = tpu.memref_slice %arg3[%add3A_75] : memref<160000xi32, #tpu.memory_space<hbm>> -> memref<2000xi32, #tpu.memory_space<hbm>>
      %dma_wait3A_80 = arith.constant 0 : i32
      %dma_wait3A_81 = tpu.memref_slice %arg6[%dma_wait3A, %dma_wait3A_80] : memref<2x2000xi32, #tpu.memory_space<vmem>> -> memref<1x2000xi32, #tpu.memory_space<vmem>>
      %dma_wait3A_82 = tpu.memref_squeeze %dma_wait3A_81 : memref<1x2000xi32, #tpu.memory_space<vmem>> -> memref<2000xi32, #tpu.memory_space<vmem>>
      %dma_wait3A_83 = tpu.memref_slice %arg3[%add3A_75] : memref<160000xi32, #tpu.memory_space<hbm>> -> memref<2000xi32, #tpu.memory_space<hbm>>
      tpu.wait_dma2 semaphore(%arg11 : memref<!tpu.dma_semaphore, #tpu.memory_space<semaphore_mem>>) src(%dma_wait3A_83 : memref<2000xi32, #tpu.memory_space<hbm>>) dst(%dma_wait3A_82 : memref<2000xi32, #tpu.memory_space<vmem>>)
      %dma_start3A_84 = arith.constant 1 : i32
      %dma_start3A_85 = arith.constant 1 : i32
      %dma_start3A_86 = arith.constant 0 : i32
      %dma_start3A_87 = arith.constant 0 : i32
      %dma_start3A_88 = tpu.memref_slice %arg8[%dma_start3A_85, %dma_start3A_86, %dma_start3A_87] : memref<2x2000x8xf32, #tpu.memory_space<vmem>> -> memref<1x2000x8xf32, #tpu.memory_space<vmem>>
      %dma_start3A_89 = tpu.memref_squeeze %dma_start3A_88 : memref<1x2000x8xf32, #tpu.memory_space<vmem>> -> memref<2000x8xf32, #tpu.memory_space<vmem>>
      %dma_start3A_90 = arith.constant 0 : i32
      %dma_start3A_91 = tpu.memref_slice %arg6[%dma_start3A_84, %dma_start3A_90] : memref<2x2000xi32, #tpu.memory_space<vmem>> -> memref<1x2000xi32, #tpu.memory_space<vmem>>
      %dma_start3A_92 = tpu.memref_squeeze %dma_start3A_91 : memref<1x2000xi32, #tpu.memory_space<vmem>> -> memref<2000xi32, #tpu.memory_space<vmem>>
      %dma_start3A_93 = arith.constant 0 : i32
      %dma_start3A_94 = tpu.memref_slice %arg2[%add3A_11, %dma_start3A_93] : memref<320000x8xf32, #tpu.memory_space<hbm>> -> memref<319969x8xf32, #tpu.memory_space<hbm>>
      %dma_start3A_95 = arith.constant 0 : i32
      %dma_start3A_96 = arith.constant 0 : i32
      %dma_start3A_97 = tpu.memref_slice %dma_start3A_94[%dma_start3A_95, %dma_start3A_96] : memref<319969x8xf32, #tpu.memory_space<hbm>> -> memref<319969x8xf32, #tpu.memory_space<hbm>>
      tpu.enqueue_indirect_dma source(%dma_start3A_97 : memref<319969x8xf32, #tpu.memory_space<hbm>>) target(%dma_start3A_89 : memref<2000x8xf32, #tpu.memory_space<vmem>>) offsets(%dma_start3A_92 : memref<2000xi32, #tpu.memory_space<vmem>>) semaphore(%arg13 : memref<!tpu.dma_semaphore, #tpu.memory_space<semaphore_mem>>)
      %dma_wait3A_98 = arith.constant 0 : i32
      %dma_wait3A_99 = arith.constant 0 : i32
      %dma_wait3A_100 = arith.constant 0 : i32
      %dma_wait3A_101 = arith.constant 0 : i32
      %dma_wait3A_102 = tpu.memref_slice %arg8[%dma_wait3A_99, %dma_wait3A_100, %dma_wait3A_101] : memref<2x2000x8xf32, #tpu.memory_space<vmem>> -> memref<1x2000x8xf32, #tpu.memory_space<vmem>>
      %dma_wait3A_103 = tpu.memref_squeeze %dma_wait3A_102 : memref<1x2000x8xf32, #tpu.memory_space<vmem>> -> memref<2000x8xf32, #tpu.memory_space<vmem>>
      %dma_wait3A_104 = arith.constant 0 : i32
      %dma_wait3A_105 = tpu.memref_slice %arg6[%dma_wait3A_98, %dma_wait3A_104] : memref<2x2000xi32, #tpu.memory_space<vmem>> -> memref<1x2000xi32, #tpu.memory_space<vmem>>
      %dma_wait3A_106 = tpu.memref_squeeze %dma_wait3A_105 : memref<1x2000xi32, #tpu.memory_space<vmem>> -> memref<2000xi32, #tpu.memory_space<vmem>>
      %dma_wait3A_107 = arith.constant 0 : i32
      %dma_wait3A_108 = tpu.memref_slice %arg2[%add3A_11, %dma_wait3A_107] : memref<320000x8xf32, #tpu.memory_space<hbm>> -> memref<319969x8xf32, #tpu.memory_space<hbm>>
      %dma_wait3A_109 = arith.constant 0 : i32
      %dma_wait3A_110 = arith.constant 0 : i32
      %dma_wait3A_111 = tpu.memref_slice %dma_wait3A_108[%dma_wait3A_109, %dma_wait3A_110] : memref<319969x8xf32, #tpu.memory_space<hbm>> -> memref<319969x8xf32, #tpu.memory_space<hbm>>
      tpu.wait_indirect_dma semaphore(%arg12 : memref<!tpu.dma_semaphore, #tpu.memory_space<semaphore_mem>>) src(%dma_wait3A_111 : memref<319969x8xf32, #tpu.memory_space<hbm>>) dst(%dma_wait3A_103 : memref<2000x8xf32, #tpu.memory_space<vmem>>)
      %convert_element_type3A = arith.extui %lt3A_73 : i1 to i32
      %cond3A = arith.constant 0 : i32
      %cond3A_112 = arith.cmpi ne, %convert_element_type3A, %cond3A : i32
      scf.if %cond3A_112 {
        %add3A_167 = arith.constant 4000 : i32
        %add3A_168 = arith.addi %mul3A_71, %add3A_167 : i32
        %dma_start3A_169 = arith.constant 0 : i32
        %dma_start3A_170 = arith.constant 0 : i32
        %dma_start3A_171 = tpu.memref_slice %arg6[%dma_start3A_169, %dma_start3A_170] : memref<2x2000xi32, #tpu.memory_space<vmem>> -> memref<1x2000xi32, #tpu.memory_space<vmem>>
        %dma_start3A_172 = tpu.memref_squeeze %dma_start3A_171 : memref<1x2000xi32, #tpu.memory_space<vmem>> -> memref<2000xi32, #tpu.memory_space<vmem>>
        %dma_start3A_173 = tpu.memref_slice %arg3[%add3A_168] : memref<160000xi32, #tpu.memory_space<hbm>> -> memref<2000xi32, #tpu.memory_space<hbm>>
        %dma_start3A_174 = arith.constant 0 : i32
        %dma_start3A_175 = tpu.memref_slice %arg6[%dma_start3A_169, %dma_start3A_174] : memref<2x2000xi32, #tpu.memory_space<vmem>> -> memref<1x2000xi32, #tpu.memory_space<vmem>>
        %dma_start3A_176 = tpu.memref_squeeze %dma_start3A_175 : memref<1x2000xi32, #tpu.memory_space<vmem>> -> memref<2000xi32, #tpu.memory_space<vmem>>
        %dma_start3A_177 = tpu.memref_slice %arg3[%add3A_168] : memref<160000xi32, #tpu.memory_space<hbm>> -> memref<2000xi32, #tpu.memory_space<hbm>>
        tpu.enqueue_dma source(%dma_start3A_177 : memref<2000xi32, #tpu.memory_space<hbm>>) target(%dma_start3A_176 : memref<2000xi32, #tpu.memory_space<vmem>>) target_semaphore(%arg10 : memref<!tpu.dma_semaphore, #tpu.memory_space<semaphore_mem>>)
      } else {
      }
      %dma_wait3A_113 = arith.constant 0 : i32
      %dma_wait3A_114 = arith.constant 0 : i32
      %dma_wait3A_115 = tpu.memref_slice %arg7[%dma_wait3A_113, %dma_wait3A_114] : memref<2x2000xi32, #tpu.memory_space<vmem>> -> memref<1x2000xi32, #tpu.memory_space<vmem>>
      %dma_wait3A_116 = tpu.memref_squeeze %dma_wait3A_115 : memref<1x2000xi32, #tpu.memory_space<vmem>> -> memref<2000xi32, #tpu.memory_space<vmem>>
      %dma_wait3A_117 = tpu.memref_slice %arg4[%mul3A_71] : memref<160000xi32, #tpu.memory_space<hbm>> -> memref<2000xi32, #tpu.memory_space<hbm>>
      %dma_wait3A_118 = arith.constant 0 : i32
      %dma_wait3A_119 = tpu.memref_slice %arg7[%dma_wait3A_113, %dma_wait3A_118] : memref<2x2000xi32, #tpu.memory_space<vmem>> -> memref<1x2000xi32, #tpu.memory_space<vmem>>
      %dma_wait3A_120 = tpu.memref_squeeze %dma_wait3A_119 : memref<1x2000xi32, #tpu.memory_space<vmem>> -> memref<2000xi32, #tpu.memory_space<vmem>>
      %dma_wait3A_121 = tpu.memref_slice %arg4[%mul3A_71] : memref<160000xi32, #tpu.memory_space<hbm>> -> memref<2000xi32, #tpu.memory_space<hbm>>
      tpu.wait_dma2 semaphore(%arg14 : memref<!tpu.dma_semaphore, #tpu.memory_space<semaphore_mem>>) src(%dma_wait3A_121 : memref<2000xi32, #tpu.memory_space<hbm>>) dst(%dma_wait3A_120 : memref<2000xi32, #tpu.memory_space<vmem>>)
      %parallel_loop3A_122 = arith.constant 0 : i32
      %parallel_loop3A_123 = arith.constant 1000 : i32
      %parallel_loop3A_124 = arith.constant 1 : i32
      %parallel_loop3A_125 = arith.constant 0 : i32
      %parallel_loop3A_126 = arith.constant 0 : i32
      scf.for %parallel_loop3A_167 = %parallel_loop3A_122 to %parallel_loop3A_123 step %parallel_loop3A_124  : i32 {
        %parallel_loop3A_168 = arith.constant 2 : i32
        %parallel_loop3A_169 = arith.muli %parallel_loop3A_168, %parallel_loop3A_167 : i32
        %parallel_loop3A_170 = vector.broadcast %parallel_loop3A_169 : i32 to vector<16xi32>
        %parallel_loop3A_171 = arith.addi %shift_right_arithmetic3A_4, %parallel_loop3A_170 : vector<16xi32>
        %parallel_loop3A_172 = arith.constant 0 : i32
        %parallel_loop3A_173 = tpu.memref_slice %arg7[%parallel_loop3A_125, %parallel_loop3A_172] : memref<2x2000xi32, #tpu.memory_space<vmem>> -> memref<1x2000xi32, #tpu.memory_space<vmem>>
        %parallel_loop3A_174 = tpu.memref_squeeze %parallel_loop3A_173 : memref<1x2000xi32, #tpu.memory_space<vmem>> -> memref<2000xi32, #tpu.memory_space<vmem>>
        %parallel_loop3A_175 = tpu.vector_load_idx %parallel_loop3A_174[%parallel_loop3A_171] : memref<2000xi32, #tpu.memory_space<vmem>>[vector<16xi32>], vector<16xi32>,
        %parallel_loop3A_176 = arith.addi %parallel_loop3A_175, %and3A_2 : vector<16xi32>
        %parallel_loop3A_177 = arith.constant 0 : i32
        %parallel_loop3A_178 = arith.constant 0 : i32
        %parallel_loop3A_179 = tpu.memref_slice %arg8[%parallel_loop3A_126, %parallel_loop3A_177, %parallel_loop3A_178] : memref<2x2000x8xf32, #tpu.memory_space<vmem>> -> memref<1x2000x8xf32, #tpu.memory_space<vmem>>
        %parallel_loop3A_180 = tpu.memref_squeeze %parallel_loop3A_179 : memref<1x2000x8xf32, #tpu.memory_space<vmem>> -> memref<2000x8xf32, #tpu.memory_space<vmem>>
        %parallel_loop3A_181 = tpu.vector_load_idx %parallel_loop3A_180[%parallel_loop3A_171, %and3A_2] : memref<2000x8xf32, #tpu.memory_space<vmem>>[vector<16xi32>, vector<16xi32>], vector<16xf32>,
        tpu.vector_store_idx %arg9[%parallel_loop3A_176], %parallel_loop3A_181 {add = true} : memref<80000xf32, #tpu.memory_space<vmem>>[vector<16xi32>], vector<16xf32>,
      } {sc.loop_unroll_factor = 8 : i64, sc.parallel_access}
      %convert_element_type3A_127 = arith.extui %lt3A_73 : i1 to i32
      %cond3A_128 = arith.constant 0 : i32
      %cond3A_129 = arith.cmpi ne, %convert_element_type3A_127, %cond3A_128 : i32
      scf.if %cond3A_129 {
        %add3A_167 = arith.constant 4000 : i32
        %add3A_168 = arith.addi %mul3A_71, %add3A_167 : i32
        %dma_start3A_169 = arith.constant 0 : i32
        %dma_start3A_170 = arith.constant 0 : i32
        %dma_start3A_171 = tpu.memref_slice %arg7[%dma_start3A_169, %dma_start3A_170] : memref<2x2000xi32, #tpu.memory_space<vmem>> -> memref<1x2000xi32, #tpu.memory_space<vmem>>
        %dma_start3A_172 = tpu.memref_squeeze %dma_start3A_171 : memref<1x2000xi32, #tpu.memory_space<vmem>> -> memref<2000xi32, #tpu.memory_space<vmem>>
        %dma_start3A_173 = tpu.memref_slice %arg4[%add3A_168] : memref<160000xi32, #tpu.memory_space<hbm>> -> memref<2000xi32, #tpu.memory_space<hbm>>
        %dma_start3A_174 = arith.constant 0 : i32
        %dma_start3A_175 = tpu.memref_slice %arg7[%dma_start3A_169, %dma_start3A_174] : memref<2x2000xi32, #tpu.memory_space<vmem>> -> memref<1x2000xi32, #tpu.memory_space<vmem>>
        %dma_start3A_176 = tpu.memref_squeeze %dma_start3A_175 : memref<1x2000xi32, #tpu.memory_space<vmem>> -> memref<2000xi32, #tpu.memory_space<vmem>>
        %dma_start3A_177 = tpu.memref_slice %arg4[%add3A_168] : memref<160000xi32, #tpu.memory_space<hbm>> -> memref<2000xi32, #tpu.memory_space<hbm>>
        tpu.enqueue_dma source(%dma_start3A_177 : memref<2000xi32, #tpu.memory_space<hbm>>) target(%dma_start3A_176 : memref<2000xi32, #tpu.memory_space<vmem>>) target_semaphore(%arg14 : memref<!tpu.dma_semaphore, #tpu.memory_space<semaphore_mem>>)
        %add3A_178 = arith.constant 4000 : i32
        %add3A_179 = arith.addi %mul3A_71, %add3A_178 : i32
        %dma_wait3A_180 = arith.constant 0 : i32
        %dma_wait3A_181 = arith.constant 0 : i32
        %dma_wait3A_182 = tpu.memref_slice %arg6[%dma_wait3A_180, %dma_wait3A_181] : memref<2x2000xi32, #tpu.memory_space<vmem>> -> memref<1x2000xi32, #tpu.memory_space<vmem>>
        %dma_wait3A_183 = tpu.memref_squeeze %dma_wait3A_182 : memref<1x2000xi32, #tpu.memory_space<vmem>> -> memref<2000xi32, #tpu.memory_space<vmem>>
        %dma_wait3A_184 = tpu.memref_slice %arg3[%add3A_179] : memref<160000xi32, #tpu.memory_space<hbm>> -> memref<2000xi32, #tpu.memory_space<hbm>>
        %dma_wait3A_185 = arith.constant 0 : i32
        %dma_wait3A_186 = tpu.memref_slice %arg6[%dma_wait3A_180, %dma_wait3A_185] : memref<2x2000xi32, #tpu.memory_space<vmem>> -> memref<1x2000xi32, #tpu.memory_space<vmem>>
        %dma_wait3A_187 = tpu.memref_squeeze %dma_wait3A_186 : memref<1x2000xi32, #tpu.memory_space<vmem>> -> memref<2000xi32, #tpu.memory_space<vmem>>
        %dma_wait3A_188 = tpu.memref_slice %arg3[%add3A_179] : memref<160000xi32, #tpu.memory_space<hbm>> -> memref<2000xi32, #tpu.memory_space<hbm>>
        tpu.wait_dma2 semaphore(%arg10 : memref<!tpu.dma_semaphore, #tpu.memory_space<semaphore_mem>>) src(%dma_wait3A_188 : memref<2000xi32, #tpu.memory_space<hbm>>) dst(%dma_wait3A_187 : memref<2000xi32, #tpu.memory_space<vmem>>)
        %dma_start3A_189 = arith.constant 0 : i32
        %dma_start3A_190 = arith.constant 0 : i32
        %dma_start3A_191 = arith.constant 0 : i32
        %dma_start3A_192 = arith.constant 0 : i32
        %dma_start3A_193 = tpu.memref_slice %arg8[%dma_start3A_190, %dma_start3A_191, %dma_start3A_192] : memref<2x2000x8xf32, #tpu.memory_space<vmem>> -> memref<1x2000x8xf32, #tpu.memory_space<vmem>>
        %dma_start3A_194 = tpu.memref_squeeze %dma_start3A_193 : memref<1x2000x8xf32, #tpu.memory_space<vmem>> -> memref<2000x8xf32, #tpu.memory_space<vmem>>
        %dma_start3A_195 = arith.constant 0 : i32
        %dma_start3A_196 = tpu.memref_slice %arg6[%dma_start3A_189, %dma_start3A_195] : memref<2x2000xi32, #tpu.memory_space<vmem>> -> memref<1x2000xi32, #tpu.memory_space<vmem>>
        %dma_start3A_197 = tpu.memref_squeeze %dma_start3A_196 : memref<1x2000xi32, #tpu.memory_space<vmem>> -> memref<2000xi32, #tpu.memory_space<vmem>>
        %dma_start3A_198 = arith.constant 0 : i32
        %dma_start3A_199 = tpu.memref_slice %arg2[%add3A_11, %dma_start3A_198] : memref<320000x8xf32, #tpu.memory_space<hbm>> -> memref<319969x8xf32, #tpu.memory_space<hbm>>
        %dma_start3A_200 = arith.constant 0 : i32
        %dma_start3A_201 = arith.constant 0 : i32
        %dma_start3A_202 = tpu.memref_slice %dma_start3A_199[%dma_start3A_200, %dma_start3A_201] : memref<319969x8xf32, #tpu.memory_space<hbm>> -> memref<319969x8xf32, #tpu.memory_space<hbm>>
        tpu.enqueue_indirect_dma source(%dma_start3A_202 : memref<319969x8xf32, #tpu.memory_space<hbm>>) target(%dma_start3A_194 : memref<2000x8xf32, #tpu.memory_space<vmem>>) offsets(%dma_start3A_197 : memref<2000xi32, #tpu.memory_space<vmem>>) semaphore(%arg12 : memref<!tpu.dma_semaphore, #tpu.memory_space<semaphore_mem>>)
      } else {
      }
      %dma_wait3A_130 = arith.constant 1 : i32
      %dma_wait3A_131 = arith.constant 1 : i32
      %dma_wait3A_132 = arith.constant 0 : i32
      %dma_wait3A_133 = arith.constant 0 : i32
      %dma_wait3A_134 = tpu.memref_slice %arg8[%dma_wait3A_131, %dma_wait3A_132, %dma_wait3A_133] : memref<2x2000x8xf32, #tpu.memory_space<vmem>> -> memref<1x2000x8xf32, #tpu.memory_space<vmem>>
      %dma_wait3A_135 = tpu.memref_squeeze %dma_wait3A_134 : memref<1x2000x8xf32, #tpu.memory_space<vmem>> -> memref<2000x8xf32, #tpu.memory_space<vmem>>
      %dma_wait3A_136 = arith.constant 0 : i32
      %dma_wait3A_137 = tpu.memref_slice %arg6[%dma_wait3A_130, %dma_wait3A_136] : memref<2x2000xi32, #tpu.memory_space<vmem>> -> memref<1x2000xi32, #tpu.memory_space<vmem>>
      %dma_wait3A_138 = tpu.memref_squeeze %dma_wait3A_137 : memref<1x2000xi32, #tpu.memory_space<vmem>> -> memref<2000xi32, #tpu.memory_space<vmem>>
      %dma_wait3A_139 = arith.constant 0 : i32
      %dma_wait3A_140 = tpu.memref_slice %arg2[%add3A_11, %dma_wait3A_139] : memref<320000x8xf32, #tpu.memory_space<hbm>> -> memref<319969x8xf32, #tpu.memory_space<hbm>>
      %dma_wait3A_141 = arith.constant 0 : i32
      %dma_wait3A_142 = arith.constant 0 : i32
      %dma_wait3A_143 = tpu.memref_slice %dma_wait3A_140[%dma_wait3A_141, %dma_wait3A_142] : memref<319969x8xf32, #tpu.memory_space<hbm>> -> memref<319969x8xf32, #tpu.memory_space<hbm>>
      tpu.wait_indirect_dma semaphore(%arg13 : memref<!tpu.dma_semaphore, #tpu.memory_space<semaphore_mem>>) src(%dma_wait3A_143 : memref<319969x8xf32, #tpu.memory_space<hbm>>) dst(%dma_wait3A_135 : memref<2000x8xf32, #tpu.memory_space<vmem>>)
      %convert_element_type3A_144 = arith.extui %lt3A_73 : i1 to i32
      %cond3A_145 = arith.constant 0 : i32
      %cond3A_146 = arith.cmpi ne, %convert_element_type3A_144, %cond3A_145 : i32
      scf.if %cond3A_146 {
        %add3A_167 = arith.constant 6000 : i32
        %add3A_168 = arith.addi %mul3A_71, %add3A_167 : i32
        %dma_start3A_169 = arith.constant 1 : i32
        %dma_start3A_170 = arith.constant 0 : i32
        %dma_start3A_171 = tpu.memref_slice %arg6[%dma_start3A_169, %dma_start3A_170] : memref<2x2000xi32, #tpu.memory_space<vmem>> -> memref<1x2000xi32, #tpu.memory_space<vmem>>
        %dma_start3A_172 = tpu.memref_squeeze %dma_start3A_171 : memref<1x2000xi32, #tpu.memory_space<vmem>> -> memref<2000xi32, #tpu.memory_space<vmem>>
        %dma_start3A_173 = tpu.memref_slice %arg3[%add3A_168] : memref<160000xi32, #tpu.memory_space<hbm>> -> memref<2000xi32, #tpu.memory_space<hbm>>
        %dma_start3A_174 = arith.constant 0 : i32
        %dma_start3A_175 = tpu.memref_slice %arg6[%dma_start3A_169, %dma_start3A_174] : memref<2x2000xi32, #tpu.memory_space<vmem>> -> memref<1x2000xi32, #tpu.memory_space<vmem>>
        %dma_start3A_176 = tpu.memref_squeeze %dma_start3A_175 : memref<1x2000xi32, #tpu.memory_space<vmem>> -> memref<2000xi32, #tpu.memory_space<vmem>>
        %dma_start3A_177 = tpu.memref_slice %arg3[%add3A_168] : memref<160000xi32, #tpu.memory_space<hbm>> -> memref<2000xi32, #tpu.memory_space<hbm>>
        tpu.enqueue_dma source(%dma_start3A_177 : memref<2000xi32, #tpu.memory_space<hbm>>) target(%dma_start3A_176 : memref<2000xi32, #tpu.memory_space<vmem>>) target_semaphore(%arg11 : memref<!tpu.dma_semaphore, #tpu.memory_space<semaphore_mem>>)
      } else {
      }
      %add3A_147 = arith.constant 2000 : i32
      %add3A_148 = arith.addi %mul3A_71, %add3A_147 : i32
      %dma_wait3A_149 = arith.constant 1 : i32
      %dma_wait3A_150 = arith.constant 0 : i32
      %dma_wait3A_151 = tpu.memref_slice %arg7[%dma_wait3A_149, %dma_wait3A_150] : memref<2x2000xi32, #tpu.memory_space<vmem>> -> memref<1x2000xi32, #tpu.memory_space<vmem>>
      %dma_wait3A_152 = tpu.memref_squeeze %dma_wait3A_151 : memref<1x2000xi32, #tpu.memory_space<vmem>> -> memref<2000xi32, #tpu.memory_space<vmem>>
      %dma_wait3A_153 = tpu.memref_slice %arg4[%add3A_148] : memref<160000xi32, #tpu.memory_space<hbm>> -> memref<2000xi32, #tpu.memory_space<hbm>>
      %dma_wait3A_154 = arith.constant 0 : i32
      %dma_wait3A_155 = tpu.memref_slice %arg7[%dma_wait3A_149, %dma_wait3A_154] : memref<2x2000xi32, #tpu.memory_space<vmem>> -> memref<1x2000xi32, #tpu.memory_space<vmem>>
      %dma_wait3A_156 = tpu.memref_squeeze %dma_wait3A_155 : memref<1x2000xi32, #tpu.memory_space<vmem>> -> memref<2000xi32, #tpu.memory_space<vmem>>
      %dma_wait3A_157 = tpu.memref_slice %arg4[%add3A_148] : memref<160000xi32, #tpu.memory_space<hbm>> -> memref<2000xi32, #tpu.memory_space<hbm>>
      tpu.wait_dma2 semaphore(%arg15 : memref<!tpu.dma_semaphore, #tpu.memory_space<semaphore_mem>>) src(%dma_wait3A_157 : memref<2000xi32, #tpu.memory_space<hbm>>) dst(%dma_wait3A_156 : memref<2000xi32, #tpu.memory_space<vmem>>)
      %parallel_loop3A_158 = arith.constant 0 : i32
      %parallel_loop3A_159 = arith.constant 1000 : i32
      %parallel_loop3A_160 = arith.constant 1 : i32
      %parallel_loop3A_161 = arith.constant 1 : i32
      %parallel_loop3A_162 = arith.constant 1 : i32
      scf.for %parallel_loop3A_167 = %parallel_loop3A_158 to %parallel_loop3A_159 step %parallel_loop3A_160  : i32 {
        %parallel_loop3A_168 = arith.constant 2 : i32
        %parallel_loop3A_169 = arith.muli %parallel_loop3A_168, %parallel_loop3A_167 : i32
        %parallel_loop3A_170 = vector.broadcast %parallel_loop3A_169 : i32 to vector<16xi32>
        %parallel_loop3A_171 = arith.addi %shift_right_arithmetic3A_4, %parallel_loop3A_170 : vector<16xi32>
        %parallel_loop3A_172 = arith.constant 0 : i32
        %parallel_loop3A_173 = tpu.memref_slice %arg7[%parallel_loop3A_161, %parallel_loop3A_172] : memref<2x2000xi32, #tpu.memory_space<vmem>> -> memref<1x2000xi32, #tpu.memory_space<vmem>>
        %parallel_loop3A_174 = tpu.memref_squeeze %parallel_loop3A_173 : memref<1x2000xi32, #tpu.memory_space<vmem>> -> memref<2000xi32, #tpu.memory_space<vmem>>
        %parallel_loop3A_175 = tpu.vector_load_idx %parallel_loop3A_174[%parallel_loop3A_171] : memref<2000xi32, #tpu.memory_space<vmem>>[vector<16xi32>], vector<16xi32>,
        %parallel_loop3A_176 = arith.addi %parallel_loop3A_175, %and3A_2 : vector<16xi32>
        %parallel_loop3A_177 = arith.constant 0 : i32
        %parallel_loop3A_178 = arith.constant 0 : i32
        %parallel_loop3A_179 = tpu.memref_slice %arg8[%parallel_loop3A_162, %parallel_loop3A_177, %parallel_loop3A_178] : memref<2x2000x8xf32, #tpu.memory_space<vmem>> -> memref<1x2000x8xf32, #tpu.memory_space<vmem>>
        %parallel_loop3A_180 = tpu.memref_squeeze %parallel_loop3A_179 : memref<1x2000x8xf32, #tpu.memory_space<vmem>> -> memref<2000x8xf32, #tpu.memory_space<vmem>>
        %parallel_loop3A_181 = tpu.vector_load_idx %parallel_loop3A_180[%parallel_loop3A_171, %and3A_2] : memref<2000x8xf32, #tpu.memory_space<vmem>>[vector<16xi32>, vector<16xi32>], vector<16xf32>,
        tpu.vector_store_idx %arg9[%parallel_loop3A_176], %parallel_loop3A_181 {add = true} : memref<80000xf32, #tpu.memory_space<vmem>>[vector<16xi32>], vector<16xf32>,
      } {sc.loop_unroll_factor = 8 : i64, sc.parallel_access}
      %convert_element_type3A_163 = arith.extui %lt3A_73 : i1 to i32
      %cond3A_164 = arith.constant 0 : i32
      %cond3A_165 = arith.cmpi ne, %convert_element_type3A_163, %cond3A_164 : i32
      scf.if %cond3A_165 {
        %add3A_167 = arith.constant 6000 : i32
        %add3A_168 = arith.addi %mul3A_71, %add3A_167 : i32
        %dma_start3A_169 = arith.constant 1 : i32
        %dma_start3A_170 = arith.constant 0 : i32
        %dma_start3A_171 = tpu.memref_slice %arg7[%dma_start3A_169, %dma_start3A_170] : memref<2x2000xi32, #tpu.memory_space<vmem>> -> memref<1x2000xi32, #tpu.memory_space<vmem>>
        %dma_start3A_172 = tpu.memref_squeeze %dma_start3A_171 : memref<1x2000xi32, #tpu.memory_space<vmem>> -> memref<2000xi32, #tpu.memory_space<vmem>>
        %dma_start3A_173 = tpu.memref_slice %arg4[%add3A_168] : memref<160000xi32, #tpu.memory_space<hbm>> -> memref<2000xi32, #tpu.memory_space<hbm>>
        %dma_start3A_174 = arith.constant 0 : i32
        %dma_start3A_175 = tpu.memref_slice %arg7[%dma_start3A_169, %dma_start3A_174] : memref<2x2000xi32, #tpu.memory_space<vmem>> -> memref<1x2000xi32, #tpu.memory_space<vmem>>
        %dma_start3A_176 = tpu.memref_squeeze %dma_start3A_175 : memref<1x2000xi32, #tpu.memory_space<vmem>> -> memref<2000xi32, #tpu.memory_space<vmem>>
        %dma_start3A_177 = tpu.memref_slice %arg4[%add3A_168] : memref<160000xi32, #tpu.memory_space<hbm>> -> memref<2000xi32, #tpu.memory_space<hbm>>
        tpu.enqueue_dma source(%dma_start3A_177 : memref<2000xi32, #tpu.memory_space<hbm>>) target(%dma_start3A_176 : memref<2000xi32, #tpu.memory_space<vmem>>) target_semaphore(%arg15 : memref<!tpu.dma_semaphore, #tpu.memory_space<semaphore_mem>>)
      } else {
      }
      %scan3A_166 = arith.constant 0 : i32
      scf.yield %scan3A_166 : i32
    }
    %scan3A_65 = arith.constant 40 : i32
    "tpu.region"() ({
      %run_scoped3A_66 = tpu.sem_alloc : memref<!tpu.dma_semaphore, #tpu.memory_space<semaphore_mem>>
      %dma_start3A_67 = arith.constant 0 : i32
      %dma_start3A_68 = tpu.memref_slice %arg5[%add3A_11, %dma_start3A_67] : memref<32x80000xf32, #tpu.memory_space<hbm>> -> memref<1x80000xf32, #tpu.memory_space<hbm>>
      %dma_start3A_69 = tpu.memref_squeeze %dma_start3A_68 : memref<1x80000xf32, #tpu.memory_space<hbm>> -> memref<80000xf32, #tpu.memory_space<hbm>>
      %dma_start3A_70 = arith.constant 0 : i32
      %dma_start3A_71 = tpu.memref_slice %arg5[%add3A_11, %dma_start3A_70] : memref<32x80000xf32, #tpu.memory_space<hbm>> -> memref<1x80000xf32, #tpu.memory_space<hbm>>
      %dma_start3A_72 = tpu.memref_squeeze %dma_start3A_71 : memref<1x80000xf32, #tpu.memory_space<hbm>> -> memref<80000xf32, #tpu.memory_space<hbm>>
      tpu.enqueue_dma source(%arg9 : memref<80000xf32, #tpu.memory_space<vmem>>) target(%dma_start3A_72 : memref<80000xf32, #tpu.memory_space<hbm>>) target_semaphore(%run_scoped3A_66 : memref<!tpu.dma_semaphore, #tpu.memory_space<semaphore_mem>>)
      %dma_wait3A = arith.constant 0 : i32
      %dma_wait3A_73 = tpu.memref_slice %arg5[%add3A_11, %dma_wait3A] : memref<32x80000xf32, #tpu.memory_space<hbm>> -> memref<1x80000xf32, #tpu.memory_space<hbm>>
      %dma_wait3A_74 = tpu.memref_squeeze %dma_wait3A_73 : memref<1x80000xf32, #tpu.memory_space<hbm>> -> memref<80000xf32, #tpu.memory_space<hbm>>
      %dma_wait3A_75 = arith.constant 0 : i32
      %dma_wait3A_76 = tpu.memref_slice %arg5[%add3A_11, %dma_wait3A_75] : memref<32x80000xf32, #tpu.memory_space<hbm>> -> memref<1x80000xf32, #tpu.memory_space<hbm>>
      %dma_wait3A_77 = tpu.memref_squeeze %dma_wait3A_76 : memref<1x80000xf32, #tpu.memory_space<hbm>> -> memref<80000xf32, #tpu.memory_space<hbm>>
      tpu.wait_dma2 semaphore(%run_scoped3A_66 : memref<!tpu.dma_semaphore, #tpu.memory_space<semaphore_mem>>) src(%arg9 : memref<80000xf32, #tpu.memory_space<vmem>>) dst(%dma_wait3A_77 : memref<80000xf32, #tpu.memory_space<hbm>>)
      tpu.yield
    }) : () -> ()
    return
  }
}

#map = affine_map<(d0, d1) -> (0)>
#map1 = affine_map<(d0, d1) -> (0, 0)>
module attributes {stable_mosaic.version = 14 : i64} {
  func.func @_deg_kernel(%arg0: i32, %arg1: i32, %arg2: memref<160000xi32, #tpu.memory_space<hbm>>, %arg3: memref<160000xi32, #tpu.memory_space<hbm>>, %arg4: memref<32x10000xf32, #tpu.memory_space<hbm>>, %arg5: memref<160000xi32, #tpu.memory_space<hbm>>, %arg6: memref<160000xi32, #tpu.memory_space<hbm>>, %arg7: memref<5016xi32, #tpu.memory_space<vmem>>, %arg8: memref<5016xi32, #tpu.memory_space<vmem>>, %arg9: memref<5016xi32, #tpu.memory_space<vmem>>, %arg10: memref<80000xf32, #tpu.memory_space<vmem>>) attributes {dimension_semantics = [#tpu.dimension_semantics<core_parallel>, #tpu.dimension_semantics<subcore_parallel>], iteration_bounds = array<i64: 2, 16>, scalar_prefetch = 0 : i64, scratch_operands = 4 : i64, tpu.core_type = #tpu.core_type<sc_vector_subcore>, window_params = [{transform_indices = #map}, {transform_indices = #map}, {transform_indices = #map1}, {transform_indices = #map}, {transform_indices = #map}]} {
    %mul3A = arith.constant 2 : i32
    %mul3A_0 = arith.muli %arg1, %mul3A : i32
    %add3A = arith.addi %mul3A_0, %arg0 : i32
    %mul3A_1 = arith.constant 5000 : i32
    %mul3A_2 = arith.muli %add3A, %mul3A_1 : i32
    "tpu.region"() ({
      %run_scoped3A = tpu.sem_alloc : memref<!tpu.dma_semaphore, #tpu.memory_space<semaphore_mem>>
      %dma_start3A = arith.constant 0 : i32
      %dma_start3A_36 = tpu.memref_slice %arg7[%dma_start3A] : memref<5016xi32, #tpu.memory_space<vmem>> -> memref<5000xi32, #tpu.memory_space<vmem>>
      %dma_start3A_37 = tpu.memref_slice %arg2[%mul3A_2] : memref<160000xi32, #tpu.memory_space<hbm>> -> memref<5000xi32, #tpu.memory_space<hbm>>
      %dma_start3A_38 = arith.constant 0 : i32
      %dma_start3A_39 = tpu.memref_slice %arg7[%dma_start3A_38] : memref<5016xi32, #tpu.memory_space<vmem>> -> memref<5000xi32, #tpu.memory_space<vmem>>
      %dma_start3A_40 = tpu.memref_slice %arg2[%mul3A_2] : memref<160000xi32, #tpu.memory_space<hbm>> -> memref<5000xi32, #tpu.memory_space<hbm>>
      tpu.enqueue_dma source(%dma_start3A_40 : memref<5000xi32, #tpu.memory_space<hbm>>) target(%dma_start3A_39 : memref<5000xi32, #tpu.memory_space<vmem>>) target_semaphore(%run_scoped3A : memref<!tpu.dma_semaphore, #tpu.memory_space<semaphore_mem>>)
      %dma_wait3A = arith.constant 0 : i32
      %dma_wait3A_41 = tpu.memref_slice %arg7[%dma_wait3A] : memref<5016xi32, #tpu.memory_space<vmem>> -> memref<5000xi32, #tpu.memory_space<vmem>>
      %dma_wait3A_42 = tpu.memref_slice %arg2[%mul3A_2] : memref<160000xi32, #tpu.memory_space<hbm>> -> memref<5000xi32, #tpu.memory_space<hbm>>
      %dma_wait3A_43 = arith.constant 0 : i32
      %dma_wait3A_44 = tpu.memref_slice %arg7[%dma_wait3A_43] : memref<5016xi32, #tpu.memory_space<vmem>> -> memref<5000xi32, #tpu.memory_space<vmem>>
      %dma_wait3A_45 = tpu.memref_slice %arg2[%mul3A_2] : memref<160000xi32, #tpu.memory_space<hbm>> -> memref<5000xi32, #tpu.memory_space<hbm>>
      tpu.wait_dma2 semaphore(%run_scoped3A : memref<!tpu.dma_semaphore, #tpu.memory_space<semaphore_mem>>) src(%dma_wait3A_45 : memref<5000xi32, #tpu.memory_space<hbm>>) dst(%dma_wait3A_44 : memref<5000xi32, #tpu.memory_space<vmem>>)
      tpu.yield
    }) : () -> ()
    "tpu.region"() ({
      %run_scoped3A = tpu.sem_alloc : memref<!tpu.dma_semaphore, #tpu.memory_space<semaphore_mem>>
      %dma_start3A = arith.constant 0 : i32
      %dma_start3A_36 = tpu.memref_slice %arg8[%dma_start3A] : memref<5016xi32, #tpu.memory_space<vmem>> -> memref<5000xi32, #tpu.memory_space<vmem>>
      %dma_start3A_37 = tpu.memref_slice %arg3[%mul3A_2] : memref<160000xi32, #tpu.memory_space<hbm>> -> memref<5000xi32, #tpu.memory_space<hbm>>
      %dma_start3A_38 = arith.constant 0 : i32
      %dma_start3A_39 = tpu.memref_slice %arg8[%dma_start3A_38] : memref<5016xi32, #tpu.memory_space<vmem>> -> memref<5000xi32, #tpu.memory_space<vmem>>
      %dma_start3A_40 = tpu.memref_slice %arg3[%mul3A_2] : memref<160000xi32, #tpu.memory_space<hbm>> -> memref<5000xi32, #tpu.memory_space<hbm>>
      tpu.enqueue_dma source(%dma_start3A_40 : memref<5000xi32, #tpu.memory_space<hbm>>) target(%dma_start3A_39 : memref<5000xi32, #tpu.memory_space<vmem>>) target_semaphore(%run_scoped3A : memref<!tpu.dma_semaphore, #tpu.memory_space<semaphore_mem>>)
      %dma_wait3A = arith.constant 0 : i32
      %dma_wait3A_41 = tpu.memref_slice %arg8[%dma_wait3A] : memref<5016xi32, #tpu.memory_space<vmem>> -> memref<5000xi32, #tpu.memory_space<vmem>>
      %dma_wait3A_42 = tpu.memref_slice %arg3[%mul3A_2] : memref<160000xi32, #tpu.memory_space<hbm>> -> memref<5000xi32, #tpu.memory_space<hbm>>
      %dma_wait3A_43 = arith.constant 0 : i32
      %dma_wait3A_44 = tpu.memref_slice %arg8[%dma_wait3A_43] : memref<5016xi32, #tpu.memory_space<vmem>> -> memref<5000xi32, #tpu.memory_space<vmem>>
      %dma_wait3A_45 = tpu.memref_slice %arg3[%mul3A_2] : memref<160000xi32, #tpu.memory_space<hbm>> -> memref<5000xi32, #tpu.memory_space<hbm>>
      tpu.wait_dma2 semaphore(%run_scoped3A : memref<!tpu.dma_semaphore, #tpu.memory_space<semaphore_mem>>) src(%dma_wait3A_45 : memref<5000xi32, #tpu.memory_space<hbm>>) dst(%dma_wait3A_44 : memref<5000xi32, #tpu.memory_space<vmem>>)
      tpu.yield
    }) : () -> ()
    %iota3A = tpu.iota {dimensions = array<i32: 0>} : vector<16xi32>
    %and3A = arith.constant 7 : i32
    %and3A_3 = vector.broadcast %and3A : i32 to vector<16xi32>
    %and3A_4 = arith.andi %iota3A, %and3A_3 : vector<16xi32>
    %mul3A_5 = arith.constant 10000 : i32
    %mul3A_6 = vector.broadcast %mul3A_5 : i32 to vector<16xi32>
    %mul3A_7 = arith.muli %and3A_4, %mul3A_6 : vector<16xi32>
    %lt3A = arith.constant 8 : i32
    %lt3A_8 = vector.broadcast %lt3A : i32 to vector<16xi32>
    %lt3A_9 = arith.cmpi slt, %iota3A, %lt3A_8 : vector<16xi32>
    %ge3A = arith.constant 8 : i32
    %ge3A_10 = vector.broadcast %ge3A : i32 to vector<16xi32>
    %ge3A_11 = arith.cmpi sge, %iota3A, %ge3A_10 : vector<16xi32>
    %broadcast_in_dim3A = arith.constant 1.000000e+00 : f32
    %broadcast_in_dim3A_12 = vector.broadcast %broadcast_in_dim3A : f32 to vector<16xf32>
    %broadcast_in_dim3A_13 = arith.constant 0.000000e+00 : f32
    %broadcast_in_dim3A_14 = vector.broadcast %broadcast_in_dim3A_13 : f32 to vector<16xf32>
    %parallel_loop3A = arith.constant 0 : i32
    %parallel_loop3A_15 = arith.constant 5000 : i32
    %parallel_loop3A_16 = arith.constant 1 : i32
    scf.for %parallel_loop3A_36 = %parallel_loop3A to %parallel_loop3A_15 step %parallel_loop3A_16  : i32 {
      %parallel_loop3A_37 = arith.constant 16 : i32
      %parallel_loop3A_38 = arith.muli %parallel_loop3A_36, %parallel_loop3A_37 : i32
      %parallel_loop3A_39 = arith.index_cast %parallel_loop3A_38 : i32 to index
      %parallel_loop3A_40 = tpu.vector_load %arg10[%parallel_loop3A_39] {strides = array<i32>} : memref<80000xf32, #tpu.memory_space<vmem>>, vector<16xf32>,
      tpu.vector_store %arg10[%parallel_loop3A_39], %broadcast_in_dim3A_14 {strides = array<i32>} : memref<80000xf32, #tpu.memory_space<vmem>>, vector<16xf32>,
    } {sc.loop_unroll_factor = 8 : i64, sc.parallel_access}
    %parallel_loop3A_17 = arith.constant 0 : i32
    %parallel_loop3A_18 = arith.constant 312 : i32
    %parallel_loop3A_19 = arith.constant 1 : i32
    scf.for %parallel_loop3A_36 = %parallel_loop3A_17 to %parallel_loop3A_18 step %parallel_loop3A_19  : i32 {
      %parallel_loop3A_37 = arith.constant 16 : i32
      %parallel_loop3A_38 = arith.muli %parallel_loop3A_36, %parallel_loop3A_37 : i32
      %parallel_loop3A_39 = arith.index_cast %parallel_loop3A_38 : i32 to index
      %parallel_loop3A_40 = tpu.vector_load %arg7[%parallel_loop3A_39] {strides = array<i32>} : memref<5016xi32, #tpu.memory_space<vmem>>, vector<16xi32>,
      %parallel_loop3A_41 = arith.constant 32 : i32
      %parallel_loop3A_42 = vector.broadcast %parallel_loop3A_41 : i32 to vector<16xi32>
      %parallel_loop3A_43 = arith.muli %parallel_loop3A_40, %parallel_loop3A_42 : vector<16xi32>
      %parallel_loop3A_44 = arith.index_cast %parallel_loop3A_38 : i32 to index
      %parallel_loop3A_45 = tpu.vector_load %arg7[%parallel_loop3A_44] {strides = array<i32>} : memref<5016xi32, #tpu.memory_space<vmem>>, vector<16xi32>,
      tpu.vector_store %arg7[%parallel_loop3A_44], %parallel_loop3A_43 {strides = array<i32>} : memref<5016xi32, #tpu.memory_space<vmem>>, vector<16xi32>,
      %parallel_loop3A_46 = arith.index_cast %parallel_loop3A_38 : i32 to index
      %parallel_loop3A_47 = tpu.vector_load %arg8[%parallel_loop3A_46] {strides = array<i32>} : memref<5016xi32, #tpu.memory_space<vmem>>, vector<16xi32>,
      %parallel_loop3A_48 = arith.constant 8 : i32
      %parallel_loop3A_49 = vector.broadcast %parallel_loop3A_48 : i32 to vector<16xi32>
      %parallel_loop3A_50 = arith.muli %parallel_loop3A_47, %parallel_loop3A_49 : vector<16xi32>
      %parallel_loop3A_51 = arith.index_cast %parallel_loop3A_38 : i32 to index
      %parallel_loop3A_52 = tpu.vector_load %arg9[%parallel_loop3A_51] {strides = array<i32>} : memref<5016xi32, #tpu.memory_space<vmem>>, vector<16xi32>,
      tpu.vector_store %arg9[%parallel_loop3A_51], %parallel_loop3A_50 {strides = array<i32>} : memref<5016xi32, #tpu.memory_space<vmem>>, vector<16xi32>,
      %parallel_loop3A_53 = arith.addi %parallel_loop3A_47, %mul3A_7 : vector<16xi32>
      tpu.vector_store_idx %arg10[%parallel_loop3A_53], %broadcast_in_dim3A_12 masked %lt3A_9 {add = true} : memref<80000xf32, #tpu.memory_space<vmem>>[vector<16xi32>], vector<16xf32>, vector<16xi1>
      tpu.vector_store_idx %arg10[%parallel_loop3A_53], %broadcast_in_dim3A_12 masked %ge3A_11 {add = true} : memref<80000xf32, #tpu.memory_space<vmem>>[vector<16xi32>], vector<16xf32>, vector<16xi1>
    } {sc.loop_unroll_factor = 8 : i64, sc.parallel_access}
    %get3A = arith.constant 4992 : index
    %get3A_20 = tpu.vector_load %arg7[%get3A] {strides = array<i32>} : memref<5016xi32, #tpu.memory_space<vmem>>, vector<16xi32>,
    %mul3A_21 = arith.constant 32 : i32
    %mul3A_22 = vector.broadcast %mul3A_21 : i32 to vector<16xi32>
    %mul3A_23 = arith.muli %get3A_20, %mul3A_22 : vector<16xi32>
    %swap3A = arith.constant 4992 : index
    %swap3A_24 = tpu.vector_load %arg7[%swap3A] {strides = array<i32>} : memref<5016xi32, #tpu.memory_space<vmem>>, vector<16xi32>,
    tpu.vector_store %arg7[%swap3A], %mul3A_23 {strides = array<i32>} : memref<5016xi32, #tpu.memory_space<vmem>>, vector<16xi32>,
    %get3A_25 = arith.constant 4992 : index
    %get3A_26 = tpu.vector_load %arg8[%get3A_25] {strides = array<i32>} : memref<5016xi32, #tpu.memory_space<vmem>>, vector<16xi32>,
    %mul3A_27 = arith.constant 8 : i32
    %mul3A_28 = vector.broadcast %mul3A_27 : i32 to vector<16xi32>
    %mul3A_29 = arith.muli %get3A_26, %mul3A_28 : vector<16xi32>
    %swap3A_30 = arith.constant 4992 : index
    %swap3A_31 = tpu.vector_load %arg9[%swap3A_30] {strides = array<i32>} : memref<5016xi32, #tpu.memory_space<vmem>>, vector<16xi32>,
    tpu.vector_store %arg9[%swap3A_30], %mul3A_29 {strides = array<i32>} : memref<5016xi32, #tpu.memory_space<vmem>>, vector<16xi32>,
    %add3A_32 = arith.addi %get3A_26, %mul3A_7 : vector<16xi32>
    tpu.vector_store_idx %arg10[%add3A_32], %broadcast_in_dim3A_12 masked %lt3A_9 {add = true} : memref<80000xf32, #tpu.memory_space<vmem>>[vector<16xi32>], vector<16xf32>, vector<16xi1>
    %parallel_loop3A_33 = arith.constant 0 : i32
    %parallel_loop3A_34 = arith.constant 625 : i32
    %parallel_loop3A_35 = arith.constant 1 : i32
    scf.for %parallel_loop3A_36 = %parallel_loop3A_33 to %parallel_loop3A_34 step %parallel_loop3A_35  : i32 {
      %parallel_loop3A_37 = arith.constant 16 : i32
      %parallel_loop3A_38 = arith.muli %parallel_loop3A_36, %parallel_loop3A_37 : i32
      %parallel_loop3A_39 = arith.index_cast %parallel_loop3A_38 : i32 to index
      %parallel_loop3A_40 = tpu.vector_load %arg10[%parallel_loop3A_39] {strides = array<i32>} : memref<80000xf32, #tpu.memory_space<vmem>>, vector<16xf32>,
      %parallel_loop3A_41 = arith.constant 16 : i32
      %parallel_loop3A_42 = arith.muli %parallel_loop3A_36, %parallel_loop3A_41 : i32
      %parallel_loop3A_43 = arith.constant 10000 : i32
      %parallel_loop3A_44 = arith.addi %parallel_loop3A_43, %parallel_loop3A_42 : i32
      %parallel_loop3A_45 = arith.index_cast %parallel_loop3A_44 : i32 to index
      %parallel_loop3A_46 = tpu.vector_load %arg10[%parallel_loop3A_45] {strides = array<i32>} : memref<80000xf32, #tpu.memory_space<vmem>>, vector<16xf32>,
      %parallel_loop3A_47 = arith.addf %parallel_loop3A_40, %parallel_loop3A_46 : vector<16xf32>
      %parallel_loop3A_48 = arith.constant 16 : i32
      %parallel_loop3A_49 = arith.muli %parallel_loop3A_36, %parallel_loop3A_48 : i32
      %parallel_loop3A_50 = arith.constant 20000 : i32
      %parallel_loop3A_51 = arith.addi %parallel_loop3A_50, %parallel_loop3A_49 : i32
      %parallel_loop3A_52 = arith.index_cast %parallel_loop3A_51 : i32 to index
      %parallel_loop3A_53 = tpu.vector_load %arg10[%parallel_loop3A_52] {strides = array<i32>} : memref<80000xf32, #tpu.memory_space<vmem>>, vector<16xf32>,
      %parallel_loop3A_54 = arith.addf %parallel_loop3A_47, %parallel_loop3A_53 : vector<16xf32>
      %parallel_loop3A_55 = arith.constant 16 : i32
      %parallel_loop3A_56 = arith.muli %parallel_loop3A_36, %parallel_loop3A_55 : i32
      %parallel_loop3A_57 = arith.constant 30000 : i32
      %parallel_loop3A_58 = arith.addi %parallel_loop3A_57, %parallel_loop3A_56 : i32
      %parallel_loop3A_59 = arith.index_cast %parallel_loop3A_58 : i32 to index
      %parallel_loop3A_60 = tpu.vector_load %arg10[%parallel_loop3A_59] {strides = array<i32>} : memref<80000xf32, #tpu.memory_space<vmem>>, vector<16xf32>,
      %parallel_loop3A_61 = arith.addf %parallel_loop3A_54, %parallel_loop3A_60 : vector<16xf32>
      %parallel_loop3A_62 = arith.constant 16 : i32
      %parallel_loop3A_63 = arith.muli %parallel_loop3A_36, %parallel_loop3A_62 : i32
      %parallel_loop3A_64 = arith.constant 40000 : i32
      %parallel_loop3A_65 = arith.addi %parallel_loop3A_64, %parallel_loop3A_63 : i32
      %parallel_loop3A_66 = arith.index_cast %parallel_loop3A_65 : i32 to index
      %parallel_loop3A_67 = tpu.vector_load %arg10[%parallel_loop3A_66] {strides = array<i32>} : memref<80000xf32, #tpu.memory_space<vmem>>, vector<16xf32>,
      %parallel_loop3A_68 = arith.addf %parallel_loop3A_61, %parallel_loop3A_67 : vector<16xf32>
      %parallel_loop3A_69 = arith.constant 16 : i32
      %parallel_loop3A_70 = arith.muli %parallel_loop3A_36, %parallel_loop3A_69 : i32
      %parallel_loop3A_71 = arith.constant 50000 : i32
      %parallel_loop3A_72 = arith.addi %parallel_loop3A_71, %parallel_loop3A_70 : i32
      %parallel_loop3A_73 = arith.index_cast %parallel_loop3A_72 : i32 to index
      %parallel_loop3A_74 = tpu.vector_load %arg10[%parallel_loop3A_73] {strides = array<i32>} : memref<80000xf32, #tpu.memory_space<vmem>>, vector<16xf32>,
      %parallel_loop3A_75 = arith.addf %parallel_loop3A_68, %parallel_loop3A_74 : vector<16xf32>
      %parallel_loop3A_76 = arith.constant 16 : i32
      %parallel_loop3A_77 = arith.muli %parallel_loop3A_36, %parallel_loop3A_76 : i32
      %parallel_loop3A_78 = arith.constant 60000 : i32
      %parallel_loop3A_79 = arith.addi %parallel_loop3A_78, %parallel_loop3A_77 : i32
      %parallel_loop3A_80 = arith.index_cast %parallel_loop3A_79 : i32 to index
      %parallel_loop3A_81 = tpu.vector_load %arg10[%parallel_loop3A_80] {strides = array<i32>} : memref<80000xf32, #tpu.memory_space<vmem>>, vector<16xf32>,
      %parallel_loop3A_82 = arith.addf %parallel_loop3A_75, %parallel_loop3A_81 : vector<16xf32>
      %parallel_loop3A_83 = arith.constant 16 : i32
      %parallel_loop3A_84 = arith.muli %parallel_loop3A_36, %parallel_loop3A_83 : i32
      %parallel_loop3A_85 = arith.constant 70000 : i32
      %parallel_loop3A_86 = arith.addi %parallel_loop3A_85, %parallel_loop3A_84 : i32
      %parallel_loop3A_87 = arith.index_cast %parallel_loop3A_86 : i32 to index
      %parallel_loop3A_88 = tpu.vector_load %arg10[%parallel_loop3A_87] {strides = array<i32>} : memref<80000xf32, #tpu.memory_space<vmem>>, vector<16xf32>,
      %parallel_loop3A_89 = arith.addf %parallel_loop3A_82, %parallel_loop3A_88 : vector<16xf32>
      %parallel_loop3A_90 = arith.constant 16 : i32
      %parallel_loop3A_91 = arith.muli %parallel_loop3A_36, %parallel_loop3A_90 : i32
      %parallel_loop3A_92 = arith.index_cast %parallel_loop3A_91 : i32 to index
      %parallel_loop3A_93 = tpu.vector_load %arg10[%parallel_loop3A_92] {strides = array<i32>} : memref<80000xf32, #tpu.memory_space<vmem>>, vector<16xf32>,
      tpu.vector_store %arg10[%parallel_loop3A_92], %parallel_loop3A_89 {strides = array<i32>} : memref<80000xf32, #tpu.memory_space<vmem>>, vector<16xf32>,
    } {sc.loop_unroll_factor = 4 : i64, sc.parallel_access}
    "tpu.region"() ({
      %run_scoped3A = tpu.sem_alloc : memref<!tpu.dma_semaphore, #tpu.memory_space<semaphore_mem>>
      %dma_start3A = arith.constant 0 : i32
      %dma_start3A_36 = tpu.memref_slice %arg7[%dma_start3A] : memref<5016xi32, #tpu.memory_space<vmem>> -> memref<5000xi32, #tpu.memory_space<vmem>>
      %dma_start3A_37 = tpu.memref_slice %arg5[%mul3A_2] : memref<160000xi32, #tpu.memory_space<hbm>> -> memref<5000xi32, #tpu.memory_space<hbm>>
      %dma_start3A_38 = tpu.memref_slice %arg5[%mul3A_2] : memref<160000xi32, #tpu.memory_space<hbm>> -> memref<5000xi32, #tpu.memory_space<hbm>>
      %dma_start3A_39 = arith.constant 0 : i32
      %dma_start3A_40 = tpu.memref_slice %arg7[%dma_start3A_39] : memref<5016xi32, #tpu.memory_space<vmem>> -> memref<5000xi32, #tpu.memory_space<vmem>>
      tpu.enqueue_dma source(%dma_start3A_40 : memref<5000xi32, #tpu.memory_space<vmem>>) target(%dma_start3A_38 : memref<5000xi32, #tpu.memory_space<hbm>>) target_semaphore(%run_scoped3A : memref<!tpu.dma_semaphore, #tpu.memory_space<semaphore_mem>>)
      %dma_wait3A = arith.constant 0 : i32
      %dma_wait3A_41 = tpu.memref_slice %arg7[%dma_wait3A] : memref<5016xi32, #tpu.memory_space<vmem>> -> memref<5000xi32, #tpu.memory_space<vmem>>
      %dma_wait3A_42 = tpu.memref_slice %arg5[%mul3A_2] : memref<160000xi32, #tpu.memory_space<hbm>> -> memref<5000xi32, #tpu.memory_space<hbm>>
      %dma_wait3A_43 = tpu.memref_slice %arg5[%mul3A_2] : memref<160000xi32, #tpu.memory_space<hbm>> -> memref<5000xi32, #tpu.memory_space<hbm>>
      %dma_wait3A_44 = arith.constant 0 : i32
      %dma_wait3A_45 = tpu.memref_slice %arg7[%dma_wait3A_44] : memref<5016xi32, #tpu.memory_space<vmem>> -> memref<5000xi32, #tpu.memory_space<vmem>>
      tpu.wait_dma2 semaphore(%run_scoped3A : memref<!tpu.dma_semaphore, #tpu.memory_space<semaphore_mem>>) src(%dma_wait3A_45 : memref<5000xi32, #tpu.memory_space<vmem>>) dst(%dma_wait3A_43 : memref<5000xi32, #tpu.memory_space<hbm>>)
      tpu.yield
    }) : () -> ()
    "tpu.region"() ({
      %run_scoped3A = tpu.sem_alloc : memref<!tpu.dma_semaphore, #tpu.memory_space<semaphore_mem>>
      %dma_start3A = arith.constant 0 : i32
      %dma_start3A_36 = tpu.memref_slice %arg9[%dma_start3A] : memref<5016xi32, #tpu.memory_space<vmem>> -> memref<5000xi32, #tpu.memory_space<vmem>>
      %dma_start3A_37 = tpu.memref_slice %arg6[%mul3A_2] : memref<160000xi32, #tpu.memory_space<hbm>> -> memref<5000xi32, #tpu.memory_space<hbm>>
      %dma_start3A_38 = tpu.memref_slice %arg6[%mul3A_2] : memref<160000xi32, #tpu.memory_space<hbm>> -> memref<5000xi32, #tpu.memory_space<hbm>>
      %dma_start3A_39 = arith.constant 0 : i32
      %dma_start3A_40 = tpu.memref_slice %arg9[%dma_start3A_39] : memref<5016xi32, #tpu.memory_space<vmem>> -> memref<5000xi32, #tpu.memory_space<vmem>>
      tpu.enqueue_dma source(%dma_start3A_40 : memref<5000xi32, #tpu.memory_space<vmem>>) target(%dma_start3A_38 : memref<5000xi32, #tpu.memory_space<hbm>>) target_semaphore(%run_scoped3A : memref<!tpu.dma_semaphore, #tpu.memory_space<semaphore_mem>>)
      %dma_wait3A = arith.constant 0 : i32
      %dma_wait3A_41 = tpu.memref_slice %arg9[%dma_wait3A] : memref<5016xi32, #tpu.memory_space<vmem>> -> memref<5000xi32, #tpu.memory_space<vmem>>
      %dma_wait3A_42 = tpu.memref_slice %arg6[%mul3A_2] : memref<160000xi32, #tpu.memory_space<hbm>> -> memref<5000xi32, #tpu.memory_space<hbm>>
      %dma_wait3A_43 = tpu.memref_slice %arg6[%mul3A_2] : memref<160000xi32, #tpu.memory_space<hbm>> -> memref<5000xi32, #tpu.memory_space<hbm>>
      %dma_wait3A_44 = arith.constant 0 : i32
      %dma_wait3A_45 = tpu.memref_slice %arg9[%dma_wait3A_44] : memref<5016xi32, #tpu.memory_space<vmem>> -> memref<5000xi32, #tpu.memory_space<vmem>>
      tpu.wait_dma2 semaphore(%run_scoped3A : memref<!tpu.dma_semaphore, #tpu.memory_space<semaphore_mem>>) src(%dma_wait3A_45 : memref<5000xi32, #tpu.memory_space<vmem>>) dst(%dma_wait3A_43 : memref<5000xi32, #tpu.memory_space<hbm>>)
      tpu.yield
    }) : () -> ()
    "tpu.region"() ({
      %run_scoped3A = tpu.sem_alloc : memref<!tpu.dma_semaphore, #tpu.memory_space<semaphore_mem>>
      %dma_start3A = arith.constant 0 : i32
      %dma_start3A_36 = tpu.memref_slice %arg10[%dma_start3A] : memref<80000xf32, #tpu.memory_space<vmem>> -> memref<10000xf32, #tpu.memory_space<vmem>>
      %dma_start3A_37 = arith.constant 0 : i32
      %dma_start3A_38 = tpu.memref_slice %arg4[%add3A, %dma_start3A_37] : memref<32x10000xf32, #tpu.memory_space<hbm>> -> memref<1x10000xf32, #tpu.memory_space<hbm>>
      %dma_start3A_39 = tpu.memref_squeeze %dma_start3A_38 : memref<1x10000xf32, #tpu.memory_space<hbm>> -> memref<10000xf32, #tpu.memory_space<hbm>>
      %dma_start3A_40 = arith.constant 0 : i32
      %dma_start3A_41 = tpu.memref_slice %arg4[%add3A, %dma_start3A_40] : memref<32x10000xf32, #tpu.memory_space<hbm>> -> memref<1x10000xf32, #tpu.memory_space<hbm>>
      %dma_start3A_42 = tpu.memref_squeeze %dma_start3A_41 : memref<1x10000xf32, #tpu.memory_space<hbm>> -> memref<10000xf32, #tpu.memory_space<hbm>>
      %dma_start3A_43 = arith.constant 0 : i32
      %dma_start3A_44 = tpu.memref_slice %arg10[%dma_start3A_43] : memref<80000xf32, #tpu.memory_space<vmem>> -> memref<10000xf32, #tpu.memory_space<vmem>>
      tpu.enqueue_dma source(%dma_start3A_44 : memref<10000xf32, #tpu.memory_space<vmem>>) target(%dma_start3A_42 : memref<10000xf32, #tpu.memory_space<hbm>>) target_semaphore(%run_scoped3A : memref<!tpu.dma_semaphore, #tpu.memory_space<semaphore_mem>>)
      %dma_wait3A = arith.constant 0 : i32
      %dma_wait3A_45 = tpu.memref_slice %arg10[%dma_wait3A] : memref<80000xf32, #tpu.memory_space<vmem>> -> memref<10000xf32, #tpu.memory_space<vmem>>
      %dma_wait3A_46 = arith.constant 0 : i32
      %dma_wait3A_47 = tpu.memref_slice %arg4[%add3A, %dma_wait3A_46] : memref<32x10000xf32, #tpu.memory_space<hbm>> -> memref<1x10000xf32, #tpu.memory_space<hbm>>
      %dma_wait3A_48 = tpu.memref_squeeze %dma_wait3A_47 : memref<1x10000xf32, #tpu.memory_space<hbm>> -> memref<10000xf32, #tpu.memory_space<hbm>>
      %dma_wait3A_49 = arith.constant 0 : i32
      %dma_wait3A_50 = tpu.memref_slice %arg4[%add3A, %dma_wait3A_49] : memref<32x10000xf32, #tpu.memory_space<hbm>> -> memref<1x10000xf32, #tpu.memory_space<hbm>>
      %dma_wait3A_51 = tpu.memref_squeeze %dma_wait3A_50 : memref<1x10000xf32, #tpu.memory_space<hbm>> -> memref<10000xf32, #tpu.memory_space<hbm>>
      %dma_wait3A_52 = arith.constant 0 : i32
      %dma_wait3A_53 = tpu.memref_slice %arg10[%dma_wait3A_52] : memref<80000xf32, #tpu.memory_space<vmem>> -> memref<10000xf32, #tpu.memory_space<vmem>>
      tpu.wait_dma2 semaphore(%run_scoped3A : memref<!tpu.dma_semaphore, #tpu.memory_space<semaphore_mem>>) src(%dma_wait3A_53 : memref<10000xf32, #tpu.memory_space<vmem>>) dst(%dma_wait3A_51 : memref<10000xf32, #tpu.memory_space<hbm>>)
      tpu.yield
    }) : () -> ()
    return
  }
}

#map = affine_map<(d0, d1) -> (0, 0)>
#map1 = affine_map<(d0, d1) -> (0)>
module attributes {stable_mosaic.version = 14 : i64} {
  func.func @agg(%arg0: i32, %arg1: i32, %arg2: memref<640000x8xf32, #tpu.memory_space<hbm>>, %arg3: memref<160000xi32, #tpu.memory_space<hbm>>, %arg4: memref<160000xi32, #tpu.memory_space<hbm>>, %arg5: memref<64x80000xf32, #tpu.memory_space<hbm>>, %arg6: memref<2x2000xi32, #tpu.memory_space<vmem>>, %arg7: memref<2x2000xi32, #tpu.memory_space<vmem>>, %arg8: memref<2x2000x8xf32, #tpu.memory_space<vmem>>, %arg9: memref<80000xf32, #tpu.memory_space<vmem>>, %arg10: memref<!tpu.dma_semaphore, #tpu.memory_space<semaphore_mem>>, %arg11: memref<!tpu.dma_semaphore, #tpu.memory_space<semaphore_mem>>, %arg12: memref<!tpu.dma_semaphore, #tpu.memory_space<semaphore_mem>>, %arg13: memref<!tpu.dma_semaphore, #tpu.memory_space<semaphore_mem>>, %arg14: memref<!tpu.dma_semaphore, #tpu.memory_space<semaphore_mem>>, %arg15: memref<!tpu.dma_semaphore, #tpu.memory_space<semaphore_mem>>) attributes {dimension_semantics = [#tpu.dimension_semantics<core_parallel>, #tpu.dimension_semantics<subcore_parallel>], iteration_bounds = array<i64: 2, 16>, scalar_prefetch = 0 : i64, scratch_operands = 10 : i64, tpu.core_type = #tpu.core_type<sc_vector_subcore>, window_params = [{transform_indices = #map}, {transform_indices = #map1}, {transform_indices = #map1}, {transform_indices = #map}]} {
    %mul3A = arith.constant 2 : i32
    %mul3A_0 = arith.muli %arg1, %mul3A : i32
    %add3A = arith.addi %mul3A_0, %arg0 : i32
    %iota3A = tpu.iota {dimensions = array<i32: 0>} : vector<16xi32>
    %and3A = arith.constant 7 : i32
    %and3A_1 = vector.broadcast %and3A : i32 to vector<16xi32>
    %and3A_2 = arith.andi %iota3A, %and3A_1 : vector<16xi32>
    %shift_right_arithmetic3A = arith.constant 3 : i32
    %shift_right_arithmetic3A_3 = vector.broadcast %shift_right_arithmetic3A : i32 to vector<16xi32>
    %shift_right_arithmetic3A_4 = arith.shrsi %iota3A, %shift_right_arithmetic3A_3 : vector<16xi32>
    %lt3A = arith.constant 8 : i32
    %lt3A_5 = vector.broadcast %lt3A : i32 to vector<16xi32>
    %lt3A_6 = arith.cmpi slt, %iota3A, %lt3A_5 : vector<16xi32>
    %ge3A = arith.constant 8 : i32
    %ge3A_7 = vector.broadcast %ge3A : i32 to vector<16xi32>
    %ge3A_8 = arith.cmpi sge, %iota3A, %ge3A_7 : vector<16xi32>
    %broadcast_in_dim3A = arith.constant 0.000000e+00 : f32
    %broadcast_in_dim3A_9 = vector.broadcast %broadcast_in_dim3A : f32 to vector<16xf32>
    %add3A_10 = arith.constant 0 : i32
    %add3A_11 = arith.addi %add3A, %add3A_10 : i32
    %parallel_loop3A = arith.constant 0 : i32
    %parallel_loop3A_12 = arith.constant 5000 : i32
    %parallel_loop3A_13 = arith.constant 1 : i32
    scf.for %parallel_loop3A_126 = %parallel_loop3A to %parallel_loop3A_12 step %parallel_loop3A_13  : i32 {
      %parallel_loop3A_127 = arith.constant 16 : i32
      %parallel_loop3A_128 = arith.muli %parallel_loop3A_126, %parallel_loop3A_127 : i32
      %parallel_loop3A_129 = arith.index_cast %parallel_loop3A_128 : i32 to index
      %parallel_loop3A_130 = tpu.vector_load %arg9[%parallel_loop3A_129] {strides = array<i32>} : memref<80000xf32, #tpu.memory_space<vmem>>, vector<16xf32>,
      tpu.vector_store %arg9[%parallel_loop3A_129], %broadcast_in_dim3A_9 {strides = array<i32>} : memref<80000xf32, #tpu.memory_space<vmem>>, vector<16xf32>,
    } {sc.loop_unroll_factor = 8 : i64, sc.parallel_access}
    %run_scoped3A = arith.constant 0 : i32
    "tpu.region"() ({
      %run_scoped3A_126 = tpu.sem_alloc : memref<!tpu.dma_semaphore, #tpu.memory_space<semaphore_mem>>
      %dma_start3A_127 = arith.constant 0 : i32
      %dma_start3A_128 = tpu.memref_slice %arg6[%run_scoped3A, %dma_start3A_127] : memref<2x2000xi32, #tpu.memory_space<vmem>> -> memref<1x2000xi32, #tpu.memory_space<vmem>>
      %dma_start3A_129 = tpu.memref_squeeze %dma_start3A_128 : memref<1x2000xi32, #tpu.memory_space<vmem>> -> memref<2000xi32, #tpu.memory_space<vmem>>
      %dma_start3A_130 = arith.constant 0 : i32
      %dma_start3A_131 = tpu.memref_slice %arg3[%dma_start3A_130] : memref<160000xi32, #tpu.memory_space<hbm>> -> memref<2000xi32, #tpu.memory_space<hbm>>
      %dma_start3A_132 = arith.constant 0 : i32
      %dma_start3A_133 = tpu.memref_slice %arg6[%run_scoped3A, %dma_start3A_132] : memref<2x2000xi32, #tpu.memory_space<vmem>> -> memref<1x2000xi32, #tpu.memory_space<vmem>>
      %dma_start3A_134 = tpu.memref_squeeze %dma_start3A_133 : memref<1x2000xi32, #tpu.memory_space<vmem>> -> memref<2000xi32, #tpu.memory_space<vmem>>
      %dma_start3A_135 = arith.constant 0 : i32
      %dma_start3A_136 = tpu.memref_slice %arg3[%dma_start3A_135] : memref<160000xi32, #tpu.memory_space<hbm>> -> memref<2000xi32, #tpu.memory_space<hbm>>
      tpu.enqueue_dma source(%dma_start3A_136 : memref<2000xi32, #tpu.memory_space<hbm>>) target(%dma_start3A_134 : memref<2000xi32, #tpu.memory_space<vmem>>) target_semaphore(%run_scoped3A_126 : memref<!tpu.dma_semaphore, #tpu.memory_space<semaphore_mem>>)
      %dma_wait3A = arith.constant 0 : i32
      %dma_wait3A_137 = tpu.memref_slice %arg6[%run_scoped3A, %dma_wait3A] : memref<2x2000xi32, #tpu.memory_space<vmem>> -> memref<1x2000xi32, #tpu.memory_space<vmem>>
      %dma_wait3A_138 = tpu.memref_squeeze %dma_wait3A_137 : memref<1x2000xi32, #tpu.memory_space<vmem>> -> memref<2000xi32, #tpu.memory_space<vmem>>
      %dma_wait3A_139 = arith.constant 0 : i32
      %dma_wait3A_140 = tpu.memref_slice %arg3[%dma_wait3A_139] : memref<160000xi32, #tpu.memory_space<hbm>> -> memref<2000xi32, #tpu.memory_space<hbm>>
      %dma_wait3A_141 = arith.constant 0 : i32
      %dma_wait3A_142 = tpu.memref_slice %arg6[%run_scoped3A, %dma_wait3A_141] : memref<2x2000xi32, #tpu.memory_space<vmem>> -> memref<1x2000xi32, #tpu.memory_space<vmem>>
      %dma_wait3A_143 = tpu.memref_squeeze %dma_wait3A_142 : memref<1x2000xi32, #tpu.memory_space<vmem>> -> memref<2000xi32, #tpu.memory_space<vmem>>
      %dma_wait3A_144 = arith.constant 0 : i32
      %dma_wait3A_145 = tpu.memref_slice %arg3[%dma_wait3A_144] : memref<160000xi32, #tpu.memory_space<hbm>> -> memref<2000xi32, #tpu.memory_space<hbm>>
      tpu.wait_dma2 semaphore(%run_scoped3A_126 : memref<!tpu.dma_semaphore, #tpu.memory_space<semaphore_mem>>) src(%dma_wait3A_145 : memref<2000xi32, #tpu.memory_space<hbm>>) dst(%dma_wait3A_143 : memref<2000xi32, #tpu.memory_space<vmem>>)
      tpu.yield
    }) : () -> ()
    %dma_start3A = arith.constant 0 : i32
    %dma_start3A_14 = arith.constant 0 : i32
    %dma_start3A_15 = arith.constant 0 : i32
    %dma_start3A_16 = arith.constant 0 : i32
    %dma_start3A_17 = tpu.memref_slice %arg8[%dma_start3A_14, %dma_start3A_15, %dma_start3A_16] : memref<2x2000x8xf32, #tpu.memory_space<vmem>> -> memref<1x2000x8xf32, #tpu.memory_space<vmem>>
    %dma_start3A_18 = tpu.memref_squeeze %dma_start3A_17 : memref<1x2000x8xf32, #tpu.memory_space<vmem>> -> memref<2000x8xf32, #tpu.memory_space<vmem>>
    %dma_start3A_19 = arith.constant 0 : i32
    %dma_start3A_20 = tpu.memref_slice %arg6[%dma_start3A, %dma_start3A_19] : memref<2x2000xi32, #tpu.memory_space<vmem>> -> memref<1x2000xi32, #tpu.memory_space<vmem>>
    %dma_start3A_21 = tpu.memref_squeeze %dma_start3A_20 : memref<1x2000xi32, #tpu.memory_space<vmem>> -> memref<2000xi32, #tpu.memory_space<vmem>>
    %dma_start3A_22 = arith.constant 0 : i32
    %dma_start3A_23 = tpu.memref_slice %arg2[%add3A_11, %dma_start3A_22] : memref<640000x8xf32, #tpu.memory_space<hbm>> -> memref<639937x8xf32, #tpu.memory_space<hbm>>
    %dma_start3A_24 = arith.constant 0 : i32
    %dma_start3A_25 = arith.constant 0 : i32
    %dma_start3A_26 = tpu.memref_slice %dma_start3A_23[%dma_start3A_24, %dma_start3A_25] : memref<639937x8xf32, #tpu.memory_space<hbm>> -> memref<639937x8xf32, #tpu.memory_space<hbm>>
    tpu.enqueue_indirect_dma source(%dma_start3A_26 : memref<639937x8xf32, #tpu.memory_space<hbm>>) target(%dma_start3A_18 : memref<2000x8xf32, #tpu.memory_space<vmem>>) offsets(%dma_start3A_21 : memref<2000xi32, #tpu.memory_space<vmem>>) semaphore(%arg12 : memref<!tpu.dma_semaphore, #tpu.memory_space<semaphore_mem>>)
    %dma_start3A_27 = arith.constant 1 : i32
    %dma_start3A_28 = arith.constant 0 : i32
    %dma_start3A_29 = tpu.memref_slice %arg6[%dma_start3A_27, %dma_start3A_28] : memref<2x2000xi32, #tpu.memory_space<vmem>> -> memref<1x2000xi32, #tpu.memory_space<vmem>>
    %dma_start3A_30 = tpu.memref_squeeze %dma_start3A_29 : memref<1x2000xi32, #tpu.memory_space<vmem>> -> memref<2000xi32, #tpu.memory_space<vmem>>
    %dma_start3A_31 = arith.constant 2000 : i32
    %dma_start3A_32 = tpu.memref_slice %arg3[%dma_start3A_31] : memref<160000xi32, #tpu.memory_space<hbm>> -> memref<2000xi32, #tpu.memory_space<hbm>>
    %dma_start3A_33 = arith.constant 0 : i32
    %dma_start3A_34 = tpu.memref_slice %arg6[%dma_start3A_27, %dma_start3A_33] : memref<2x2000xi32, #tpu.memory_space<vmem>> -> memref<1x2000xi32, #tpu.memory_space<vmem>>
    %dma_start3A_35 = tpu.memref_squeeze %dma_start3A_34 : memref<1x2000xi32, #tpu.memory_space<vmem>> -> memref<2000xi32, #tpu.memory_space<vmem>>
    %dma_start3A_36 = arith.constant 2000 : i32
    %dma_start3A_37 = tpu.memref_slice %arg3[%dma_start3A_36] : memref<160000xi32, #tpu.memory_space<hbm>> -> memref<2000xi32, #tpu.memory_space<hbm>>
    tpu.enqueue_dma source(%dma_start3A_37 : memref<2000xi32, #tpu.memory_space<hbm>>) target(%dma_start3A_35 : memref<2000xi32, #tpu.memory_space<vmem>>) target_semaphore(%arg11 : memref<!tpu.dma_semaphore, #tpu.memory_space<semaphore_mem>>)
    %dma_start3A_38 = arith.constant 0 : i32
    %dma_start3A_39 = arith.constant 0 : i32
    %dma_start3A_40 = tpu.memref_slice %arg7[%dma_start3A_38, %dma_start3A_39] : memref<2x2000xi32, #tpu.memory_space<vmem>> -> memref<1x2000xi32, #tpu.memory_space<vmem>>
    %dma_start3A_41 = tpu.memref_squeeze %dma_start3A_40 : memref<1x2000xi32, #tpu.memory_space<vmem>> -> memref<2000xi32, #tpu.memory_space<vmem>>
    %dma_start3A_42 = arith.constant 0 : i32
    %dma_start3A_43 = tpu.memref_slice %arg4[%dma_start3A_42] : memref<160000xi32, #tpu.memory_space<hbm>> -> memref<2000xi32, #tpu.memory_space<hbm>>
    %dma_start3A_44 = arith.constant 0 : i32
    %dma_start3A_45 = tpu.memref_slice %arg7[%dma_start3A_38, %dma_start3A_44] : memref<2x2000xi32, #tpu.memory_space<vmem>> -> memref<1x2000xi32, #tpu.memory_space<vmem>>
    %dma_start3A_46 = tpu.memref_squeeze %dma_start3A_45 : memref<1x2000xi32, #tpu.memory_space<vmem>> -> memref<2000xi32, #tpu.memory_space<vmem>>
    %dma_start3A_47 = arith.constant 0 : i32
    %dma_start3A_48 = tpu.memref_slice %arg4[%dma_start3A_47] : memref<160000xi32, #tpu.memory_space<hbm>> -> memref<2000xi32, #tpu.memory_space<hbm>>
    tpu.enqueue_dma source(%dma_start3A_48 : memref<2000xi32, #tpu.memory_space<hbm>>) target(%dma_start3A_46 : memref<2000xi32, #tpu.memory_space<vmem>>) target_semaphore(%arg14 : memref<!tpu.dma_semaphore, #tpu.memory_space<semaphore_mem>>)
    %dma_start3A_49 = arith.constant 1 : i32
    %dma_start3A_50 = arith.constant 0 : i32
    %dma_start3A_51 = tpu.memref_slice %arg7[%dma_start3A_49, %dma_start3A_50] : memref<2x2000xi32, #tpu.memory_space<vmem>> -> memref<1x2000xi32, #tpu.memory_space<vmem>>
    %dma_start3A_52 = tpu.memref_squeeze %dma_start3A_51 : memref<1x2000xi32, #tpu.memory_space<vmem>> -> memref<2000xi32, #tpu.memory_space<vmem>>
    %dma_start3A_53 = arith.constant 2000 : i32
    %dma_start3A_54 = tpu.memref_slice %arg4[%dma_start3A_53] : memref<160000xi32, #tpu.memory_space<hbm>> -> memref<2000xi32, #tpu.memory_space<hbm>>
    %dma_start3A_55 = arith.constant 0 : i32
    %dma_start3A_56 = tpu.memref_slice %arg7[%dma_start3A_49, %dma_start3A_55] : memref<2x2000xi32, #tpu.memory_space<vmem>> -> memref<1x2000xi32, #tpu.memory_space<vmem>>
    %dma_start3A_57 = tpu.memref_squeeze %dma_start3A_56 : memref<1x2000xi32, #tpu.memory_space<vmem>> -> memref<2000xi32, #tpu.memory_space<vmem>>
    %dma_start3A_58 = arith.constant 2000 : i32
    %dma_start3A_59 = tpu.memref_slice %arg4[%dma_start3A_58] : memref<160000xi32, #tpu.memory_space<hbm>> -> memref<2000xi32, #tpu.memory_space<hbm>>
    tpu.enqueue_dma source(%dma_start3A_59 : memref<2000xi32, #tpu.memory_space<hbm>>) target(%dma_start3A_57 : memref<2000xi32, #tpu.memory_space<vmem>>) target_semaphore(%arg15 : memref<!tpu.dma_semaphore, #tpu.memory_space<semaphore_mem>>)
    %scan3A = arith.constant 0 : i32
    %scan3A_60 = arith.constant 0 : i32
    %scan3A_61 = arith.constant 40 : i32
    %scan3A_62 = arith.addi %scan3A_60, %scan3A_61 : i32
    %scan3A_63 = arith.constant 1 : i32
    %scan3A_64 = scf.for %scan3A_126 = %scan3A_60 to %scan3A_62 step %scan3A_63 iter_args(%scan3A_127 = %scan3A) -> (i32)  : i32 {
      %mul3A_128 = arith.constant 2 : i32
      %mul3A_129 = arith.muli %mul3A_128, %scan3A_126 : i32
      %mul3A_130 = arith.constant 2000 : i32
      %mul3A_131 = arith.muli %mul3A_129, %mul3A_130 : i32
      %lt3A_132 = arith.constant 39 : i32
      %lt3A_133 = arith.cmpi slt, %scan3A_126, %lt3A_132 : i32
      %add3A_134 = arith.constant 2000 : i32
      %add3A_135 = arith.addi %mul3A_131, %add3A_134 : i32
      %dma_wait3A = arith.constant 1 : i32
      %dma_wait3A_136 = arith.constant 0 : i32
      %dma_wait3A_137 = tpu.memref_slice %arg6[%dma_wait3A, %dma_wait3A_136] : memref<2x2000xi32, #tpu.memory_space<vmem>> -> memref<1x2000xi32, #tpu.memory_space<vmem>>
      %dma_wait3A_138 = tpu.memref_squeeze %dma_wait3A_137 : memref<1x2000xi32, #tpu.memory_space<vmem>> -> memref<2000xi32, #tpu.memory_space<vmem>>
      %dma_wait3A_139 = tpu.memref_slice %arg3[%add3A_135] : memref<160000xi32, #tpu.memory_space<hbm>> -> memref<2000xi32, #tpu.memory_space<hbm>>
      %dma_wait3A_140 = arith.constant 0 : i32
      %dma_wait3A_141 = tpu.memref_slice %arg6[%dma_wait3A, %dma_wait3A_140] : memref<2x2000xi32, #tpu.memory_space<vmem>> -> memref<1x2000xi32, #tpu.memory_space<vmem>>
      %dma_wait3A_142 = tpu.memref_squeeze %dma_wait3A_141 : memref<1x2000xi32, #tpu.memory_space<vmem>> -> memref<2000xi32, #tpu.memory_space<vmem>>
      %dma_wait3A_143 = tpu.memref_slice %arg3[%add3A_135] : memref<160000xi32, #tpu.memory_space<hbm>> -> memref<2000xi32, #tpu.memory_space<hbm>>
      tpu.wait_dma2 semaphore(%arg11 : memref<!tpu.dma_semaphore, #tpu.memory_space<semaphore_mem>>) src(%dma_wait3A_143 : memref<2000xi32, #tpu.memory_space<hbm>>) dst(%dma_wait3A_142 : memref<2000xi32, #tpu.memory_space<vmem>>)
      %dma_start3A_144 = arith.constant 1 : i32
      %dma_start3A_145 = arith.constant 1 : i32
      %dma_start3A_146 = arith.constant 0 : i32
      %dma_start3A_147 = arith.constant 0 : i32
      %dma_start3A_148 = tpu.memref_slice %arg8[%dma_start3A_145, %dma_start3A_146, %dma_start3A_147] : memref<2x2000x8xf32, #tpu.memory_space<vmem>> -> memref<1x2000x8xf32, #tpu.memory_space<vmem>>
      %dma_start3A_149 = tpu.memref_squeeze %dma_start3A_148 : memref<1x2000x8xf32, #tpu.memory_space<vmem>> -> memref<2000x8xf32, #tpu.memory_space<vmem>>
      %dma_start3A_150 = arith.constant 0 : i32
      %dma_start3A_151 = tpu.memref_slice %arg6[%dma_start3A_144, %dma_start3A_150] : memref<2x2000xi32, #tpu.memory_space<vmem>> -> memref<1x2000xi32, #tpu.memory_space<vmem>>
      %dma_start3A_152 = tpu.memref_squeeze %dma_start3A_151 : memref<1x2000xi32, #tpu.memory_space<vmem>> -> memref<2000xi32, #tpu.memory_space<vmem>>
      %dma_start3A_153 = arith.constant 0 : i32
      %dma_start3A_154 = tpu.memref_slice %arg2[%add3A_11, %dma_start3A_153] : memref<640000x8xf32, #tpu.memory_space<hbm>> -> memref<639937x8xf32, #tpu.memory_space<hbm>>
      %dma_start3A_155 = arith.constant 0 : i32
      %dma_start3A_156 = arith.constant 0 : i32
      %dma_start3A_157 = tpu.memref_slice %dma_start3A_154[%dma_start3A_155, %dma_start3A_156] : memref<639937x8xf32, #tpu.memory_space<hbm>> -> memref<639937x8xf32, #tpu.memory_space<hbm>>
      tpu.enqueue_indirect_dma source(%dma_start3A_157 : memref<639937x8xf32, #tpu.memory_space<hbm>>) target(%dma_start3A_149 : memref<2000x8xf32, #tpu.memory_space<vmem>>) offsets(%dma_start3A_152 : memref<2000xi32, #tpu.memory_space<vmem>>) semaphore(%arg13 : memref<!tpu.dma_semaphore, #tpu.memory_space<semaphore_mem>>)
      %dma_wait3A_158 = arith.constant 0 : i32
      %dma_wait3A_159 = arith.constant 0 : i32
      %dma_wait3A_160 = arith.constant 0 : i32
      %dma_wait3A_161 = arith.constant 0 : i32
      %dma_wait3A_162 = tpu.memref_slice %arg8[%dma_wait3A_159, %dma_wait3A_160, %dma_wait3A_161] : memref<2x2000x8xf32, #tpu.memory_space<vmem>> -> memref<1x2000x8xf32, #tpu.memory_space<vmem>>
      %dma_wait3A_163 = tpu.memref_squeeze %dma_wait3A_162 : memref<1x2000x8xf32, #tpu.memory_space<vmem>> -> memref<2000x8xf32, #tpu.memory_space<vmem>>
      %dma_wait3A_164 = arith.constant 0 : i32
      %dma_wait3A_165 = tpu.memref_slice %arg6[%dma_wait3A_158, %dma_wait3A_164] : memref<2x2000xi32, #tpu.memory_space<vmem>> -> memref<1x2000xi32, #tpu.memory_space<vmem>>
      %dma_wait3A_166 = tpu.memref_squeeze %dma_wait3A_165 : memref<1x2000xi32, #tpu.memory_space<vmem>> -> memref<2000xi32, #tpu.memory_space<vmem>>
      %dma_wait3A_167 = arith.constant 0 : i32
      %dma_wait3A_168 = tpu.memref_slice %arg2[%add3A_11, %dma_wait3A_167] : memref<640000x8xf32, #tpu.memory_space<hbm>> -> memref<639937x8xf32, #tpu.memory_space<hbm>>
      %dma_wait3A_169 = arith.constant 0 : i32
      %dma_wait3A_170 = arith.constant 0 : i32
      %dma_wait3A_171 = tpu.memref_slice %dma_wait3A_168[%dma_wait3A_169, %dma_wait3A_170] : memref<639937x8xf32, #tpu.memory_space<hbm>> -> memref<639937x8xf32, #tpu.memory_space<hbm>>
      tpu.wait_indirect_dma semaphore(%arg12 : memref<!tpu.dma_semaphore, #tpu.memory_space<semaphore_mem>>) src(%dma_wait3A_171 : memref<639937x8xf32, #tpu.memory_space<hbm>>) dst(%dma_wait3A_163 : memref<2000x8xf32, #tpu.memory_space<vmem>>)
      %convert_element_type3A = arith.extui %lt3A_133 : i1 to i32
      %cond3A = arith.constant 0 : i32
      %cond3A_172 = arith.cmpi ne, %convert_element_type3A, %cond3A : i32
      scf.if %cond3A_172 {
        %add3A_227 = arith.constant 4000 : i32
        %add3A_228 = arith.addi %mul3A_131, %add3A_227 : i32
        %dma_start3A_229 = arith.constant 0 : i32
        %dma_start3A_230 = arith.constant 0 : i32
        %dma_start3A_231 = tpu.memref_slice %arg6[%dma_start3A_229, %dma_start3A_230] : memref<2x2000xi32, #tpu.memory_space<vmem>> -> memref<1x2000xi32, #tpu.memory_space<vmem>>
        %dma_start3A_232 = tpu.memref_squeeze %dma_start3A_231 : memref<1x2000xi32, #tpu.memory_space<vmem>> -> memref<2000xi32, #tpu.memory_space<vmem>>
        %dma_start3A_233 = tpu.memref_slice %arg3[%add3A_228] : memref<160000xi32, #tpu.memory_space<hbm>> -> memref<2000xi32, #tpu.memory_space<hbm>>
        %dma_start3A_234 = arith.constant 0 : i32
        %dma_start3A_235 = tpu.memref_slice %arg6[%dma_start3A_229, %dma_start3A_234] : memref<2x2000xi32, #tpu.memory_space<vmem>> -> memref<1x2000xi32, #tpu.memory_space<vmem>>
        %dma_start3A_236 = tpu.memref_squeeze %dma_start3A_235 : memref<1x2000xi32, #tpu.memory_space<vmem>> -> memref<2000xi32, #tpu.memory_space<vmem>>
        %dma_start3A_237 = tpu.memref_slice %arg3[%add3A_228] : memref<160000xi32, #tpu.memory_space<hbm>> -> memref<2000xi32, #tpu.memory_space<hbm>>
        tpu.enqueue_dma source(%dma_start3A_237 : memref<2000xi32, #tpu.memory_space<hbm>>) target(%dma_start3A_236 : memref<2000xi32, #tpu.memory_space<vmem>>) target_semaphore(%arg10 : memref<!tpu.dma_semaphore, #tpu.memory_space<semaphore_mem>>)
      } else {
      }
      %dma_wait3A_173 = arith.constant 0 : i32
      %dma_wait3A_174 = arith.constant 0 : i32
      %dma_wait3A_175 = tpu.memref_slice %arg7[%dma_wait3A_173, %dma_wait3A_174] : memref<2x2000xi32, #tpu.memory_space<vmem>> -> memref<1x2000xi32, #tpu.memory_space<vmem>>
      %dma_wait3A_176 = tpu.memref_squeeze %dma_wait3A_175 : memref<1x2000xi32, #tpu.memory_space<vmem>> -> memref<2000xi32, #tpu.memory_space<vmem>>
      %dma_wait3A_177 = tpu.memref_slice %arg4[%mul3A_131] : memref<160000xi32, #tpu.memory_space<hbm>> -> memref<2000xi32, #tpu.memory_space<hbm>>
      %dma_wait3A_178 = arith.constant 0 : i32
      %dma_wait3A_179 = tpu.memref_slice %arg7[%dma_wait3A_173, %dma_wait3A_178] : memref<2x2000xi32, #tpu.memory_space<vmem>> -> memref<1x2000xi32, #tpu.memory_space<vmem>>
      %dma_wait3A_180 = tpu.memref_squeeze %dma_wait3A_179 : memref<1x2000xi32, #tpu.memory_space<vmem>> -> memref<2000xi32, #tpu.memory_space<vmem>>
      %dma_wait3A_181 = tpu.memref_slice %arg4[%mul3A_131] : memref<160000xi32, #tpu.memory_space<hbm>> -> memref<2000xi32, #tpu.memory_space<hbm>>
      tpu.wait_dma2 semaphore(%arg14 : memref<!tpu.dma_semaphore, #tpu.memory_space<semaphore_mem>>) src(%dma_wait3A_181 : memref<2000xi32, #tpu.memory_space<hbm>>) dst(%dma_wait3A_180 : memref<2000xi32, #tpu.memory_space<vmem>>)
      %parallel_loop3A_182 = arith.constant 0 : i32
      %parallel_loop3A_183 = arith.constant 1000 : i32
      %parallel_loop3A_184 = arith.constant 1 : i32
      %parallel_loop3A_185 = arith.constant 0 : i32
      %parallel_loop3A_186 = arith.constant 0 : i32
      scf.for %parallel_loop3A_227 = %parallel_loop3A_182 to %parallel_loop3A_183 step %parallel_loop3A_184  : i32 {
        %parallel_loop3A_228 = arith.constant 2 : i32
        %parallel_loop3A_229 = arith.muli %parallel_loop3A_228, %parallel_loop3A_227 : i32
        %parallel_loop3A_230 = vector.broadcast %parallel_loop3A_229 : i32 to vector<16xi32>
        %parallel_loop3A_231 = arith.addi %shift_right_arithmetic3A_4, %parallel_loop3A_230 : vector<16xi32>
        %parallel_loop3A_232 = arith.constant 0 : i32
        %parallel_loop3A_233 = tpu.memref_slice %arg7[%parallel_loop3A_185, %parallel_loop3A_232] : memref<2x2000xi32, #tpu.memory_space<vmem>> -> memref<1x2000xi32, #tpu.memory_space<vmem>>
        %parallel_loop3A_234 = tpu.memref_squeeze %parallel_loop3A_233 : memref<1x2000xi32, #tpu.memory_space<vmem>> -> memref<2000xi32, #tpu.memory_space<vmem>>
        %parallel_loop3A_235 = tpu.vector_load_idx %parallel_loop3A_234[%parallel_loop3A_231] : memref<2000xi32, #tpu.memory_space<vmem>>[vector<16xi32>], vector<16xi32>,
        %parallel_loop3A_236 = arith.addi %parallel_loop3A_235, %and3A_2 : vector<16xi32>
        %parallel_loop3A_237 = arith.constant 0 : i32
        %parallel_loop3A_238 = arith.constant 0 : i32
        %parallel_loop3A_239 = tpu.memref_slice %arg8[%parallel_loop3A_186, %parallel_loop3A_237, %parallel_loop3A_238] : memref<2x2000x8xf32, #tpu.memory_space<vmem>> -> memref<1x2000x8xf32, #tpu.memory_space<vmem>>
        %parallel_loop3A_240 = tpu.memref_squeeze %parallel_loop3A_239 : memref<1x2000x8xf32, #tpu.memory_space<vmem>> -> memref<2000x8xf32, #tpu.memory_space<vmem>>
        %parallel_loop3A_241 = tpu.vector_load_idx %parallel_loop3A_240[%parallel_loop3A_231, %and3A_2] : memref<2000x8xf32, #tpu.memory_space<vmem>>[vector<16xi32>, vector<16xi32>], vector<16xf32>,
        tpu.vector_store_idx %arg9[%parallel_loop3A_236], %parallel_loop3A_241 {add = true} : memref<80000xf32, #tpu.memory_space<vmem>>[vector<16xi32>], vector<16xf32>,
      } {sc.loop_unroll_factor = 8 : i64, sc.parallel_access}
      %convert_element_type3A_187 = arith.extui %lt3A_133 : i1 to i32
      %cond3A_188 = arith.constant 0 : i32
      %cond3A_189 = arith.cmpi ne, %convert_element_type3A_187, %cond3A_188 : i32
      scf.if %cond3A_189 {
        %add3A_227 = arith.constant 4000 : i32
        %add3A_228 = arith.addi %mul3A_131, %add3A_227 : i32
        %dma_start3A_229 = arith.constant 0 : i32
        %dma_start3A_230 = arith.constant 0 : i32
        %dma_start3A_231 = tpu.memref_slice %arg7[%dma_start3A_229, %dma_start3A_230] : memref<2x2000xi32, #tpu.memory_space<vmem>> -> memref<1x2000xi32, #tpu.memory_space<vmem>>
        %dma_start3A_232 = tpu.memref_squeeze %dma_start3A_231 : memref<1x2000xi32, #tpu.memory_space<vmem>> -> memref<2000xi32, #tpu.memory_space<vmem>>
        %dma_start3A_233 = tpu.memref_slice %arg4[%add3A_228] : memref<160000xi32, #tpu.memory_space<hbm>> -> memref<2000xi32, #tpu.memory_space<hbm>>
        %dma_start3A_234 = arith.constant 0 : i32
        %dma_start3A_235 = tpu.memref_slice %arg7[%dma_start3A_229, %dma_start3A_234] : memref<2x2000xi32, #tpu.memory_space<vmem>> -> memref<1x2000xi32, #tpu.memory_space<vmem>>
        %dma_start3A_236 = tpu.memref_squeeze %dma_start3A_235 : memref<1x2000xi32, #tpu.memory_space<vmem>> -> memref<2000xi32, #tpu.memory_space<vmem>>
        %dma_start3A_237 = tpu.memref_slice %arg4[%add3A_228] : memref<160000xi32, #tpu.memory_space<hbm>> -> memref<2000xi32, #tpu.memory_space<hbm>>
        tpu.enqueue_dma source(%dma_start3A_237 : memref<2000xi32, #tpu.memory_space<hbm>>) target(%dma_start3A_236 : memref<2000xi32, #tpu.memory_space<vmem>>) target_semaphore(%arg14 : memref<!tpu.dma_semaphore, #tpu.memory_space<semaphore_mem>>)
        %add3A_238 = arith.constant 4000 : i32
        %add3A_239 = arith.addi %mul3A_131, %add3A_238 : i32
        %dma_wait3A_240 = arith.constant 0 : i32
        %dma_wait3A_241 = arith.constant 0 : i32
        %dma_wait3A_242 = tpu.memref_slice %arg6[%dma_wait3A_240, %dma_wait3A_241] : memref<2x2000xi32, #tpu.memory_space<vmem>> -> memref<1x2000xi32, #tpu.memory_space<vmem>>
        %dma_wait3A_243 = tpu.memref_squeeze %dma_wait3A_242 : memref<1x2000xi32, #tpu.memory_space<vmem>> -> memref<2000xi32, #tpu.memory_space<vmem>>
        %dma_wait3A_244 = tpu.memref_slice %arg3[%add3A_239] : memref<160000xi32, #tpu.memory_space<hbm>> -> memref<2000xi32, #tpu.memory_space<hbm>>
        %dma_wait3A_245 = arith.constant 0 : i32
        %dma_wait3A_246 = tpu.memref_slice %arg6[%dma_wait3A_240, %dma_wait3A_245] : memref<2x2000xi32, #tpu.memory_space<vmem>> -> memref<1x2000xi32, #tpu.memory_space<vmem>>
        %dma_wait3A_247 = tpu.memref_squeeze %dma_wait3A_246 : memref<1x2000xi32, #tpu.memory_space<vmem>> -> memref<2000xi32, #tpu.memory_space<vmem>>
        %dma_wait3A_248 = tpu.memref_slice %arg3[%add3A_239] : memref<160000xi32, #tpu.memory_space<hbm>> -> memref<2000xi32, #tpu.memory_space<hbm>>
        tpu.wait_dma2 semaphore(%arg10 : memref<!tpu.dma_semaphore, #tpu.memory_space<semaphore_mem>>) src(%dma_wait3A_248 : memref<2000xi32, #tpu.memory_space<hbm>>) dst(%dma_wait3A_247 : memref<2000xi32, #tpu.memory_space<vmem>>)
        %dma_start3A_249 = arith.constant 0 : i32
        %dma_start3A_250 = arith.constant 0 : i32
        %dma_start3A_251 = arith.constant 0 : i32
        %dma_start3A_252 = arith.constant 0 : i32
        %dma_start3A_253 = tpu.memref_slice %arg8[%dma_start3A_250, %dma_start3A_251, %dma_start3A_252] : memref<2x2000x8xf32, #tpu.memory_space<vmem>> -> memref<1x2000x8xf32, #tpu.memory_space<vmem>>
        %dma_start3A_254 = tpu.memref_squeeze %dma_start3A_253 : memref<1x2000x8xf32, #tpu.memory_space<vmem>> -> memref<2000x8xf32, #tpu.memory_space<vmem>>
        %dma_start3A_255 = arith.constant 0 : i32
        %dma_start3A_256 = tpu.memref_slice %arg6[%dma_start3A_249, %dma_start3A_255] : memref<2x2000xi32, #tpu.memory_space<vmem>> -> memref<1x2000xi32, #tpu.memory_space<vmem>>
        %dma_start3A_257 = tpu.memref_squeeze %dma_start3A_256 : memref<1x2000xi32, #tpu.memory_space<vmem>> -> memref<2000xi32, #tpu.memory_space<vmem>>
        %dma_start3A_258 = arith.constant 0 : i32
        %dma_start3A_259 = tpu.memref_slice %arg2[%add3A_11, %dma_start3A_258] : memref<640000x8xf32, #tpu.memory_space<hbm>> -> memref<639937x8xf32, #tpu.memory_space<hbm>>
        %dma_start3A_260 = arith.constant 0 : i32
        %dma_start3A_261 = arith.constant 0 : i32
        %dma_start3A_262 = tpu.memref_slice %dma_start3A_259[%dma_start3A_260, %dma_start3A_261] : memref<639937x8xf32, #tpu.memory_space<hbm>> -> memref<639937x8xf32, #tpu.memory_space<hbm>>
        tpu.enqueue_indirect_dma source(%dma_start3A_262 : memref<639937x8xf32, #tpu.memory_space<hbm>>) target(%dma_start3A_254 : memref<2000x8xf32, #tpu.memory_space<vmem>>) offsets(%dma_start3A_257 : memref<2000xi32, #tpu.memory_space<vmem>>) semaphore(%arg12 : memref<!tpu.dma_semaphore, #tpu.memory_space<semaphore_mem>>)
      } else {
      }
      %dma_wait3A_190 = arith.constant 1 : i32
      %dma_wait3A_191 = arith.constant 1 : i32
      %dma_wait3A_192 = arith.constant 0 : i32
      %dma_wait3A_193 = arith.constant 0 : i32
      %dma_wait3A_194 = tpu.memref_slice %arg8[%dma_wait3A_191, %dma_wait3A_192, %dma_wait3A_193] : memref<2x2000x8xf32, #tpu.memory_space<vmem>> -> memref<1x2000x8xf32, #tpu.memory_space<vmem>>
      %dma_wait3A_195 = tpu.memref_squeeze %dma_wait3A_194 : memref<1x2000x8xf32, #tpu.memory_space<vmem>> -> memref<2000x8xf32, #tpu.memory_space<vmem>>
      %dma_wait3A_196 = arith.constant 0 : i32
      %dma_wait3A_197 = tpu.memref_slice %arg6[%dma_wait3A_190, %dma_wait3A_196] : memref<2x2000xi32, #tpu.memory_space<vmem>> -> memref<1x2000xi32, #tpu.memory_space<vmem>>
      %dma_wait3A_198 = tpu.memref_squeeze %dma_wait3A_197 : memref<1x2000xi32, #tpu.memory_space<vmem>> -> memref<2000xi32, #tpu.memory_space<vmem>>
      %dma_wait3A_199 = arith.constant 0 : i32
      %dma_wait3A_200 = tpu.memref_slice %arg2[%add3A_11, %dma_wait3A_199] : memref<640000x8xf32, #tpu.memory_space<hbm>> -> memref<639937x8xf32, #tpu.memory_space<hbm>>
      %dma_wait3A_201 = arith.constant 0 : i32
      %dma_wait3A_202 = arith.constant 0 : i32
      %dma_wait3A_203 = tpu.memref_slice %dma_wait3A_200[%dma_wait3A_201, %dma_wait3A_202] : memref<639937x8xf32, #tpu.memory_space<hbm>> -> memref<639937x8xf32, #tpu.memory_space<hbm>>
      tpu.wait_indirect_dma semaphore(%arg13 : memref<!tpu.dma_semaphore, #tpu.memory_space<semaphore_mem>>) src(%dma_wait3A_203 : memref<639937x8xf32, #tpu.memory_space<hbm>>) dst(%dma_wait3A_195 : memref<2000x8xf32, #tpu.memory_space<vmem>>)
      %convert_element_type3A_204 = arith.extui %lt3A_133 : i1 to i32
      %cond3A_205 = arith.constant 0 : i32
      %cond3A_206 = arith.cmpi ne, %convert_element_type3A_204, %cond3A_205 : i32
      scf.if %cond3A_206 {
        %add3A_227 = arith.constant 6000 : i32
        %add3A_228 = arith.addi %mul3A_131, %add3A_227 : i32
        %dma_start3A_229 = arith.constant 1 : i32
        %dma_start3A_230 = arith.constant 0 : i32
        %dma_start3A_231 = tpu.memref_slice %arg6[%dma_start3A_229, %dma_start3A_230] : memref<2x2000xi32, #tpu.memory_space<vmem>> -> memref<1x2000xi32, #tpu.memory_space<vmem>>
        %dma_start3A_232 = tpu.memref_squeeze %dma_start3A_231 : memref<1x2000xi32, #tpu.memory_space<vmem>> -> memref<2000xi32, #tpu.memory_space<vmem>>
        %dma_start3A_233 = tpu.memref_slice %arg3[%add3A_228] : memref<160000xi32, #tpu.memory_space<hbm>> -> memref<2000xi32, #tpu.memory_space<hbm>>
        %dma_start3A_234 = arith.constant 0 : i32
        %dma_start3A_235 = tpu.memref_slice %arg6[%dma_start3A_229, %dma_start3A_234] : memref<2x2000xi32, #tpu.memory_space<vmem>> -> memref<1x2000xi32, #tpu.memory_space<vmem>>
        %dma_start3A_236 = tpu.memref_squeeze %dma_start3A_235 : memref<1x2000xi32, #tpu.memory_space<vmem>> -> memref<2000xi32, #tpu.memory_space<vmem>>
        %dma_start3A_237 = tpu.memref_slice %arg3[%add3A_228] : memref<160000xi32, #tpu.memory_space<hbm>> -> memref<2000xi32, #tpu.memory_space<hbm>>
        tpu.enqueue_dma source(%dma_start3A_237 : memref<2000xi32, #tpu.memory_space<hbm>>) target(%dma_start3A_236 : memref<2000xi32, #tpu.memory_space<vmem>>) target_semaphore(%arg11 : memref<!tpu.dma_semaphore, #tpu.memory_space<semaphore_mem>>)
      } else {
      }
      %add3A_207 = arith.constant 2000 : i32
      %add3A_208 = arith.addi %mul3A_131, %add3A_207 : i32
      %dma_wait3A_209 = arith.constant 1 : i32
      %dma_wait3A_210 = arith.constant 0 : i32
      %dma_wait3A_211 = tpu.memref_slice %arg7[%dma_wait3A_209, %dma_wait3A_210] : memref<2x2000xi32, #tpu.memory_space<vmem>> -> memref<1x2000xi32, #tpu.memory_space<vmem>>
      %dma_wait3A_212 = tpu.memref_squeeze %dma_wait3A_211 : memref<1x2000xi32, #tpu.memory_space<vmem>> -> memref<2000xi32, #tpu.memory_space<vmem>>
      %dma_wait3A_213 = tpu.memref_slice %arg4[%add3A_208] : memref<160000xi32, #tpu.memory_space<hbm>> -> memref<2000xi32, #tpu.memory_space<hbm>>
      %dma_wait3A_214 = arith.constant 0 : i32
      %dma_wait3A_215 = tpu.memref_slice %arg7[%dma_wait3A_209, %dma_wait3A_214] : memref<2x2000xi32, #tpu.memory_space<vmem>> -> memref<1x2000xi32, #tpu.memory_space<vmem>>
      %dma_wait3A_216 = tpu.memref_squeeze %dma_wait3A_215 : memref<1x2000xi32, #tpu.memory_space<vmem>> -> memref<2000xi32, #tpu.memory_space<vmem>>
      %dma_wait3A_217 = tpu.memref_slice %arg4[%add3A_208] : memref<160000xi32, #tpu.memory_space<hbm>> -> memref<2000xi32, #tpu.memory_space<hbm>>
      tpu.wait_dma2 semaphore(%arg15 : memref<!tpu.dma_semaphore, #tpu.memory_space<semaphore_mem>>) src(%dma_wait3A_217 : memref<2000xi32, #tpu.memory_space<hbm>>) dst(%dma_wait3A_216 : memref<2000xi32, #tpu.memory_space<vmem>>)
      %parallel_loop3A_218 = arith.constant 0 : i32
      %parallel_loop3A_219 = arith.constant 1000 : i32
      %parallel_loop3A_220 = arith.constant 1 : i32
      %parallel_loop3A_221 = arith.constant 1 : i32
      %parallel_loop3A_222 = arith.constant 1 : i32
      scf.for %parallel_loop3A_227 = %parallel_loop3A_218 to %parallel_loop3A_219 step %parallel_loop3A_220  : i32 {
        %parallel_loop3A_228 = arith.constant 2 : i32
        %parallel_loop3A_229 = arith.muli %parallel_loop3A_228, %parallel_loop3A_227 : i32
        %parallel_loop3A_230 = vector.broadcast %parallel_loop3A_229 : i32 to vector<16xi32>
        %parallel_loop3A_231 = arith.addi %shift_right_arithmetic3A_4, %parallel_loop3A_230 : vector<16xi32>
        %parallel_loop3A_232 = arith.constant 0 : i32
        %parallel_loop3A_233 = tpu.memref_slice %arg7[%parallel_loop3A_221, %parallel_loop3A_232] : memref<2x2000xi32, #tpu.memory_space<vmem>> -> memref<1x2000xi32, #tpu.memory_space<vmem>>
        %parallel_loop3A_234 = tpu.memref_squeeze %parallel_loop3A_233 : memref<1x2000xi32, #tpu.memory_space<vmem>> -> memref<2000xi32, #tpu.memory_space<vmem>>
        %parallel_loop3A_235 = tpu.vector_load_idx %parallel_loop3A_234[%parallel_loop3A_231] : memref<2000xi32, #tpu.memory_space<vmem>>[vector<16xi32>], vector<16xi32>,
        %parallel_loop3A_236 = arith.addi %parallel_loop3A_235, %and3A_2 : vector<16xi32>
        %parallel_loop3A_237 = arith.constant 0 : i32
        %parallel_loop3A_238 = arith.constant 0 : i32
        %parallel_loop3A_239 = tpu.memref_slice %arg8[%parallel_loop3A_222, %parallel_loop3A_237, %parallel_loop3A_238] : memref<2x2000x8xf32, #tpu.memory_space<vmem>> -> memref<1x2000x8xf32, #tpu.memory_space<vmem>>
        %parallel_loop3A_240 = tpu.memref_squeeze %parallel_loop3A_239 : memref<1x2000x8xf32, #tpu.memory_space<vmem>> -> memref<2000x8xf32, #tpu.memory_space<vmem>>
        %parallel_loop3A_241 = tpu.vector_load_idx %parallel_loop3A_240[%parallel_loop3A_231, %and3A_2] : memref<2000x8xf32, #tpu.memory_space<vmem>>[vector<16xi32>, vector<16xi32>], vector<16xf32>,
        tpu.vector_store_idx %arg9[%parallel_loop3A_236], %parallel_loop3A_241 {add = true} : memref<80000xf32, #tpu.memory_space<vmem>>[vector<16xi32>], vector<16xf32>,
      } {sc.loop_unroll_factor = 8 : i64, sc.parallel_access}
      %convert_element_type3A_223 = arith.extui %lt3A_133 : i1 to i32
      %cond3A_224 = arith.constant 0 : i32
      %cond3A_225 = arith.cmpi ne, %convert_element_type3A_223, %cond3A_224 : i32
      scf.if %cond3A_225 {
        %add3A_227 = arith.constant 6000 : i32
        %add3A_228 = arith.addi %mul3A_131, %add3A_227 : i32
        %dma_start3A_229 = arith.constant 1 : i32
        %dma_start3A_230 = arith.constant 0 : i32
        %dma_start3A_231 = tpu.memref_slice %arg7[%dma_start3A_229, %dma_start3A_230] : memref<2x2000xi32, #tpu.memory_space<vmem>> -> memref<1x2000xi32, #tpu.memory_space<vmem>>
        %dma_start3A_232 = tpu.memref_squeeze %dma_start3A_231 : memref<1x2000xi32, #tpu.memory_space<vmem>> -> memref<2000xi32, #tpu.memory_space<vmem>>
        %dma_start3A_233 = tpu.memref_slice %arg4[%add3A_228] : memref<160000xi32, #tpu.memory_space<hbm>> -> memref<2000xi32, #tpu.memory_space<hbm>>
        %dma_start3A_234 = arith.constant 0 : i32
        %dma_start3A_235 = tpu.memref_slice %arg7[%dma_start3A_229, %dma_start3A_234] : memref<2x2000xi32, #tpu.memory_space<vmem>> -> memref<1x2000xi32, #tpu.memory_space<vmem>>
        %dma_start3A_236 = tpu.memref_squeeze %dma_start3A_235 : memref<1x2000xi32, #tpu.memory_space<vmem>> -> memref<2000xi32, #tpu.memory_space<vmem>>
        %dma_start3A_237 = tpu.memref_slice %arg4[%add3A_228] : memref<160000xi32, #tpu.memory_space<hbm>> -> memref<2000xi32, #tpu.memory_space<hbm>>
        tpu.enqueue_dma source(%dma_start3A_237 : memref<2000xi32, #tpu.memory_space<hbm>>) target(%dma_start3A_236 : memref<2000xi32, #tpu.memory_space<vmem>>) target_semaphore(%arg15 : memref<!tpu.dma_semaphore, #tpu.memory_space<semaphore_mem>>)
      } else {
      }
      %scan3A_226 = arith.constant 0 : i32
      scf.yield %scan3A_226 : i32
    }
    %scan3A_65 = arith.constant 40 : i32
    "tpu.region"() ({
      %run_scoped3A_126 = tpu.sem_alloc : memref<!tpu.dma_semaphore, #tpu.memory_space<semaphore_mem>>
      %dma_start3A_127 = arith.constant 0 : i32
      %dma_start3A_128 = tpu.memref_slice %arg5[%add3A_11, %dma_start3A_127] : memref<64x80000xf32, #tpu.memory_space<hbm>> -> memref<1x80000xf32, #tpu.memory_space<hbm>>
      %dma_start3A_129 = tpu.memref_squeeze %dma_start3A_128 : memref<1x80000xf32, #tpu.memory_space<hbm>> -> memref<80000xf32, #tpu.memory_space<hbm>>
      %dma_start3A_130 = arith.constant 0 : i32
      %dma_start3A_131 = tpu.memref_slice %arg5[%add3A_11, %dma_start3A_130] : memref<64x80000xf32, #tpu.memory_space<hbm>> -> memref<1x80000xf32, #tpu.memory_space<hbm>>
      %dma_start3A_132 = tpu.memref_squeeze %dma_start3A_131 : memref<1x80000xf32, #tpu.memory_space<hbm>> -> memref<80000xf32, #tpu.memory_space<hbm>>
      tpu.enqueue_dma source(%arg9 : memref<80000xf32, #tpu.memory_space<vmem>>) target(%dma_start3A_132 : memref<80000xf32, #tpu.memory_space<hbm>>) target_semaphore(%run_scoped3A_126 : memref<!tpu.dma_semaphore, #tpu.memory_space<semaphore_mem>>)
      %dma_wait3A = arith.constant 0 : i32
      %dma_wait3A_133 = tpu.memref_slice %arg5[%add3A_11, %dma_wait3A] : memref<64x80000xf32, #tpu.memory_space<hbm>> -> memref<1x80000xf32, #tpu.memory_space<hbm>>
      %dma_wait3A_134 = tpu.memref_squeeze %dma_wait3A_133 : memref<1x80000xf32, #tpu.memory_space<hbm>> -> memref<80000xf32, #tpu.memory_space<hbm>>
      %dma_wait3A_135 = arith.constant 0 : i32
      %dma_wait3A_136 = tpu.memref_slice %arg5[%add3A_11, %dma_wait3A_135] : memref<64x80000xf32, #tpu.memory_space<hbm>> -> memref<1x80000xf32, #tpu.memory_space<hbm>>
      %dma_wait3A_137 = tpu.memref_squeeze %dma_wait3A_136 : memref<1x80000xf32, #tpu.memory_space<hbm>> -> memref<80000xf32, #tpu.memory_space<hbm>>
      tpu.wait_dma2 semaphore(%run_scoped3A_126 : memref<!tpu.dma_semaphore, #tpu.memory_space<semaphore_mem>>) src(%arg9 : memref<80000xf32, #tpu.memory_space<vmem>>) dst(%dma_wait3A_137 : memref<80000xf32, #tpu.memory_space<hbm>>)
      tpu.yield
    }) : () -> ()
    %add3A_66 = arith.constant 32 : i32
    %add3A_67 = arith.addi %add3A, %add3A_66 : i32
    %parallel_loop3A_68 = arith.constant 0 : i32
    %parallel_loop3A_69 = arith.constant 5000 : i32
    %parallel_loop3A_70 = arith.constant 1 : i32
    scf.for %parallel_loop3A_126 = %parallel_loop3A_68 to %parallel_loop3A_69 step %parallel_loop3A_70  : i32 {
      %parallel_loop3A_127 = arith.constant 16 : i32
      %parallel_loop3A_128 = arith.muli %parallel_loop3A_126, %parallel_loop3A_127 : i32
      %parallel_loop3A_129 = arith.index_cast %parallel_loop3A_128 : i32 to index
      %parallel_loop3A_130 = tpu.vector_load %arg9[%parallel_loop3A_129] {strides = array<i32>} : memref<80000xf32, #tpu.memory_space<vmem>>, vector<16xf32>,
      tpu.vector_store %arg9[%parallel_loop3A_129], %broadcast_in_dim3A_9 {strides = array<i32>} : memref<80000xf32, #tpu.memory_space<vmem>>, vector<16xf32>,
    } {sc.loop_unroll_factor = 8 : i64, sc.parallel_access}
    %run_scoped3A_71 = arith.constant 0 : i32
    "tpu.region"() ({
      %run_scoped3A_126 = tpu.sem_alloc : memref<!tpu.dma_semaphore, #tpu.memory_space<semaphore_mem>>
      %dma_start3A_127 = arith.constant 0 : i32
      %dma_start3A_128 = tpu.memref_slice %arg6[%run_scoped3A_71, %dma_start3A_127] : memref<2x2000xi32, #tpu.memory_space<vmem>> -> memref<1x2000xi32, #tpu.memory_space<vmem>>
      %dma_start3A_129 = tpu.memref_squeeze %dma_start3A_128 : memref<1x2000xi32, #tpu.memory_space<vmem>> -> memref<2000xi32, #tpu.memory_space<vmem>>
      %dma_start3A_130 = arith.constant 0 : i32
      %dma_start3A_131 = tpu.memref_slice %arg3[%dma_start3A_130] : memref<160000xi32, #tpu.memory_space<hbm>> -> memref<2000xi32, #tpu.memory_space<hbm>>
      %dma_start3A_132 = arith.constant 0 : i32
      %dma_start3A_133 = tpu.memref_slice %arg6[%run_scoped3A_71, %dma_start3A_132] : memref<2x2000xi32, #tpu.memory_space<vmem>> -> memref<1x2000xi32, #tpu.memory_space<vmem>>
      %dma_start3A_134 = tpu.memref_squeeze %dma_start3A_133 : memref<1x2000xi32, #tpu.memory_space<vmem>> -> memref<2000xi32, #tpu.memory_space<vmem>>
      %dma_start3A_135 = arith.constant 0 : i32
      %dma_start3A_136 = tpu.memref_slice %arg3[%dma_start3A_135] : memref<160000xi32, #tpu.memory_space<hbm>> -> memref<2000xi32, #tpu.memory_space<hbm>>
      tpu.enqueue_dma source(%dma_start3A_136 : memref<2000xi32, #tpu.memory_space<hbm>>) target(%dma_start3A_134 : memref<2000xi32, #tpu.memory_space<vmem>>) target_semaphore(%run_scoped3A_126 : memref<!tpu.dma_semaphore, #tpu.memory_space<semaphore_mem>>)
      %dma_wait3A = arith.constant 0 : i32
      %dma_wait3A_137 = tpu.memref_slice %arg6[%run_scoped3A_71, %dma_wait3A] : memref<2x2000xi32, #tpu.memory_space<vmem>> -> memref<1x2000xi32, #tpu.memory_space<vmem>>
      %dma_wait3A_138 = tpu.memref_squeeze %dma_wait3A_137 : memref<1x2000xi32, #tpu.memory_space<vmem>> -> memref<2000xi32, #tpu.memory_space<vmem>>
      %dma_wait3A_139 = arith.constant 0 : i32
      %dma_wait3A_140 = tpu.memref_slice %arg3[%dma_wait3A_139] : memref<160000xi32, #tpu.memory_space<hbm>> -> memref<2000xi32, #tpu.memory_space<hbm>>
      %dma_wait3A_141 = arith.constant 0 : i32
      %dma_wait3A_142 = tpu.memref_slice %arg6[%run_scoped3A_71, %dma_wait3A_141] : memref<2x2000xi32, #tpu.memory_space<vmem>> -> memref<1x2000xi32, #tpu.memory_space<vmem>>
      %dma_wait3A_143 = tpu.memref_squeeze %dma_wait3A_142 : memref<1x2000xi32, #tpu.memory_space<vmem>> -> memref<2000xi32, #tpu.memory_space<vmem>>
      %dma_wait3A_144 = arith.constant 0 : i32
      %dma_wait3A_145 = tpu.memref_slice %arg3[%dma_wait3A_144] : memref<160000xi32, #tpu.memory_space<hbm>> -> memref<2000xi32, #tpu.memory_space<hbm>>
      tpu.wait_dma2 semaphore(%run_scoped3A_126 : memref<!tpu.dma_semaphore, #tpu.memory_space<semaphore_mem>>) src(%dma_wait3A_145 : memref<2000xi32, #tpu.memory_space<hbm>>) dst(%dma_wait3A_143 : memref<2000xi32, #tpu.memory_space<vmem>>)
      tpu.yield
    }) : () -> ()
    %dma_start3A_72 = arith.constant 0 : i32
    %dma_start3A_73 = arith.constant 0 : i32
    %dma_start3A_74 = arith.constant 0 : i32
    %dma_start3A_75 = arith.constant 0 : i32
    %dma_start3A_76 = tpu.memref_slice %arg8[%dma_start3A_73, %dma_start3A_74, %dma_start3A_75] : memref<2x2000x8xf32, #tpu.memory_space<vmem>> -> memref<1x2000x8xf32, #tpu.memory_space<vmem>>
    %dma_start3A_77 = tpu.memref_squeeze %dma_start3A_76 : memref<1x2000x8xf32, #tpu.memory_space<vmem>> -> memref<2000x8xf32, #tpu.memory_space<vmem>>
    %dma_start3A_78 = arith.constant 0 : i32
    %dma_start3A_79 = tpu.memref_slice %arg6[%dma_start3A_72, %dma_start3A_78] : memref<2x2000xi32, #tpu.memory_space<vmem>> -> memref<1x2000xi32, #tpu.memory_space<vmem>>
    %dma_start3A_80 = tpu.memref_squeeze %dma_start3A_79 : memref<1x2000xi32, #tpu.memory_space<vmem>> -> memref<2000xi32, #tpu.memory_space<vmem>>
    %dma_start3A_81 = arith.constant 0 : i32
    %dma_start3A_82 = tpu.memref_slice %arg2[%add3A_67, %dma_start3A_81] : memref<640000x8xf32, #tpu.memory_space<hbm>> -> memref<639937x8xf32, #tpu.memory_space<hbm>>
    %dma_start3A_83 = arith.constant 0 : i32
    %dma_start3A_84 = arith.constant 0 : i32
    %dma_start3A_85 = tpu.memref_slice %dma_start3A_82[%dma_start3A_83, %dma_start3A_84] : memref<639937x8xf32, #tpu.memory_space<hbm>> -> memref<639937x8xf32, #tpu.memory_space<hbm>>
    tpu.enqueue_indirect_dma source(%dma_start3A_85 : memref<639937x8xf32, #tpu.memory_space<hbm>>) target(%dma_start3A_77 : memref<2000x8xf32, #tpu.memory_space<vmem>>) offsets(%dma_start3A_80 : memref<2000xi32, #tpu.memory_space<vmem>>) semaphore(%arg12 : memref<!tpu.dma_semaphore, #tpu.memory_space<semaphore_mem>>)
    %dma_start3A_86 = arith.constant 1 : i32
    %dma_start3A_87 = arith.constant 0 : i32
    %dma_start3A_88 = tpu.memref_slice %arg6[%dma_start3A_86, %dma_start3A_87] : memref<2x2000xi32, #tpu.memory_space<vmem>> -> memref<1x2000xi32, #tpu.memory_space<vmem>>
    %dma_start3A_89 = tpu.memref_squeeze %dma_start3A_88 : memref<1x2000xi32, #tpu.memory_space<vmem>> -> memref<2000xi32, #tpu.memory_space<vmem>>
    %dma_start3A_90 = arith.constant 2000 : i32
    %dma_start3A_91 = tpu.memref_slice %arg3[%dma_start3A_90] : memref<160000xi32, #tpu.memory_space<hbm>> -> memref<2000xi32, #tpu.memory_space<hbm>>
    %dma_start3A_92 = arith.constant 0 : i32
    %dma_start3A_93 = tpu.memref_slice %arg6[%dma_start3A_86, %dma_start3A_92] : memref<2x2000xi32, #tpu.memory_space<vmem>> -> memref<1x2000xi32, #tpu.memory_space<vmem>>
    %dma_start3A_94 = tpu.memref_squeeze %dma_start3A_93 : memref<1x2000xi32, #tpu.memory_space<vmem>> -> memref<2000xi32, #tpu.memory_space<vmem>>
    %dma_start3A_95 = arith.constant 2000 : i32
    %dma_start3A_96 = tpu.memref_slice %arg3[%dma_start3A_95] : memref<160000xi32, #tpu.memory_space<hbm>> -> memref<2000xi32, #tpu.memory_space<hbm>>
    tpu.enqueue_dma source(%dma_start3A_96 : memref<2000xi32, #tpu.memory_space<hbm>>) target(%dma_start3A_94 : memref<2000xi32, #tpu.memory_space<vmem>>) target_semaphore(%arg11 : memref<!tpu.dma_semaphore, #tpu.memory_space<semaphore_mem>>)
    %dma_start3A_97 = arith.constant 0 : i32
    %dma_start3A_98 = arith.constant 0 : i32
    %dma_start3A_99 = tpu.memref_slice %arg7[%dma_start3A_97, %dma_start3A_98] : memref<2x2000xi32, #tpu.memory_space<vmem>> -> memref<1x2000xi32, #tpu.memory_space<vmem>>
    %dma_start3A_100 = tpu.memref_squeeze %dma_start3A_99 : memref<1x2000xi32, #tpu.memory_space<vmem>> -> memref<2000xi32, #tpu.memory_space<vmem>>
    %dma_start3A_101 = arith.constant 0 : i32
    %dma_start3A_102 = tpu.memref_slice %arg4[%dma_start3A_101] : memref<160000xi32, #tpu.memory_space<hbm>> -> memref<2000xi32, #tpu.memory_space<hbm>>
    %dma_start3A_103 = arith.constant 0 : i32
    %dma_start3A_104 = tpu.memref_slice %arg7[%dma_start3A_97, %dma_start3A_103] : memref<2x2000xi32, #tpu.memory_space<vmem>> -> memref<1x2000xi32, #tpu.memory_space<vmem>>
    %dma_start3A_105 = tpu.memref_squeeze %dma_start3A_104 : memref<1x2000xi32, #tpu.memory_space<vmem>> -> memref<2000xi32, #tpu.memory_space<vmem>>
    %dma_start3A_106 = arith.constant 0 : i32
    %dma_start3A_107 = tpu.memref_slice %arg4[%dma_start3A_106] : memref<160000xi32, #tpu.memory_space<hbm>> -> memref<2000xi32, #tpu.memory_space<hbm>>
    tpu.enqueue_dma source(%dma_start3A_107 : memref<2000xi32, #tpu.memory_space<hbm>>) target(%dma_start3A_105 : memref<2000xi32, #tpu.memory_space<vmem>>) target_semaphore(%arg14 : memref<!tpu.dma_semaphore, #tpu.memory_space<semaphore_mem>>)
    %dma_start3A_108 = arith.constant 1 : i32
    %dma_start3A_109 = arith.constant 0 : i32
    %dma_start3A_110 = tpu.memref_slice %arg7[%dma_start3A_108, %dma_start3A_109] : memref<2x2000xi32, #tpu.memory_space<vmem>> -> memref<1x2000xi32, #tpu.memory_space<vmem>>
    %dma_start3A_111 = tpu.memref_squeeze %dma_start3A_110 : memref<1x2000xi32, #tpu.memory_space<vmem>> -> memref<2000xi32, #tpu.memory_space<vmem>>
    %dma_start3A_112 = arith.constant 2000 : i32
    %dma_start3A_113 = tpu.memref_slice %arg4[%dma_start3A_112] : memref<160000xi32, #tpu.memory_space<hbm>> -> memref<2000xi32, #tpu.memory_space<hbm>>
    %dma_start3A_114 = arith.constant 0 : i32
    %dma_start3A_115 = tpu.memref_slice %arg7[%dma_start3A_108, %dma_start3A_114] : memref<2x2000xi32, #tpu.memory_space<vmem>> -> memref<1x2000xi32, #tpu.memory_space<vmem>>
    %dma_start3A_116 = tpu.memref_squeeze %dma_start3A_115 : memref<1x2000xi32, #tpu.memory_space<vmem>> -> memref<2000xi32, #tpu.memory_space<vmem>>
    %dma_start3A_117 = arith.constant 2000 : i32
    %dma_start3A_118 = tpu.memref_slice %arg4[%dma_start3A_117] : memref<160000xi32, #tpu.memory_space<hbm>> -> memref<2000xi32, #tpu.memory_space<hbm>>
    tpu.enqueue_dma source(%dma_start3A_118 : memref<2000xi32, #tpu.memory_space<hbm>>) target(%dma_start3A_116 : memref<2000xi32, #tpu.memory_space<vmem>>) target_semaphore(%arg15 : memref<!tpu.dma_semaphore, #tpu.memory_space<semaphore_mem>>)
    %scan3A_119 = arith.constant 0 : i32
    %scan3A_120 = arith.constant 0 : i32
    %scan3A_121 = arith.constant 40 : i32
    %scan3A_122 = arith.addi %scan3A_120, %scan3A_121 : i32
    %scan3A_123 = arith.constant 1 : i32
    %scan3A_124 = scf.for %scan3A_126 = %scan3A_120 to %scan3A_122 step %scan3A_123 iter_args(%scan3A_127 = %scan3A_119) -> (i32)  : i32 {
      %mul3A_128 = arith.constant 2 : i32
      %mul3A_129 = arith.muli %mul3A_128, %scan3A_126 : i32
      %mul3A_130 = arith.constant 2000 : i32
      %mul3A_131 = arith.muli %mul3A_129, %mul3A_130 : i32
      %lt3A_132 = arith.constant 39 : i32
      %lt3A_133 = arith.cmpi slt, %scan3A_126, %lt3A_132 : i32
      %add3A_134 = arith.constant 2000 : i32
      %add3A_135 = arith.addi %mul3A_131, %add3A_134 : i32
      %dma_wait3A = arith.constant 1 : i32
      %dma_wait3A_136 = arith.constant 0 : i32
      %dma_wait3A_137 = tpu.memref_slice %arg6[%dma_wait3A, %dma_wait3A_136] : memref<2x2000xi32, #tpu.memory_space<vmem>> -> memref<1x2000xi32, #tpu.memory_space<vmem>>
      %dma_wait3A_138 = tpu.memref_squeeze %dma_wait3A_137 : memref<1x2000xi32, #tpu.memory_space<vmem>> -> memref<2000xi32, #tpu.memory_space<vmem>>
      %dma_wait3A_139 = tpu.memref_slice %arg3[%add3A_135] : memref<160000xi32, #tpu.memory_space<hbm>> -> memref<2000xi32, #tpu.memory_space<hbm>>
      %dma_wait3A_140 = arith.constant 0 : i32
      %dma_wait3A_141 = tpu.memref_slice %arg6[%dma_wait3A, %dma_wait3A_140] : memref<2x2000xi32, #tpu.memory_space<vmem>> -> memref<1x2000xi32, #tpu.memory_space<vmem>>
      %dma_wait3A_142 = tpu.memref_squeeze %dma_wait3A_141 : memref<1x2000xi32, #tpu.memory_space<vmem>> -> memref<2000xi32, #tpu.memory_space<vmem>>
      %dma_wait3A_143 = tpu.memref_slice %arg3[%add3A_135] : memref<160000xi32, #tpu.memory_space<hbm>> -> memref<2000xi32, #tpu.memory_space<hbm>>
      tpu.wait_dma2 semaphore(%arg11 : memref<!tpu.dma_semaphore, #tpu.memory_space<semaphore_mem>>) src(%dma_wait3A_143 : memref<2000xi32, #tpu.memory_space<hbm>>) dst(%dma_wait3A_142 : memref<2000xi32, #tpu.memory_space<vmem>>)
      %dma_start3A_144 = arith.constant 1 : i32
      %dma_start3A_145 = arith.constant 1 : i32
      %dma_start3A_146 = arith.constant 0 : i32
      %dma_start3A_147 = arith.constant 0 : i32
      %dma_start3A_148 = tpu.memref_slice %arg8[%dma_start3A_145, %dma_start3A_146, %dma_start3A_147] : memref<2x2000x8xf32, #tpu.memory_space<vmem>> -> memref<1x2000x8xf32, #tpu.memory_space<vmem>>
      %dma_start3A_149 = tpu.memref_squeeze %dma_start3A_148 : memref<1x2000x8xf32, #tpu.memory_space<vmem>> -> memref<2000x8xf32, #tpu.memory_space<vmem>>
      %dma_start3A_150 = arith.constant 0 : i32
      %dma_start3A_151 = tpu.memref_slice %arg6[%dma_start3A_144, %dma_start3A_150] : memref<2x2000xi32, #tpu.memory_space<vmem>> -> memref<1x2000xi32, #tpu.memory_space<vmem>>
      %dma_start3A_152 = tpu.memref_squeeze %dma_start3A_151 : memref<1x2000xi32, #tpu.memory_space<vmem>> -> memref<2000xi32, #tpu.memory_space<vmem>>
      %dma_start3A_153 = arith.constant 0 : i32
      %dma_start3A_154 = tpu.memref_slice %arg2[%add3A_67, %dma_start3A_153] : memref<640000x8xf32, #tpu.memory_space<hbm>> -> memref<639937x8xf32, #tpu.memory_space<hbm>>
      %dma_start3A_155 = arith.constant 0 : i32
      %dma_start3A_156 = arith.constant 0 : i32
      %dma_start3A_157 = tpu.memref_slice %dma_start3A_154[%dma_start3A_155, %dma_start3A_156] : memref<639937x8xf32, #tpu.memory_space<hbm>> -> memref<639937x8xf32, #tpu.memory_space<hbm>>
      tpu.enqueue_indirect_dma source(%dma_start3A_157 : memref<639937x8xf32, #tpu.memory_space<hbm>>) target(%dma_start3A_149 : memref<2000x8xf32, #tpu.memory_space<vmem>>) offsets(%dma_start3A_152 : memref<2000xi32, #tpu.memory_space<vmem>>) semaphore(%arg13 : memref<!tpu.dma_semaphore, #tpu.memory_space<semaphore_mem>>)
      %dma_wait3A_158 = arith.constant 0 : i32
      %dma_wait3A_159 = arith.constant 0 : i32
      %dma_wait3A_160 = arith.constant 0 : i32
      %dma_wait3A_161 = arith.constant 0 : i32
      %dma_wait3A_162 = tpu.memref_slice %arg8[%dma_wait3A_159, %dma_wait3A_160, %dma_wait3A_161] : memref<2x2000x8xf32, #tpu.memory_space<vmem>> -> memref<1x2000x8xf32, #tpu.memory_space<vmem>>
      %dma_wait3A_163 = tpu.memref_squeeze %dma_wait3A_162 : memref<1x2000x8xf32, #tpu.memory_space<vmem>> -> memref<2000x8xf32, #tpu.memory_space<vmem>>
      %dma_wait3A_164 = arith.constant 0 : i32
      %dma_wait3A_165 = tpu.memref_slice %arg6[%dma_wait3A_158, %dma_wait3A_164] : memref<2x2000xi32, #tpu.memory_space<vmem>> -> memref<1x2000xi32, #tpu.memory_space<vmem>>
      %dma_wait3A_166 = tpu.memref_squeeze %dma_wait3A_165 : memref<1x2000xi32, #tpu.memory_space<vmem>> -> memref<2000xi32, #tpu.memory_space<vmem>>
      %dma_wait3A_167 = arith.constant 0 : i32
      %dma_wait3A_168 = tpu.memref_slice %arg2[%add3A_67, %dma_wait3A_167] : memref<640000x8xf32, #tpu.memory_space<hbm>> -> memref<639937x8xf32, #tpu.memory_space<hbm>>
      %dma_wait3A_169 = arith.constant 0 : i32
      %dma_wait3A_170 = arith.constant 0 : i32
      %dma_wait3A_171 = tpu.memref_slice %dma_wait3A_168[%dma_wait3A_169, %dma_wait3A_170] : memref<639937x8xf32, #tpu.memory_space<hbm>> -> memref<639937x8xf32, #tpu.memory_space<hbm>>
      tpu.wait_indirect_dma semaphore(%arg12 : memref<!tpu.dma_semaphore, #tpu.memory_space<semaphore_mem>>) src(%dma_wait3A_171 : memref<639937x8xf32, #tpu.memory_space<hbm>>) dst(%dma_wait3A_163 : memref<2000x8xf32, #tpu.memory_space<vmem>>)
      %convert_element_type3A = arith.extui %lt3A_133 : i1 to i32
      %cond3A = arith.constant 0 : i32
      %cond3A_172 = arith.cmpi ne, %convert_element_type3A, %cond3A : i32
      scf.if %cond3A_172 {
        %add3A_227 = arith.constant 4000 : i32
        %add3A_228 = arith.addi %mul3A_131, %add3A_227 : i32
        %dma_start3A_229 = arith.constant 0 : i32
        %dma_start3A_230 = arith.constant 0 : i32
        %dma_start3A_231 = tpu.memref_slice %arg6[%dma_start3A_229, %dma_start3A_230] : memref<2x2000xi32, #tpu.memory_space<vmem>> -> memref<1x2000xi32, #tpu.memory_space<vmem>>
        %dma_start3A_232 = tpu.memref_squeeze %dma_start3A_231 : memref<1x2000xi32, #tpu.memory_space<vmem>> -> memref<2000xi32, #tpu.memory_space<vmem>>
        %dma_start3A_233 = tpu.memref_slice %arg3[%add3A_228] : memref<160000xi32, #tpu.memory_space<hbm>> -> memref<2000xi32, #tpu.memory_space<hbm>>
        %dma_start3A_234 = arith.constant 0 : i32
        %dma_start3A_235 = tpu.memref_slice %arg6[%dma_start3A_229, %dma_start3A_234] : memref<2x2000xi32, #tpu.memory_space<vmem>> -> memref<1x2000xi32, #tpu.memory_space<vmem>>
        %dma_start3A_236 = tpu.memref_squeeze %dma_start3A_235 : memref<1x2000xi32, #tpu.memory_space<vmem>> -> memref<2000xi32, #tpu.memory_space<vmem>>
        %dma_start3A_237 = tpu.memref_slice %arg3[%add3A_228] : memref<160000xi32, #tpu.memory_space<hbm>> -> memref<2000xi32, #tpu.memory_space<hbm>>
        tpu.enqueue_dma source(%dma_start3A_237 : memref<2000xi32, #tpu.memory_space<hbm>>) target(%dma_start3A_236 : memref<2000xi32, #tpu.memory_space<vmem>>) target_semaphore(%arg10 : memref<!tpu.dma_semaphore, #tpu.memory_space<semaphore_mem>>)
      } else {
      }
      %dma_wait3A_173 = arith.constant 0 : i32
      %dma_wait3A_174 = arith.constant 0 : i32
      %dma_wait3A_175 = tpu.memref_slice %arg7[%dma_wait3A_173, %dma_wait3A_174] : memref<2x2000xi32, #tpu.memory_space<vmem>> -> memref<1x2000xi32, #tpu.memory_space<vmem>>
      %dma_wait3A_176 = tpu.memref_squeeze %dma_wait3A_175 : memref<1x2000xi32, #tpu.memory_space<vmem>> -> memref<2000xi32, #tpu.memory_space<vmem>>
      %dma_wait3A_177 = tpu.memref_slice %arg4[%mul3A_131] : memref<160000xi32, #tpu.memory_space<hbm>> -> memref<2000xi32, #tpu.memory_space<hbm>>
      %dma_wait3A_178 = arith.constant 0 : i32
      %dma_wait3A_179 = tpu.memref_slice %arg7[%dma_wait3A_173, %dma_wait3A_178] : memref<2x2000xi32, #tpu.memory_space<vmem>> -> memref<1x2000xi32, #tpu.memory_space<vmem>>
      %dma_wait3A_180 = tpu.memref_squeeze %dma_wait3A_179 : memref<1x2000xi32, #tpu.memory_space<vmem>> -> memref<2000xi32, #tpu.memory_space<vmem>>
      %dma_wait3A_181 = tpu.memref_slice %arg4[%mul3A_131] : memref<160000xi32, #tpu.memory_space<hbm>> -> memref<2000xi32, #tpu.memory_space<hbm>>
      tpu.wait_dma2 semaphore(%arg14 : memref<!tpu.dma_semaphore, #tpu.memory_space<semaphore_mem>>) src(%dma_wait3A_181 : memref<2000xi32, #tpu.memory_space<hbm>>) dst(%dma_wait3A_180 : memref<2000xi32, #tpu.memory_space<vmem>>)
      %parallel_loop3A_182 = arith.constant 0 : i32
      %parallel_loop3A_183 = arith.constant 1000 : i32
      %parallel_loop3A_184 = arith.constant 1 : i32
      %parallel_loop3A_185 = arith.constant 0 : i32
      %parallel_loop3A_186 = arith.constant 0 : i32
      scf.for %parallel_loop3A_227 = %parallel_loop3A_182 to %parallel_loop3A_183 step %parallel_loop3A_184  : i32 {
        %parallel_loop3A_228 = arith.constant 2 : i32
        %parallel_loop3A_229 = arith.muli %parallel_loop3A_228, %parallel_loop3A_227 : i32
        %parallel_loop3A_230 = vector.broadcast %parallel_loop3A_229 : i32 to vector<16xi32>
        %parallel_loop3A_231 = arith.addi %shift_right_arithmetic3A_4, %parallel_loop3A_230 : vector<16xi32>
        %parallel_loop3A_232 = arith.constant 0 : i32
        %parallel_loop3A_233 = tpu.memref_slice %arg7[%parallel_loop3A_185, %parallel_loop3A_232] : memref<2x2000xi32, #tpu.memory_space<vmem>> -> memref<1x2000xi32, #tpu.memory_space<vmem>>
        %parallel_loop3A_234 = tpu.memref_squeeze %parallel_loop3A_233 : memref<1x2000xi32, #tpu.memory_space<vmem>> -> memref<2000xi32, #tpu.memory_space<vmem>>
        %parallel_loop3A_235 = tpu.vector_load_idx %parallel_loop3A_234[%parallel_loop3A_231] : memref<2000xi32, #tpu.memory_space<vmem>>[vector<16xi32>], vector<16xi32>,
        %parallel_loop3A_236 = arith.addi %parallel_loop3A_235, %and3A_2 : vector<16xi32>
        %parallel_loop3A_237 = arith.constant 0 : i32
        %parallel_loop3A_238 = arith.constant 0 : i32
        %parallel_loop3A_239 = tpu.memref_slice %arg8[%parallel_loop3A_186, %parallel_loop3A_237, %parallel_loop3A_238] : memref<2x2000x8xf32, #tpu.memory_space<vmem>> -> memref<1x2000x8xf32, #tpu.memory_space<vmem>>
        %parallel_loop3A_240 = tpu.memref_squeeze %parallel_loop3A_239 : memref<1x2000x8xf32, #tpu.memory_space<vmem>> -> memref<2000x8xf32, #tpu.memory_space<vmem>>
        %parallel_loop3A_241 = tpu.vector_load_idx %parallel_loop3A_240[%parallel_loop3A_231, %and3A_2] : memref<2000x8xf32, #tpu.memory_space<vmem>>[vector<16xi32>, vector<16xi32>], vector<16xf32>,
        tpu.vector_store_idx %arg9[%parallel_loop3A_236], %parallel_loop3A_241 {add = true} : memref<80000xf32, #tpu.memory_space<vmem>>[vector<16xi32>], vector<16xf32>,
      } {sc.loop_unroll_factor = 8 : i64, sc.parallel_access}
      %convert_element_type3A_187 = arith.extui %lt3A_133 : i1 to i32
      %cond3A_188 = arith.constant 0 : i32
      %cond3A_189 = arith.cmpi ne, %convert_element_type3A_187, %cond3A_188 : i32
      scf.if %cond3A_189 {
        %add3A_227 = arith.constant 4000 : i32
        %add3A_228 = arith.addi %mul3A_131, %add3A_227 : i32
        %dma_start3A_229 = arith.constant 0 : i32
        %dma_start3A_230 = arith.constant 0 : i32
        %dma_start3A_231 = tpu.memref_slice %arg7[%dma_start3A_229, %dma_start3A_230] : memref<2x2000xi32, #tpu.memory_space<vmem>> -> memref<1x2000xi32, #tpu.memory_space<vmem>>
        %dma_start3A_232 = tpu.memref_squeeze %dma_start3A_231 : memref<1x2000xi32, #tpu.memory_space<vmem>> -> memref<2000xi32, #tpu.memory_space<vmem>>
        %dma_start3A_233 = tpu.memref_slice %arg4[%add3A_228] : memref<160000xi32, #tpu.memory_space<hbm>> -> memref<2000xi32, #tpu.memory_space<hbm>>
        %dma_start3A_234 = arith.constant 0 : i32
        %dma_start3A_235 = tpu.memref_slice %arg7[%dma_start3A_229, %dma_start3A_234] : memref<2x2000xi32, #tpu.memory_space<vmem>> -> memref<1x2000xi32, #tpu.memory_space<vmem>>
        %dma_start3A_236 = tpu.memref_squeeze %dma_start3A_235 : memref<1x2000xi32, #tpu.memory_space<vmem>> -> memref<2000xi32, #tpu.memory_space<vmem>>
        %dma_start3A_237 = tpu.memref_slice %arg4[%add3A_228] : memref<160000xi32, #tpu.memory_space<hbm>> -> memref<2000xi32, #tpu.memory_space<hbm>>
        tpu.enqueue_dma source(%dma_start3A_237 : memref<2000xi32, #tpu.memory_space<hbm>>) target(%dma_start3A_236 : memref<2000xi32, #tpu.memory_space<vmem>>) target_semaphore(%arg14 : memref<!tpu.dma_semaphore, #tpu.memory_space<semaphore_mem>>)
        %add3A_238 = arith.constant 4000 : i32
        %add3A_239 = arith.addi %mul3A_131, %add3A_238 : i32
        %dma_wait3A_240 = arith.constant 0 : i32
        %dma_wait3A_241 = arith.constant 0 : i32
        %dma_wait3A_242 = tpu.memref_slice %arg6[%dma_wait3A_240, %dma_wait3A_241] : memref<2x2000xi32, #tpu.memory_space<vmem>> -> memref<1x2000xi32, #tpu.memory_space<vmem>>
        %dma_wait3A_243 = tpu.memref_squeeze %dma_wait3A_242 : memref<1x2000xi32, #tpu.memory_space<vmem>> -> memref<2000xi32, #tpu.memory_space<vmem>>
        %dma_wait3A_244 = tpu.memref_slice %arg3[%add3A_239] : memref<160000xi32, #tpu.memory_space<hbm>> -> memref<2000xi32, #tpu.memory_space<hbm>>
        %dma_wait3A_245 = arith.constant 0 : i32
        %dma_wait3A_246 = tpu.memref_slice %arg6[%dma_wait3A_240, %dma_wait3A_245] : memref<2x2000xi32, #tpu.memory_space<vmem>> -> memref<1x2000xi32, #tpu.memory_space<vmem>>
        %dma_wait3A_247 = tpu.memref_squeeze %dma_wait3A_246 : memref<1x2000xi32, #tpu.memory_space<vmem>> -> memref<2000xi32, #tpu.memory_space<vmem>>
        %dma_wait3A_248 = tpu.memref_slice %arg3[%add3A_239] : memref<160000xi32, #tpu.memory_space<hbm>> -> memref<2000xi32, #tpu.memory_space<hbm>>
        tpu.wait_dma2 semaphore(%arg10 : memref<!tpu.dma_semaphore, #tpu.memory_space<semaphore_mem>>) src(%dma_wait3A_248 : memref<2000xi32, #tpu.memory_space<hbm>>) dst(%dma_wait3A_247 : memref<2000xi32, #tpu.memory_space<vmem>>)
        %dma_start3A_249 = arith.constant 0 : i32
        %dma_start3A_250 = arith.constant 0 : i32
        %dma_start3A_251 = arith.constant 0 : i32
        %dma_start3A_252 = arith.constant 0 : i32
        %dma_start3A_253 = tpu.memref_slice %arg8[%dma_start3A_250, %dma_start3A_251, %dma_start3A_252] : memref<2x2000x8xf32, #tpu.memory_space<vmem>> -> memref<1x2000x8xf32, #tpu.memory_space<vmem>>
        %dma_start3A_254 = tpu.memref_squeeze %dma_start3A_253 : memref<1x2000x8xf32, #tpu.memory_space<vmem>> -> memref<2000x8xf32, #tpu.memory_space<vmem>>
        %dma_start3A_255 = arith.constant 0 : i32
        %dma_start3A_256 = tpu.memref_slice %arg6[%dma_start3A_249, %dma_start3A_255] : memref<2x2000xi32, #tpu.memory_space<vmem>> -> memref<1x2000xi32, #tpu.memory_space<vmem>>
        %dma_start3A_257 = tpu.memref_squeeze %dma_start3A_256 : memref<1x2000xi32, #tpu.memory_space<vmem>> -> memref<2000xi32, #tpu.memory_space<vmem>>
        %dma_start3A_258 = arith.constant 0 : i32
        %dma_start3A_259 = tpu.memref_slice %arg2[%add3A_67, %dma_start3A_258] : memref<640000x8xf32, #tpu.memory_space<hbm>> -> memref<639937x8xf32, #tpu.memory_space<hbm>>
        %dma_start3A_260 = arith.constant 0 : i32
        %dma_start3A_261 = arith.constant 0 : i32
        %dma_start3A_262 = tpu.memref_slice %dma_start3A_259[%dma_start3A_260, %dma_start3A_261] : memref<639937x8xf32, #tpu.memory_space<hbm>> -> memref<639937x8xf32, #tpu.memory_space<hbm>>
        tpu.enqueue_indirect_dma source(%dma_start3A_262 : memref<639937x8xf32, #tpu.memory_space<hbm>>) target(%dma_start3A_254 : memref<2000x8xf32, #tpu.memory_space<vmem>>) offsets(%dma_start3A_257 : memref<2000xi32, #tpu.memory_space<vmem>>) semaphore(%arg12 : memref<!tpu.dma_semaphore, #tpu.memory_space<semaphore_mem>>)
      } else {
      }
      %dma_wait3A_190 = arith.constant 1 : i32
      %dma_wait3A_191 = arith.constant 1 : i32
      %dma_wait3A_192 = arith.constant 0 : i32
      %dma_wait3A_193 = arith.constant 0 : i32
      %dma_wait3A_194 = tpu.memref_slice %arg8[%dma_wait3A_191, %dma_wait3A_192, %dma_wait3A_193] : memref<2x2000x8xf32, #tpu.memory_space<vmem>> -> memref<1x2000x8xf32, #tpu.memory_space<vmem>>
      %dma_wait3A_195 = tpu.memref_squeeze %dma_wait3A_194 : memref<1x2000x8xf32, #tpu.memory_space<vmem>> -> memref<2000x8xf32, #tpu.memory_space<vmem>>
      %dma_wait3A_196 = arith.constant 0 : i32
      %dma_wait3A_197 = tpu.memref_slice %arg6[%dma_wait3A_190, %dma_wait3A_196] : memref<2x2000xi32, #tpu.memory_space<vmem>> -> memref<1x2000xi32, #tpu.memory_space<vmem>>
      %dma_wait3A_198 = tpu.memref_squeeze %dma_wait3A_197 : memref<1x2000xi32, #tpu.memory_space<vmem>> -> memref<2000xi32, #tpu.memory_space<vmem>>
      %dma_wait3A_199 = arith.constant 0 : i32
      %dma_wait3A_200 = tpu.memref_slice %arg2[%add3A_67, %dma_wait3A_199] : memref<640000x8xf32, #tpu.memory_space<hbm>> -> memref<639937x8xf32, #tpu.memory_space<hbm>>
      %dma_wait3A_201 = arith.constant 0 : i32
      %dma_wait3A_202 = arith.constant 0 : i32
      %dma_wait3A_203 = tpu.memref_slice %dma_wait3A_200[%dma_wait3A_201, %dma_wait3A_202] : memref<639937x8xf32, #tpu.memory_space<hbm>> -> memref<639937x8xf32, #tpu.memory_space<hbm>>
      tpu.wait_indirect_dma semaphore(%arg13 : memref<!tpu.dma_semaphore, #tpu.memory_space<semaphore_mem>>) src(%dma_wait3A_203 : memref<639937x8xf32, #tpu.memory_space<hbm>>) dst(%dma_wait3A_195 : memref<2000x8xf32, #tpu.memory_space<vmem>>)
      %convert_element_type3A_204 = arith.extui %lt3A_133 : i1 to i32
      %cond3A_205 = arith.constant 0 : i32
      %cond3A_206 = arith.cmpi ne, %convert_element_type3A_204, %cond3A_205 : i32
      scf.if %cond3A_206 {
        %add3A_227 = arith.constant 6000 : i32
        %add3A_228 = arith.addi %mul3A_131, %add3A_227 : i32
        %dma_start3A_229 = arith.constant 1 : i32
        %dma_start3A_230 = arith.constant 0 : i32
        %dma_start3A_231 = tpu.memref_slice %arg6[%dma_start3A_229, %dma_start3A_230] : memref<2x2000xi32, #tpu.memory_space<vmem>> -> memref<1x2000xi32, #tpu.memory_space<vmem>>
        %dma_start3A_232 = tpu.memref_squeeze %dma_start3A_231 : memref<1x2000xi32, #tpu.memory_space<vmem>> -> memref<2000xi32, #tpu.memory_space<vmem>>
        %dma_start3A_233 = tpu.memref_slice %arg3[%add3A_228] : memref<160000xi32, #tpu.memory_space<hbm>> -> memref<2000xi32, #tpu.memory_space<hbm>>
        %dma_start3A_234 = arith.constant 0 : i32
        %dma_start3A_235 = tpu.memref_slice %arg6[%dma_start3A_229, %dma_start3A_234] : memref<2x2000xi32, #tpu.memory_space<vmem>> -> memref<1x2000xi32, #tpu.memory_space<vmem>>
        %dma_start3A_236 = tpu.memref_squeeze %dma_start3A_235 : memref<1x2000xi32, #tpu.memory_space<vmem>> -> memref<2000xi32, #tpu.memory_space<vmem>>
        %dma_start3A_237 = tpu.memref_slice %arg3[%add3A_228] : memref<160000xi32, #tpu.memory_space<hbm>> -> memref<2000xi32, #tpu.memory_space<hbm>>
        tpu.enqueue_dma source(%dma_start3A_237 : memref<2000xi32, #tpu.memory_space<hbm>>) target(%dma_start3A_236 : memref<2000xi32, #tpu.memory_space<vmem>>) target_semaphore(%arg11 : memref<!tpu.dma_semaphore, #tpu.memory_space<semaphore_mem>>)
      } else {
      }
      %add3A_207 = arith.constant 2000 : i32
      %add3A_208 = arith.addi %mul3A_131, %add3A_207 : i32
      %dma_wait3A_209 = arith.constant 1 : i32
      %dma_wait3A_210 = arith.constant 0 : i32
      %dma_wait3A_211 = tpu.memref_slice %arg7[%dma_wait3A_209, %dma_wait3A_210] : memref<2x2000xi32, #tpu.memory_space<vmem>> -> memref<1x2000xi32, #tpu.memory_space<vmem>>
      %dma_wait3A_212 = tpu.memref_squeeze %dma_wait3A_211 : memref<1x2000xi32, #tpu.memory_space<vmem>> -> memref<2000xi32, #tpu.memory_space<vmem>>
      %dma_wait3A_213 = tpu.memref_slice %arg4[%add3A_208] : memref<160000xi32, #tpu.memory_space<hbm>> -> memref<2000xi32, #tpu.memory_space<hbm>>
      %dma_wait3A_214 = arith.constant 0 : i32
      %dma_wait3A_215 = tpu.memref_slice %arg7[%dma_wait3A_209, %dma_wait3A_214] : memref<2x2000xi32, #tpu.memory_space<vmem>> -> memref<1x2000xi32, #tpu.memory_space<vmem>>
      %dma_wait3A_216 = tpu.memref_squeeze %dma_wait3A_215 : memref<1x2000xi32, #tpu.memory_space<vmem>> -> memref<2000xi32, #tpu.memory_space<vmem>>
      %dma_wait3A_217 = tpu.memref_slice %arg4[%add3A_208] : memref<160000xi32, #tpu.memory_space<hbm>> -> memref<2000xi32, #tpu.memory_space<hbm>>
      tpu.wait_dma2 semaphore(%arg15 : memref<!tpu.dma_semaphore, #tpu.memory_space<semaphore_mem>>) src(%dma_wait3A_217 : memref<2000xi32, #tpu.memory_space<hbm>>) dst(%dma_wait3A_216 : memref<2000xi32, #tpu.memory_space<vmem>>)
      %parallel_loop3A_218 = arith.constant 0 : i32
      %parallel_loop3A_219 = arith.constant 1000 : i32
      %parallel_loop3A_220 = arith.constant 1 : i32
      %parallel_loop3A_221 = arith.constant 1 : i32
      %parallel_loop3A_222 = arith.constant 1 : i32
      scf.for %parallel_loop3A_227 = %parallel_loop3A_218 to %parallel_loop3A_219 step %parallel_loop3A_220  : i32 {
        %parallel_loop3A_228 = arith.constant 2 : i32
        %parallel_loop3A_229 = arith.muli %parallel_loop3A_228, %parallel_loop3A_227 : i32
        %parallel_loop3A_230 = vector.broadcast %parallel_loop3A_229 : i32 to vector<16xi32>
        %parallel_loop3A_231 = arith.addi %shift_right_arithmetic3A_4, %parallel_loop3A_230 : vector<16xi32>
        %parallel_loop3A_232 = arith.constant 0 : i32
        %parallel_loop3A_233 = tpu.memref_slice %arg7[%parallel_loop3A_221, %parallel_loop3A_232] : memref<2x2000xi32, #tpu.memory_space<vmem>> -> memref<1x2000xi32, #tpu.memory_space<vmem>>
        %parallel_loop3A_234 = tpu.memref_squeeze %parallel_loop3A_233 : memref<1x2000xi32, #tpu.memory_space<vmem>> -> memref<2000xi32, #tpu.memory_space<vmem>>
        %parallel_loop3A_235 = tpu.vector_load_idx %parallel_loop3A_234[%parallel_loop3A_231] : memref<2000xi32, #tpu.memory_space<vmem>>[vector<16xi32>], vector<16xi32>,
        %parallel_loop3A_236 = arith.addi %parallel_loop3A_235, %and3A_2 : vector<16xi32>
        %parallel_loop3A_237 = arith.constant 0 : i32
        %parallel_loop3A_238 = arith.constant 0 : i32
        %parallel_loop3A_239 = tpu.memref_slice %arg8[%parallel_loop3A_222, %parallel_loop3A_237, %parallel_loop3A_238] : memref<2x2000x8xf32, #tpu.memory_space<vmem>> -> memref<1x2000x8xf32, #tpu.memory_space<vmem>>
        %parallel_loop3A_240 = tpu.memref_squeeze %parallel_loop3A_239 : memref<1x2000x8xf32, #tpu.memory_space<vmem>> -> memref<2000x8xf32, #tpu.memory_space<vmem>>
        %parallel_loop3A_241 = tpu.vector_load_idx %parallel_loop3A_240[%parallel_loop3A_231, %and3A_2] : memref<2000x8xf32, #tpu.memory_space<vmem>>[vector<16xi32>, vector<16xi32>], vector<16xf32>,
        tpu.vector_store_idx %arg9[%parallel_loop3A_236], %parallel_loop3A_241 {add = true} : memref<80000xf32, #tpu.memory_space<vmem>>[vector<16xi32>], vector<16xf32>,
      } {sc.loop_unroll_factor = 8 : i64, sc.parallel_access}
      %convert_element_type3A_223 = arith.extui %lt3A_133 : i1 to i32
      %cond3A_224 = arith.constant 0 : i32
      %cond3A_225 = arith.cmpi ne, %convert_element_type3A_223, %cond3A_224 : i32
      scf.if %cond3A_225 {
        %add3A_227 = arith.constant 6000 : i32
        %add3A_228 = arith.addi %mul3A_131, %add3A_227 : i32
        %dma_start3A_229 = arith.constant 1 : i32
        %dma_start3A_230 = arith.constant 0 : i32
        %dma_start3A_231 = tpu.memref_slice %arg7[%dma_start3A_229, %dma_start3A_230] : memref<2x2000xi32, #tpu.memory_space<vmem>> -> memref<1x2000xi32, #tpu.memory_space<vmem>>
        %dma_start3A_232 = tpu.memref_squeeze %dma_start3A_231 : memref<1x2000xi32, #tpu.memory_space<vmem>> -> memref<2000xi32, #tpu.memory_space<vmem>>
        %dma_start3A_233 = tpu.memref_slice %arg4[%add3A_228] : memref<160000xi32, #tpu.memory_space<hbm>> -> memref<2000xi32, #tpu.memory_space<hbm>>
        %dma_start3A_234 = arith.constant 0 : i32
        %dma_start3A_235 = tpu.memref_slice %arg7[%dma_start3A_229, %dma_start3A_234] : memref<2x2000xi32, #tpu.memory_space<vmem>> -> memref<1x2000xi32, #tpu.memory_space<vmem>>
        %dma_start3A_236 = tpu.memref_squeeze %dma_start3A_235 : memref<1x2000xi32, #tpu.memory_space<vmem>> -> memref<2000xi32, #tpu.memory_space<vmem>>
        %dma_start3A_237 = tpu.memref_slice %arg4[%add3A_228] : memref<160000xi32, #tpu.memory_space<hbm>> -> memref<2000xi32, #tpu.memory_space<hbm>>
        tpu.enqueue_dma source(%dma_start3A_237 : memref<2000xi32, #tpu.memory_space<hbm>>) target(%dma_start3A_236 : memref<2000xi32, #tpu.memory_space<vmem>>) target_semaphore(%arg15 : memref<!tpu.dma_semaphore, #tpu.memory_space<semaphore_mem>>)
      } else {
      }
      %scan3A_226 = arith.constant 0 : i32
      scf.yield %scan3A_226 : i32
    }
    %scan3A_125 = arith.constant 40 : i32
    "tpu.region"() ({
      %run_scoped3A_126 = tpu.sem_alloc : memref<!tpu.dma_semaphore, #tpu.memory_space<semaphore_mem>>
      %dma_start3A_127 = arith.constant 0 : i32
      %dma_start3A_128 = tpu.memref_slice %arg5[%add3A_67, %dma_start3A_127] : memref<64x80000xf32, #tpu.memory_space<hbm>> -> memref<1x80000xf32, #tpu.memory_space<hbm>>
      %dma_start3A_129 = tpu.memref_squeeze %dma_start3A_128 : memref<1x80000xf32, #tpu.memory_space<hbm>> -> memref<80000xf32, #tpu.memory_space<hbm>>
      %dma_start3A_130 = arith.constant 0 : i32
      %dma_start3A_131 = tpu.memref_slice %arg5[%add3A_67, %dma_start3A_130] : memref<64x80000xf32, #tpu.memory_space<hbm>> -> memref<1x80000xf32, #tpu.memory_space<hbm>>
      %dma_start3A_132 = tpu.memref_squeeze %dma_start3A_131 : memref<1x80000xf32, #tpu.memory_space<hbm>> -> memref<80000xf32, #tpu.memory_space<hbm>>
      tpu.enqueue_dma source(%arg9 : memref<80000xf32, #tpu.memory_space<vmem>>) target(%dma_start3A_132 : memref<80000xf32, #tpu.memory_space<hbm>>) target_semaphore(%run_scoped3A_126 : memref<!tpu.dma_semaphore, #tpu.memory_space<semaphore_mem>>)
      %dma_wait3A = arith.constant 0 : i32
      %dma_wait3A_133 = tpu.memref_slice %arg5[%add3A_67, %dma_wait3A] : memref<64x80000xf32, #tpu.memory_space<hbm>> -> memref<1x80000xf32, #tpu.memory_space<hbm>>
      %dma_wait3A_134 = tpu.memref_squeeze %dma_wait3A_133 : memref<1x80000xf32, #tpu.memory_space<hbm>> -> memref<80000xf32, #tpu.memory_space<hbm>>
      %dma_wait3A_135 = arith.constant 0 : i32
      %dma_wait3A_136 = tpu.memref_slice %arg5[%add3A_67, %dma_wait3A_135] : memref<64x80000xf32, #tpu.memory_space<hbm>> -> memref<1x80000xf32, #tpu.memory_space<hbm>>
      %dma_wait3A_137 = tpu.memref_squeeze %dma_wait3A_136 : memref<1x80000xf32, #tpu.memory_space<hbm>> -> memref<80000xf32, #tpu.memory_space<hbm>>
      tpu.wait_dma2 semaphore(%run_scoped3A_126 : memref<!tpu.dma_semaphore, #tpu.memory_space<semaphore_mem>>) src(%arg9 : memref<80000xf32, #tpu.memory_space<vmem>>) dst(%dma_wait3A_137 : memref<80000xf32, #tpu.memory_space<hbm>>)
      tpu.yield
    }) : () -> ()
    return
  }
}

module attributes {stable_mosaic.version = 14 : i64} {
  func.func @_tc0_body(%arg0: memref<32x10000xf32, #tpu.memory_space<vmem>>, %arg1: memref<10000x1xf32, #tpu.memory_space<vmem>>) attributes {dimension_semantics = [], scalar_prefetch = 0 : i64, scratch_operands = 0 : i64, tpu.core_type = #tpu.core_type<tc>} {
    %get3A = arith.constant 0 : index
    %get3A_0 = arith.constant 0 : index
    %get3A_1 = vector.load %arg0[%get3A, %get3A_0] : memref<32x10000xf32, #tpu.memory_space<vmem>>, vector<32x10000xf32>
    %reduce_sum3A = arith.constant dense<0.000000e+00> : vector<10000xf32>
    %reduce_sum3A_2 = vector.multi_reduction <add>, %get3A_1, %reduce_sum3A [0] : vector<32x10000xf32> to vector<10000xf32>
    %add3A = arith.constant 1.000000e+00 : f32
    %add3A_3 = vector.broadcast %add3A : f32 to vector<10000xf32>
    %add3A_4 = arith.addf %reduce_sum3A_2, %add3A_3 : vector<10000xf32>
    %rsqrt3A = math.rsqrt %add3A_4 : vector<10000xf32>
    %broadcast_in_dim3A = vector.shape_cast %rsqrt3A : vector<10000xf32> to vector<10000x1xf32>
    %swap3A = arith.constant 0 : index
    %swap3A_5 = arith.constant 0 : index
    %swap3A_6 = vector.load %arg1[%swap3A, %swap3A_5] : memref<10000x1xf32, #tpu.memory_space<vmem>>, vector<10000x1xf32>
    tpu.vector_store %arg1[%swap3A, %swap3A_5], %broadcast_in_dim3A {strides = array<i32>} : memref<10000x1xf32, #tpu.memory_space<vmem>>, vector<10000x1xf32>,
    return
  }
}

module attributes {stable_mosaic.version = 14 : i64} {
  func.func @_tc1_body(%arg0: i32, %arg1: memref<1000x1xf32, #tpu.memory_space<vmem>>, %arg2: memref<1000x256xf32, #tpu.memory_space<vmem>>, %arg3: memref<256x256xf32, #tpu.memory_space<vmem>>, %arg4: memref<1000x256xf32, #tpu.memory_space<vmem>>) attributes {dimension_semantics = [#tpu.dimension_semantics<arbitrary>], iteration_bounds = array<i64: 10>, scalar_prefetch = 0 : i64, scratch_operands = 0 : i64, tpu.core_type = #tpu.core_type<tc>, window_params = [{transform_indices = @transform_0, window_bounds = array<i64: 1000, 1>}, {transform_indices = @transform_1, window_bounds = array<i64: 1000, 256>}, {pipeline_mode = #tpu.pipeline_mode<synchronous>, transform_indices = @transform_2, window_bounds = array<i64: 256, 256>}, {transform_indices = @transform_3, window_bounds = array<i64: 1000, 256>}]} {
    %get3A = arith.constant 0 : index
    %get3A_0 = arith.constant 0 : index
    %get3A_1 = vector.load %arg2[%get3A, %get3A_0] : memref<1000x256xf32, #tpu.memory_space<vmem>>, vector<1000x256xf32>
    %get3A_2 = arith.constant 0 : index
    %get3A_3 = arith.constant 0 : index
    %get3A_4 = vector.load %arg3[%get3A_2, %get3A_3] : memref<256x256xf32, #tpu.memory_space<vmem>>, vector<256x256xf32>
    %dot_general3A = arith.constant dense<0.000000e+00> : vector<1000x256xf32>
    %dot_general3A_5 = tpu.matmul %get3A_1, %get3A_4, %dot_general3A {dimension_numbers = #tpu.dot_dimension_numbers<[1], [0], [0], [1], [0, 0, 1, 1], [], []>, transpose_lhs_hint = false} : vector<1000x256xf32>, vector<256x256xf32>, vector<1000x256xf32> -> vector<1000x256xf32>
    %get3A_6 = arith.constant 0 : index
    %get3A_7 = arith.constant 0 : index
    %get3A_8 = vector.load %arg1[%get3A_6, %get3A_7] : memref<1000x1xf32, #tpu.memory_space<vmem>>, vector<1000x1xf32>
    %mul3A = vector.broadcast %get3A_8 : vector<1000x1xf32> to vector<1000x256xf32>
    %mul3A_9 = arith.mulf %dot_general3A_5, %mul3A : vector<1000x256xf32>
    %swap3A = arith.constant 0 : index
    %swap3A_10 = arith.constant 0 : index
    %swap3A_11 = vector.load %arg4[%swap3A, %swap3A_10] : memref<1000x256xf32, #tpu.memory_space<vmem>>, vector<1000x256xf32>
    tpu.vector_store %arg4[%swap3A, %swap3A_10], %mul3A_9 {strides = array<i32>} : memref<1000x256xf32, #tpu.memory_space<vmem>>, vector<1000x256xf32>,
    return
  }
  func.func @transform_0(%arg0: i32) -> (i32, i32) {
    %c0_i32 = arith.constant 0 : i32
    %c0_i32_0 = arith.constant 0 : i32
    return %arg0, %c0_i32 : i32, i32
  }
  func.func @transform_1(%arg0: i32) -> (i32, i32) {
    %c0_i32 = arith.constant 0 : i32
    %c0_i32_0 = arith.constant 0 : i32
    return %arg0, %c0_i32 : i32, i32
  }
  func.func @transform_2(%arg0: i32) -> (i32, i32) {
    %c0_i32 = arith.constant 0 : i32
    %c0_i32_0 = arith.constant 0 : i32
    %c0_i32_1 = arith.constant 0 : i32
    return %c0_i32, %c0_i32_0 : i32, i32
  }
  func.func @transform_3(%arg0: i32) -> (i32, i32) {
    %c0_i32 = arith.constant 0 : i32
    %c0_i32_0 = arith.constant 0 : i32
    return %arg0, %c0_i32 : i32, i32
  }
}

module attributes {stable_mosaic.version = 14 : i64} {
  func.func @_tc2_body(%arg0: i32, %arg1: memref<1000x256xf32, #tpu.memory_space<vmem>>, %arg2: memref<1000x256xf32, #tpu.memory_space<vmem>>, %arg3: memref<1000x1xf32, #tpu.memory_space<vmem>>, %arg4: memref<1x256xf32, #tpu.memory_space<vmem>>, %arg5: memref<256x512xf32, #tpu.memory_space<vmem>>, %arg6: memref<1000x512xf32, #tpu.memory_space<vmem>>) attributes {dimension_semantics = [#tpu.dimension_semantics<arbitrary>], iteration_bounds = array<i64: 10>, scalar_prefetch = 0 : i64, scratch_operands = 0 : i64, tpu.core_type = #tpu.core_type<tc>, window_params = [{transform_indices = @transform_0, window_bounds = array<i64: 1000, 256>}, {transform_indices = @transform_1, window_bounds = array<i64: 1000, 256>}, {transform_indices = @transform_2, window_bounds = array<i64: 1000, 1>}, {pipeline_mode = #tpu.pipeline_mode<synchronous>, transform_indices = @transform_3, window_bounds = array<i64: 1, 256>}, {pipeline_mode = #tpu.pipeline_mode<synchronous>, transform_indices = @transform_4, window_bounds = array<i64: 256, 512>}, {transform_indices = @transform_5, window_bounds = array<i64: 1000, 512>}]} {
    %get3A = arith.constant 0 : index
    %get3A_0 = arith.constant 0 : index
    %get3A_1 = vector.load %arg3[%get3A, %get3A_0] : memref<1000x1xf32, #tpu.memory_space<vmem>>, vector<1000x1xf32>
    %get3A_2 = arith.constant 0 : index
    %get3A_3 = arith.constant 0 : index
    %get3A_4 = vector.load %arg1[%get3A_2, %get3A_3] : memref<1000x256xf32, #tpu.memory_space<vmem>>, vector<1000x256xf32>
    %get3A_5 = arith.constant 0 : index
    %get3A_6 = arith.constant 0 : index
    %get3A_7 = vector.load %arg2[%get3A_5, %get3A_6] : memref<1000x256xf32, #tpu.memory_space<vmem>>, vector<1000x256xf32>
    %add3A = arith.addf %get3A_4, %get3A_7 : vector<1000x256xf32>
    %mul3A = vector.broadcast %get3A_1 : vector<1000x1xf32> to vector<1000x256xf32>
    %mul3A_8 = arith.mulf %mul3A, %add3A : vector<1000x256xf32>
    %get3A_9 = arith.constant 0 : index
    %get3A_10 = arith.constant 0 : index
    %get3A_11 = vector.load %arg4[%get3A_9, %get3A_10] : memref<1x256xf32, #tpu.memory_space<vmem>>, vector<1x256xf32>
    %add3A_12 = vector.broadcast %get3A_11 : vector<1x256xf32> to vector<1000x256xf32>
    %add3A_13 = arith.addf %mul3A_8, %add3A_12 : vector<1000x256xf32>
    %max3A = arith.constant 0.000000e+00 : f32
    %max3A_14 = vector.broadcast %max3A : f32 to vector<1000x256xf32>
    %max3A_15 = arith.maximumf %add3A_13, %max3A_14 : vector<1000x256xf32>
    %get3A_16 = arith.constant 0 : index
    %get3A_17 = arith.constant 0 : index
    %get3A_18 = vector.load %arg5[%get3A_16, %get3A_17] : memref<256x512xf32, #tpu.memory_space<vmem>>, vector<256x512xf32>
    %dot_general3A = arith.constant dense<0.000000e+00> : vector<1000x512xf32>
    %dot_general3A_19 = tpu.matmul %max3A_15, %get3A_18, %dot_general3A {dimension_numbers = #tpu.dot_dimension_numbers<[1], [0], [0], [1], [0, 0, 1, 1], [], []>, transpose_lhs_hint = false} : vector<1000x256xf32>, vector<256x512xf32>, vector<1000x512xf32> -> vector<1000x512xf32>
    %get3A_20 = arith.constant 0 : index
    %get3A_21 = arith.constant 0 : index
    %get3A_22 = vector.load %arg3[%get3A_20, %get3A_21] : memref<1000x1xf32, #tpu.memory_space<vmem>>, vector<1000x1xf32>
    %mul3A_23 = vector.broadcast %get3A_22 : vector<1000x1xf32> to vector<1000x512xf32>
    %mul3A_24 = arith.mulf %dot_general3A_19, %mul3A_23 : vector<1000x512xf32>
    %swap3A = arith.constant 0 : index
    %swap3A_25 = arith.constant 0 : index
    %swap3A_26 = vector.load %arg6[%swap3A, %swap3A_25] : memref<1000x512xf32, #tpu.memory_space<vmem>>, vector<1000x512xf32>
    tpu.vector_store %arg6[%swap3A, %swap3A_25], %mul3A_24 {strides = array<i32>} : memref<1000x512xf32, #tpu.memory_space<vmem>>, vector<1000x512xf32>,
    return
  }
  func.func @transform_0(%arg0: i32) -> (i32, i32) {
    %c0_i32 = arith.constant 0 : i32
    %c0_i32_0 = arith.constant 0 : i32
    return %arg0, %c0_i32 : i32, i32
  }
  func.func @transform_1(%arg0: i32) -> (i32, i32) {
    %c0_i32 = arith.constant 0 : i32
    %c0_i32_0 = arith.constant 0 : i32
    return %arg0, %c0_i32 : i32, i32
  }
  func.func @transform_2(%arg0: i32) -> (i32, i32) {
    %c0_i32 = arith.constant 0 : i32
    %c0_i32_0 = arith.constant 0 : i32
    return %arg0, %c0_i32 : i32, i32
  }
  func.func @transform_3(%arg0: i32) -> (i32, i32) {
    %c0_i32 = arith.constant 0 : i32
    %c0_i32_0 = arith.constant 0 : i32
    %c0_i32_1 = arith.constant 0 : i32
    return %c0_i32, %c0_i32_0 : i32, i32
  }
  func.func @transform_4(%arg0: i32) -> (i32, i32) {
    %c0_i32 = arith.constant 0 : i32
    %c0_i32_0 = arith.constant 0 : i32
    %c0_i32_1 = arith.constant 0 : i32
    return %c0_i32, %c0_i32_0 : i32, i32
  }
  func.func @transform_5(%arg0: i32) -> (i32, i32) {
    %c0_i32 = arith.constant 0 : i32
    %c0_i32_0 = arith.constant 0 : i32
    return %arg0, %c0_i32 : i32, i32
  }
}

module attributes {stable_mosaic.version = 14 : i64} {
  func.func @_tc3_body(%arg0: i32, %arg1: memref<1000x512xf32, #tpu.memory_space<vmem>>, %arg2: memref<1000x512xf32, #tpu.memory_space<vmem>>, %arg3: memref<1000x1xf32, #tpu.memory_space<vmem>>, %arg4: memref<1x512xf32, #tpu.memory_space<vmem>>, %arg5: memref<1x512xf32, #tpu.memory_space<vmem>>) attributes {dimension_semantics = [#tpu.dimension_semantics<arbitrary>], iteration_bounds = array<i64: 10>, scalar_prefetch = 0 : i64, scratch_operands = 0 : i64, tpu.core_type = #tpu.core_type<tc>, window_params = [{transform_indices = @transform_0, window_bounds = array<i64: 1000, 512>}, {transform_indices = @transform_1, window_bounds = array<i64: 1000, 512>}, {transform_indices = @transform_2, window_bounds = array<i64: 1000, 1>}, {pipeline_mode = #tpu.pipeline_mode<synchronous>, transform_indices = @transform_3, window_bounds = array<i64: 1, 512>}, {pipeline_mode = #tpu.pipeline_mode<synchronous>, transform_indices = @transform_4, window_bounds = array<i64: 1, 512>}]} {
    %get3A = arith.constant 0 : index
    %get3A_0 = arith.constant 0 : index
    %get3A_1 = vector.load %arg3[%get3A, %get3A_0] : memref<1000x1xf32, #tpu.memory_space<vmem>>, vector<1000x1xf32>
    %get3A_2 = arith.constant 0 : index
    %get3A_3 = arith.constant 0 : index
    %get3A_4 = vector.load %arg1[%get3A_2, %get3A_3] : memref<1000x512xf32, #tpu.memory_space<vmem>>, vector<1000x512xf32>
    %get3A_5 = arith.constant 0 : index
    %get3A_6 = arith.constant 0 : index
    %get3A_7 = vector.load %arg2[%get3A_5, %get3A_6] : memref<1000x512xf32, #tpu.memory_space<vmem>>, vector<1000x512xf32>
    %add3A = arith.addf %get3A_4, %get3A_7 : vector<1000x512xf32>
    %mul3A = vector.broadcast %get3A_1 : vector<1000x1xf32> to vector<1000x512xf32>
    %mul3A_8 = arith.mulf %mul3A, %add3A : vector<1000x512xf32>
    %get3A_9 = arith.constant 0 : index
    %get3A_10 = arith.constant 0 : index
    %get3A_11 = vector.load %arg4[%get3A_9, %get3A_10] : memref<1x512xf32, #tpu.memory_space<vmem>>, vector<1x512xf32>
    %add3A_12 = vector.broadcast %get3A_11 : vector<1x512xf32> to vector<1000x512xf32>
    %add3A_13 = arith.addf %mul3A_8, %add3A_12 : vector<1000x512xf32>
    %max3A = arith.constant 0.000000e+00 : f32
    %max3A_14 = vector.broadcast %max3A : f32 to vector<1000x512xf32>
    %max3A_15 = arith.maximumf %add3A_13, %max3A_14 : vector<1000x512xf32>
    %reduce_sum3A = arith.constant dense<0.000000e+00> : vector<512xf32>
    %reduce_sum3A_16 = vector.multi_reduction <add>, %max3A_15, %reduce_sum3A [0] : vector<1000x512xf32> to vector<512xf32>
    %broadcast_in_dim3A = vector.shape_cast %reduce_sum3A_16 : vector<512xf32> to vector<1x512xf32>
    %eq3A = arith.constant 0 : i32
    %eq3A_17 = arith.cmpi eq, %arg0, %eq3A : i32
    %convert_element_type3A = arith.extui %eq3A_17 : i1 to i32
    %cond3A = arith.constant 0 : i32
    %cond3A_18 = arith.cmpi ne, %convert_element_type3A, %cond3A : i32
    scf.if %cond3A_18 {
      %swap3A = arith.constant 0 : index
      %swap3A_28 = arith.constant 0 : index
      %swap3A_29 = vector.load %arg5[%swap3A, %swap3A_28] : memref<1x512xf32, #tpu.memory_space<vmem>>, vector<1x512xf32>
      tpu.vector_store %arg5[%swap3A, %swap3A_28], %broadcast_in_dim3A {strides = array<i32>} : memref<1x512xf32, #tpu.memory_space<vmem>>, vector<1x512xf32>,
    } else {
    }
    %gt3A = arith.constant 0 : i32
    %gt3A_19 = arith.cmpi sgt, %arg0, %gt3A : i32
    %convert_element_type3A_20 = arith.extui %gt3A_19 : i1 to i32
    %cond3A_21 = arith.constant 0 : i32
    %cond3A_22 = arith.cmpi ne, %convert_element_type3A_20, %cond3A_21 : i32
    scf.if %cond3A_22 {
      %get3A_28 = arith.constant 0 : index
      %get3A_29 = arith.constant 0 : index
      %get3A_30 = vector.load %arg5[%get3A_28, %get3A_29] : memref<1x512xf32, #tpu.memory_space<vmem>>, vector<1x512xf32>
      %add3A_31 = arith.addf %get3A_30, %broadcast_in_dim3A : vector<1x512xf32>
      %swap3A = arith.constant 0 : index
      %swap3A_32 = arith.constant 0 : index
      %swap3A_33 = vector.load %arg5[%swap3A, %swap3A_32] : memref<1x512xf32, #tpu.memory_space<vmem>>, vector<1x512xf32>
      tpu.vector_store %arg5[%swap3A, %swap3A_32], %add3A_31 {strides = array<i32>} : memref<1x512xf32, #tpu.memory_space<vmem>>, vector<1x512xf32>,
    } else {
    }
    %eq3A_23 = arith.constant 9 : i32
    %eq3A_24 = arith.cmpi eq, %arg0, %eq3A_23 : i32
    %convert_element_type3A_25 = arith.extui %eq3A_24 : i1 to i32
    %cond3A_26 = arith.constant 0 : i32
    %cond3A_27 = arith.cmpi ne, %convert_element_type3A_25, %cond3A_26 : i32
    scf.if %cond3A_27 {
      %get3A_28 = arith.constant 0 : index
      %get3A_29 = arith.constant 0 : index
      %get3A_30 = vector.load %arg5[%get3A_28, %get3A_29] : memref<1x512xf32, #tpu.memory_space<vmem>>, vector<1x512xf32>
      %mul3A_31 = arith.constant 9.99999974E-5 : f32
      %mul3A_32 = vector.broadcast %mul3A_31 : f32 to vector<1x512xf32>
      %mul3A_33 = arith.mulf %get3A_30, %mul3A_32 : vector<1x512xf32>
      %swap3A = arith.constant 0 : index
      %swap3A_34 = arith.constant 0 : index
      %swap3A_35 = vector.load %arg5[%swap3A, %swap3A_34] : memref<1x512xf32, #tpu.memory_space<vmem>>, vector<1x512xf32>
      tpu.vector_store %arg5[%swap3A, %swap3A_34], %mul3A_33 {strides = array<i32>} : memref<1x512xf32, #tpu.memory_space<vmem>>, vector<1x512xf32>,
    } else {
    }
    return
  }
  func.func @transform_0(%arg0: i32) -> (i32, i32) {
    %c0_i32 = arith.constant 0 : i32
    %c0_i32_0 = arith.constant 0 : i32
    return %arg0, %c0_i32 : i32, i32
  }
  func.func @transform_1(%arg0: i32) -> (i32, i32) {
    %c0_i32 = arith.constant 0 : i32
    %c0_i32_0 = arith.constant 0 : i32
    return %arg0, %c0_i32 : i32, i32
  }
  func.func @transform_2(%arg0: i32) -> (i32, i32) {
    %c0_i32 = arith.constant 0 : i32
    %c0_i32_0 = arith.constant 0 : i32
    return %arg0, %c0_i32 : i32, i32
  }
  func.func @transform_3(%arg0: i32) -> (i32, i32) {
    %c0_i32 = arith.constant 0 : i32
    %c0_i32_0 = arith.constant 0 : i32
    %c0_i32_1 = arith.constant 0 : i32
    return %c0_i32, %c0_i32_0 : i32, i32
  }
  func.func @transform_4(%arg0: i32) -> (i32, i32) {
    %c0_i32 = arith.constant 0 : i32
    %c0_i32_0 = arith.constant 0 : i32
    %c0_i32_1 = arith.constant 0 : i32
    return %c0_i32, %c0_i32_0 : i32, i32
  }
}

</mosaic_0001>

<sc_bundles>
// kernel: kernel.12.cloned.1.call-start
scs
__scs_entry_jumppad:
0x0: {  	(pc) =	sbr.rel $0x88, $3  }
0x1: {  	(tag) =	ssettag $0x0;
	lr =	simm.s32 $0x1  }
0x2: {  	[smem:$0x3F9B] =	sst lr;
	_ =	strace $0xD0000000  }
0x3: {  	_ = 	snop  }
0x4: {  	_ = 	snop  }
0x5: {  	_ = 	snop  }
0x6: {  	_ = 	snop  }
0x7: {  	_ = 	snop  }
__scs_overlays_trampoline_lowered:
0x8: {  	[smem:$0x3FAA] =	sst s0  }
0x9: {  	[smem:$0x3FAB] =	sst s1  }
0xa: {  	[smem:$0x3FAC] =	sst s2  }
0xb: {  	[smem:$0x3FAD] =	sst s3  }
0xc: {  	[smem:$0x3FAE] =	sst s4  }
0xd: {  	[smem:$0x3FAF] =	sst s5  }
0xe: {  	[smem:$0x3FB0] =	sst s6  }
0xf: {  	[smem:$0x3FB1] =	sst s7  }
0x10: {  	[smem:$0x3FB2] =	sst s8  }
0x11: {  	[smem:$0x3FB3] =	sst s9;
	s0 =	simm.s32 @!p0 $0x0  }
0x12: {  	s1 =	sld [smem:$0x3F99];
	s0 =	simm.s32 @p0 $0x1  }
0x13: {  	[smem:$0x3FB4] =	sst s0;
	s0 =	simm.s32 @!p1 $0x0  }
0x14: {  	s2 =	sld [smem:$0x3F98];
	s0 =	simm.s32 @p1 $0x1  }
0x15: {  	[smem:$0x3FB5] =	sst s0;
	s0 =	simm.s32 @!p2 $0x0  }
0x16: {  	s3 =	sld [smem:$0x3FDB];
	s0 =	simm.s32 @p2 $0x1  }
0x17: {  	s4 =	simm.s32 $0x1BF5;
	[smem:$0x3FB7] =	sst s0  }
0x18: {  	s0 =	sld [smem:$0x3F9A];
	_ =	swait.ge [sflag:s4], $0x0  }
0x19: {  	s7 =	sld [smem:$0x3F9B]  }
0x1a: {  	s8 =	sadd.s32 $0xFFFFE003, lr  }
0x1b: {  	s9 =	sadd.s32 $0xFFFFFEF7, lr;
	s5 =	simm.s32 $0xFFFFFFFF;
	p2 =	slt.u32 s8, $0xFFFFF086  }
0x1c: {  	p1 =	slt.u32 s9, $0xF7A;
	s5 =	simm.s32 @!p2 $0x0  }
0x1d: {  	s5 =	simm.s32 @p1 $0x1;
	p0 =	seq.s32 s7, s2  }
0x1e: {  	s7 =	smul.u32 @!p0 $0xF7A, s2;
	p2 =	seq.s32 @!p0 s5, $0x0  }
0x1f: {  	s9 =	smul.u32 $0xF7A, s1;
	s8 =	simm.s32 @!p0 $0x1BF5;
	p2 =	por !p2, p0  }
0x20: {  	[sflag:s8] =	ssyncset.s32 @!p0 $0xFFFFF086;
	s6 =	sadd.s32 @!p0 s3, s7;
	s7 =	simm.s32 @!p0 $0x108  }
0x21: {  	s3 =	sadd.s32 s3, s9;
	s6 =	sadd.s32 @!p0 $0x88, s6;
	s7 =	simm.s32 @p2 $0x1082  }
0x22: {  	[simem:s7], [sflag:s8] =	dma.local @!p0 [hbm:s6], $0xF7A  }
0x23: {  	s9 =	sor.u32 $0xD0000000, s2;
	s6 =	simm.s32 $0x108;
	_ =	swait.ge @!p0 [sflag:s8], $0x0  }
0x24: {  	s3 =	sadd.s32 $0x88, s3;
	s6 =	simm.s32 @!p1 $0x1082;
	[sflag:s4] =	ssyncset.s32 $0xFFFFF086  }
0x25: {  	[simem:s6], [sflag:s4] =	dma.local [hbm:s3], $0xF7A  }
0x26: {  	[smem:$0x3F9B] =	sst s1;
	(tag) =	ssettag s2;
	_ =	strace s9  }
0x27: {  	s1 =	sld [smem:$0x3FAB]  }
0x28: {  	s2 =	sld [smem:$0x3FAC]  }
0x29: {  	s4 =	sld [smem:$0x3FAE]  }
0x2a: {  	p0 =	seq.s32 s5, $0x0;
	s5 =	sld [smem:$0x3FAF]  }
0x2b: {  	s6 =	sld [smem:$0x3FB0]  }
0x2c: {  	s7 =	sld [smem:$0x3FB1]  }
0x2d: {  	s3 =	simm.s32 $0x108;
	s8 =	sld [smem:$0x3FB2]  }
0x2e: {  	s3 =	simm.s32 @!p0 $0x1082;
	s9 =	sld [smem:$0x3FB3]  }
0x2f: {  	lr =	sadd.s32 s0, s3;
	s0 =	sld [smem:$0x3FAA]  }
0x30: {  	s3 =	sld [smem:$0x3FAD]  }
0x31: {  	[smem:$0x3FB6] =	sst s10  }
0x32: {  	s10 =	sld [smem:$0x3FB4];
	_ =	sdelay $0x3  }
0x33: {  	p0 =	seq.s32 s10, $0x1;
	s10 =	sld [smem:$0x3FB6];
	_ =	sdelay $0x3  }
0x34: {  	[smem:$0x3FB6] =	sst s10  }
0x35: {  	s10 =	sld [smem:$0x3FB5];
	_ =	sdelay $0x3  }
0x36: {  	p1 =	seq.s32 s10, $0x1;
	s10 =	sld [smem:$0x3FB6];
	_ =	sdelay $0x3  }
0x37: {  	[smem:$0x3FB6] =	sst s10  }
0x38: {  	s10 =	sld [smem:$0x3FB7]  }
0x39: {  	_ = 	snop;
	(pc) =	sbr.ind lr, $3  }
0x3a: {  	_ = 	snop  }
0x3b: {  	_ = 	snop  }
0x3c: {  	p2 =	seq.s32 s10, $0x1;
	s10 =	sld [smem:$0x3FB6]  }
0x3d: {  	_ =	shalt  }
0x3e: {  	_ =	shalt  }
0x3f: {  	_ =	shalt  }
0x40: {  	_ =	shalt  }
0x41: {  	_ =	shalt  }
0x42: {  	_ =	shalt  }
0x43: {  	_ =	shalt  }
0x44: {  	_ =	shalt  }
0x45: {  	_ =	shalt  }
0x46: {  	_ =	shalt  }
0x47: {  	_ =	shalt  }
0x48: {  	_ =	shalt  }
0x49: {  	_ =	shalt  }
0x4a: {  	_ =	shalt  }
0x4b: {  	_ =	shalt  }
0x4c: {  	_ =	shalt  }
0x4d: {  	_ =	shalt  }
0x4e: {  	_ =	shalt  }
0x4f: {  	_ =	shalt  }
0x50: {  	_ =	shalt  }
0x51: {  	_ =	shalt  }
0x52: {  	_ =	shalt  }
0x53: {  	_ =	shalt  }
0x54: {  	_ =	shalt  }
0x55: {  	_ =	shalt  }
0x56: {  	_ =	shalt  }
0x57: {  	_ =	shalt  }
0x58: {  	_ =	shalt  }
0x59: {  	_ =	shalt  }
0x5a: {  	_ =	shalt  }
0x5b: {  	_ =	shalt  }
0x5c: {  	_ =	shalt  }
0x5d: {  	_ =	shalt  }
0x5e: {  	_ =	shalt  }
0x5f: {  	_ =	shalt  }
0x60: {  	_ =	shalt  }
0x61: {  	_ =	shalt  }
0x62: {  	_ =	shalt  }
0x63: {  	_ =	shalt  }
0x64: {  	_ =	shalt  }
0x65: {  	_ =	shalt  }
0x66: {  	_ =	shalt  }
0x67: {  	_ =	shalt  }
0x68: {  	_ =	shalt  }
0x69: {  	_ =	shalt  }
0x6a: {  	_ =	shalt  }
0x6b: {  	_ =	shalt  }
0x6c: {  	_ =	shalt  }
0x6d: {  	_ =	shalt  }
0x6e: {  	_ =	shalt  }
0x6f: {  	_ =	shalt  }
0x70: {  	_ =	shalt  }
0x71: {  	_ =	shalt  }
0x72: {  	_ =	shalt  }
0x73: {  	_ =	shalt  }
0x74: {  	_ =	shalt  }
0x75: {  	_ =	shalt  }
0x76: {  	_ =	shalt  }
0x77: {  	_ =	shalt  }
0x78: {  	_ =	shalt  }
0x79: {  	_ =	shalt  }
0x7a: {  	_ =	shalt  }
0x7b: {  	_ =	shalt  }
0x7c: {  	_ =	shalt  }
0x7d: {  	_ =	shalt  }
0x7e: {  	_ =	shalt  }
0x7f: {  	_ =	shalt  }
0x80: {  	_ =	shalt  }
0x81: {  	_ =	shalt  }
0x82: {  	_ =	shalt  }
0x83: {  	_ =	shalt  }
0x84: {  	_ =	shalt  }
0x85: {  	_ =	shalt  }
0x86: {  	_ =	shalt  }
0x87: {  	_ =	shalt  }
.Lfunc_end0:
.L_simem_size_0:
called_computation.1_lowered:
.L_overlay_start_0:
0x88: {  	s2 =	sld [smem:$0x3FD9]  }
0x89: {  	s3 =	sld [smem:$0x3FFE];
	_ =	sdelay $0x1  }
0x8a: {  	s1 =	srdreg.scid  }
0x8b: {  	s0 =	sand.u32 $0x1, s1  }
0x8c: {  	s16 =	sshll.u32 s0, $0xA;
	s2 =	sadd.s32 s3, s2  }
0x8d: {  	s2 =	sadd.s32 s2, s16  }
0x8e: {  	[smem:$0x3FC2] =	sst s2  }
0x8f: {  	_ = 	snop  }
0x90: {  	(tm) =	ssettm $0x1  }
0x91: {  	s17 =	sld [smem:$0x3FFB];
	_ =	sdelay $0x3  }
0x92: {  	_ =	strace s17  }
0x93: {  	s2 =	sld [smem:$0x3FFC];
	_ =	sdelay $0x3  }
0x94: {  	_ =	strace s2  }
0x95: {  	s2 =	sld [smem:$0x3FFD];
	_ =	sdelay $0x3  }
0x96: {  	_ =	strace s2  }
0x97: {  	_ =	strace $0x8FFFFFFF  }
0x98: {  	s18 =	sld [smem:$0x3FDB];
	_ =	sdelay $0x1  }
0x99: {  	s19 =	simm.s32 $_scs_section_size  }
0x9a: {  	s4 =	simm.s32 $_size__tile_overlayer_lowered;
	s5 =	simm.s32 $_tile_overlayer_lowered  }
0x9b: {  	s22 =	simm.s32 $0x1BFF;
	s21 =	sshll.u32 s5, $0x1;
	s2 =	sadd.s32 s19, s18  }
0x9c: {  	s6 =	simm.s32 $0x0;
	s20 =	sshll.u32 s4, $0x1;
	s4 =	sadd.s32 s21, s2  }
0x9d: {  	[timem:s6], [sflag:s22] =	dma.local [hbm:s4], s20  }
0x9e: {  	_ =	swait.ge [sflag:s22], s20  }
0x9f: {  	s3 =	ssub.s32 $0x0, s20;
	[sflag:s22] =	ssyncset.done $0x0  }
0xa0: {  	[sflag:s22] =	ssyncadd.s32 s3;
	_ =	sdelay $0x1  }
0xa1: {  	s23 =	simm.s32 $0x1B8B  }
0xa2: {  	_ =	swait.ge [sflag:s23], $0x1  }
0xa3: {  	[sflag:s23] =	ssyncset.done $0x0  }
0xa4: {  	s25 =	simm.s32 $0x1B8E;
	s24 =	sld [smem:$0x3FFE];
	[sflag:s23] =	ssyncadd.s32 $0xFFFFFFFF  }
0xa5: {  	s26 =	simm.s32 $execute0_lowered;
	[smem:$0x3FD2] =	sst s25  }
0xa6: {  	s4 =	sshll.u32 s26, $0x1;
	_ =	strace $0x80000049;
	[dreg:$0x1] =	wrdreg $0xFFFFFFFF  }
0xa7: {  	s28 =	simm.s32 $_size_execute0_lowered;
	s2 =	sadd.s32 s2, s4;
	[dreg:$0x0] =	wrdreg $0x0  }
0xa8: {  	s4 =	sshll.u32 s28, $0x1;
	[dreg:$0x2] =	wrdreg s2  }
0xa9: {  	[dreg:$0x3] =	wrdreg s4  }
0xaa: {  	[dreg:$0x4] =	wrdreg $0xC0  }
0xab: {  	_ =	task [dreg:s6], $0x5FFFF  }
0xac: {  	[dreg:$0x1] =	wrdreg $0xFFFFFFFF  }
0xad: {  	[dreg:$0x0] =	wrdreg $0x60  }
0xae: {  	[dreg:$0x2] =	wrdreg s24  }
0xaf: {  	[dreg:$0x3] =	wrdreg $0x9  }
0xb0: {  	_ =	task.clear_ibuf [dreg:s6], $0x4FFFF;
	_ =	strace $0x90000049  }
0xb1: {  	s29 =	simm.s32 $0x9;
	_ =	strace $0x8000004B  }
0xb2: {  	_ =	swait.ge [sflag:s29], $0x1  }
0xb3: {  	[sflag:s29] =	ssyncadd.s32 $0xFFFFFFFF  }
0xb4: {  	_ =	strace $0x9000004B  }
0xb5: {  	_ =	sfence  }
0xb6: {  	s30 =	sld [smem:$0x0];
	_ =	sdelay $0x2  }
0xb7: {  	s31 =	sshll.u32 s1, $0xD;
	s1 =	sshrl.u32 s1, $0x2  }
0xb8: {  	s3 =	sand.u32 $0x4000, s31;
	s1 =	sadd.s32 s1, s30  }
0xb9: {  	s0 =	sor.u32 s3, s0;
	s1 =	sshll.u32 s1, $0x11  }
0xba: {  	s0 =	sor.u32 s1, s0  }
0xbb: {  	s0 =	sadd.s32 $0x8F2B, s0  }
0xbc: {  	[sflag:s0] =	ssyncadd.remote.s32 $0x1  }
0xbd: {  	_ =	sfence.sel $0xFFFF  }
0xbe: {  	[dreg:$0x0] =	wrdreg $0xFFFFFFFF;
	(pc) =	sbr.abs _section_cstart, $3  }
0xbf: {  	[dreg:$0x1] =	wrdreg $0xFFFFFFFF  }
0xc0: {  	_ =	task.clear_ibuf [dreg:s6], $0x2FFFF;
	_ =	strace $0x9FFFFFFF  }
0xc1: {  	(tm) =	ssettm $0x7FFFFFFF  }
tec
execute0_lowered:
.L_overlay_start_1:
0x0: {  	(tag) =	ssettag $0x1  }
0x1: {  	s7 =	rddreg [dreg:$0x0]  }
0x2: {  	s0 =	rddreg [dreg:$0x1];
	s3 =	srdreg.scid  }
0x3: {  	s1 =	stileid.u32;
	s2 =	simm.s32 $0x0;
	s11 =	simm.s32 $0x7D0  }
0x4: {  	s12 =	simm.s32 $0x1F40;
	s13 =	simm.s32 $0xFA0;
	s14 =	simm.s32 $0x1770  }
0x5: {  	s15 =	simm.s32 $0x2;
	s16 =	simm.s32 $0x5DC0;
	s17 =	simm.s32 $0x3  }
0x6: {  	s18 =	simm.s32 $0x5;
	s4 =	sand.u32 $0x1, s3;
	s30 =	sshll.u32 s1, $0x1  }
0x7: {  	s19 =	simm.s32 $0x9C40;
	s20 =	simm.s32 $0x6;
	s3 =	sor.u32 s4, s30  }
0x8: {  	s21 =	simm.s32 $0x0;
	[smem:$0x7FF] =	sst s2;
	s5 =	smul.u32 $0x2710, s3  }
.Ltmp0:
0x9: {  	_ =	strace $0x8000004A;
	s8 =	ssub.s32 $0x2, s4;
	(pc) =	sbr.rel .LBB2_1-.Ltmp0, $4  }
0xa: {  	s4 =	sadd.s32 $0x1A200, s7;
	s6 =	sadd.s32 s3, s7;
	s31 =	sshrl.u32 s8, $0x1  }
0xb: {  	s3 =	sadd.s32 $0x15200, s7;
	s10 =	ssub.s32 s8, s31;
	s9 =	sadd.s32 s5, s7  }
0xc: {  	v2 =	vlaneseq.u32;
	s5 =	sadd.s32 $0x6D400, s6;
	s6 =	sadd.s32 $0x152FA, s7;
	s7 =	sadd.s32 $0x1A2FA, s7  }
0xd: {  	v0 =	vimm.f32 $0.0e+00;
	v1 =	vshrl.u32 v2, $0x3;
	v2 =	vand.u32 $0x7, v2;
	s8 =	sadd.s32 $0xBB600, s9;
	s9 =	smax.u32 s10, $0x1;
	s10 =	simm.s32 $0x7  }
.LBB2_10:
0xe: {  	s21 =	sadd.s32 $0x1, s21  }
0xf: {  	p0 =	sne.s32 s21, s9  }
.Ltmp1:
0x10: {  	_ = 	snop;
	(pc) =	sbr.rel @!p0 .LBB2_11-.Ltmp1, $4  }
0x11: {  	[hbm4b:s8+s2] =	stream.linear.scatter [tilespmem:s19], [sflag:$0x7], $0x13880, $0x38;
	[tilespmem:$0x1D4C0] =	vst v63  }
0x12: {  	_ =	swait.ge [sflag:s10], $0x13880  }
0x13: {  	[sflag:s10] =	ssyncset.done $0x0  }
0x14: {  	[sflag:s10] =	ssyncadd.s32 $0xFFFEC780  }
.LBB2_1:
0x15: {  	s22 =	simm.s32 $0x9C80  }
0x16: {  	[tilespmem:s22+$0xFFFFFFC0] =	vst v0  }
0x17: {  	[tilespmem:s22+$0x30] =	vst v0  }
0x18: {  	[tilespmem:s22+$0x20] =	vst v0  }
0x19: {  	[tilespmem:s22+$0x10] =	vst v0  }
0x1a: {  	[tilespmem:s22+$0x0] =	vst v0  }
0x1b: {  	[tilespmem:s22+$0xFFFFFFF0] =	vst v0  }
0x1c: {  	s23 =	simm.s32 $0x0;
	[tilespmem:s22+$0xFFFFFFE0] =	vst v0  }
.LBB2_2:
0x1d: {  	s23 =	sadd.s32 $0x8, s23;
	[tilespmem:s22+$0xFFFFFFD0] =	vst v0;
	s22 =	sadd.s32 $0x80, s22  }
0x1e: {  	[tilespmem:s22+$0xFFFFFFC0] =	vst v0;
	p0 =	slt.u32 s23, $0x1380  }
0x1f: {  	[tilespmem:s22+$0x30] =	vst v0  }
.Ltmp2:
0x20: {  	[tilespmem:s22+$0x20] =	vst v0;
	(pc) =	sbr.rel @p0 .LBB2_2-.Ltmp2, $4  }
0x21: {  	[tilespmem:s22+$0x10] =	vst v0  }
0x22: {  	[tilespmem:s22+$0x0] =	vst v0  }
0x23: {  	[tilespmem:s22+$0xFFFFFFF0] =	vst v0  }
0x24: {  	[tilespmem:s22+$0xFFFFFFE0] =	vst v0  }
0x25: {  	[tilespmem:s22+$0xFFFFFFD0] =	vst v0;
	s22 =	simm.s32 $0x0  }
0x26: {  	[tilespmem:s22], [sflag:$0x7] =	stream.linear.gather [hbm4b:s3+s22], $0x7D0, $0x38;
	[tilespmem:$0x1D4C0] =	vst v63  }
0x27: {  	_ =	swait.ge [sflag:s10], $0x7D0  }
0x28: {  	[sflag:s10] =	ssyncset.done $0x0  }
0x29: {  	[sflag:s10] =	ssyncadd.s32 $0xFFFFF830  }
0x2a: {  	[tilespmem:s12], [sflag:$0x3] =	stream.indirect.gather [hbm4b:s5+s11], $0x8, s22, s11, $0xb8;
	[tilespmem:$0x1D4C0] =	vst v63  }
0x2b: {  	_ = 	snop  }
0x2c: {  	[tilespmem:s11], [sflag:$0x2] =	stream.linear.gather [hbm4b:s6+s22], $0x7D0, $0x38;
	[tilespmem:$0x1D4C0] =	vst v63  }
0x2d: {  	_ = 	snop  }
0x2e: {  	[tilespmem:s13], [sflag:$0x5] =	stream.linear.gather [hbm4b:s4+s22], $0x7D0, $0x38;
	[tilespmem:$0x1D4C0] =	vst v63  }
0x2f: {  	_ = 	snop  }
0x30: {  	[tilespmem:s14], [sflag:$0x6] =	stream.linear.gather [hbm4b:s7+s22], $0x7D0, $0x38;
	[tilespmem:$0x1D4C0] =	vst v63  }
.LBB2_4:
0x31: {  	_ =	swait.ge [sflag:s15], $0x7D0  }
0x32: {  	s23 =	smul.u32 $0xFA0, s22;
	[sflag:s15] =	ssyncset.done $0x0  }
0x33: {  	p0 =	seq.s32 s22, $0x27;
	s30 =	simm.s32 $0xE;
	[sflag:s15] =	ssyncadd.s32 $0xFFFFF830  }
0x34: {  	[tilespmem:s16], [sflag:$0x4] =	stream.indirect.gather [hbm4b:s5+s11], $0x8, s11, s11, $0xb8;
	[tilespmem:$0x1D4C0] =	vst v63  }
0x35: {  	s31 =	simm.s32 $0x2;
	s25 =	sshrl.u32 @!p0 s23, $0x3;
	_ =	swait.ge [sflag:s17], $0x3E80  }
0x36: {  	s29 =	simm.s32 $0x0;
	s24 =	sadd.s32 @!p0 s3, s25;
	[sflag:s17] =	ssyncset.done $0x0  }
0x37: {  	s28 =	simm.s32 @!p0 $0x0;
	v3 =	vor.u32 s30, v1;
	s26 =	sadd.s32 @!p0 $0x1F4, s24;
	[sflag:s17] =	ssyncadd.s32 $0xFFFFC180  }
0x38: {  	v5 =	vor.u32 s31, v1;
	[tilespmem:s28], [sflag:$0x1] =	stream.linear.gather @!p0 [hbm4b:s26+s28], $0x7D0, $0x38;
	[tilespmem:$0x1D4C0] =	vst v63  }
0x39: {  	v6 =	vor.u32 s29, v1;
	s30 =	simm.s32 $0x6;
	_ =	swait.ge [sflag:s18], $0x7D0  }
0x3a: {  	v8 =	vor.u32 s30, v1;
	s28 =	simm.s32 $0xC;
	[sflag:s18] =	ssyncset.done $0x0  }
0x3b: {  	v4 =	vor.u32 s28, v1;
	s28 =	simm.s32 $0x4;
	[sflag:s18] =	ssyncadd.s32 $0xFFFFF830  }
0x3c: {  	s31 =	simm.s32 $0x8;
	v7 =	vor.u32 s28, v1;
	v10 =	vld.idx.msk [tilespmem:v3+s13+$0x0], $0xffff  }
0x3d: {  	v11 =	vor.u32 s31, v1;
	s28 =	simm.s32 $0xA;
	v12 =	vld.idx.msk [tilespmem:v5+s13+$0x0], $0xffff  }
0x3e: {  	v14 =	vshll.u32 v6, $0x3;
	v13 =	vor.u32 s28, v1;
	v6 =	vld.idx.msk [tilespmem:v6+s13+$0x0], $0xffff  }
0x3f: {  	v14 =	vor.u32 v2, v14;
	v9 =	vshll.u32 v4, $0x3;
	v16 =	vld.idx.msk [tilespmem:v8+s13+$0x0], $0xffff  }
0x40: {  	v9 =	vor.u32 v2, v9;
	v5 =	vshll.u32 v5, $0x3;
	v4 =	vld.idx.msk [tilespmem:v4+s13+$0x0], $0xffff  }
0x41: {  	v5 =	vor.u32 v2, v5;
	v15 =	vld.idx.msk [tilespmem:v7+s13+$0x0], $0xffff;
	v7 =	vshll.u32 v7, $0x3  }
0x42: {  	v8 =	vshll.u32 v8, $0x3;
	v17 =	vld.idx.msk [tilespmem:v11+s13+$0x0], $0xffff;
	v11 =	vshll.u32 v11, $0x3;
	v7 =	vor.u32 v2, v7  }
0x43: {  	v18 =	vor.u32 v2, v8;
	v8 =	vshll.u32 v13, $0x3;
	v11 =	vor.u32 v2, v11;
	v19 =	vld.idx.msk [tilespmem:v13+s13+$0x0], $0xffff  }
0x44: {  	v13 =	vld.idx.msk [tilespmem:v14+s12+$0x0], $0xffff;
	v14 =	vor.u32 v2, v8  }
0x45: {  	v9 =	vld.idx.msk [tilespmem:v9+s12+$0x0], $0xffff;
	v4 =	vadd.s32 v2, v4  }
0x46: {  	v20 =	vld.idx.msk [tilespmem:v5+s12+$0x0], $0xffff  }
0x47: {  	v22 =	vadd.s32 v2, v12;
	v8 =	vld.idx.msk [tilespmem:v7+s12+$0x0], $0xffff  }
0x48: {  	v3 =	vshll.u32 v3, $0x3;
	v7 =	vadd.s32 v2, v6;
	v6 =	vld.idx.msk [tilespmem:v11+s12+$0x0], $0xffff  }
0x49: {  	v21 =	vor.u32 v2, v3;
	v5 =	vld.idx.msk [tilespmem:v14+s12+$0x0], $0xffff  }
0x4a: {  	v12 =	vadd.s32 v2, v15;
	[tilespmem:v4+s19+$0x0] =	vst.idx.add.f32.msk $0xffff, v9  }
0x4b: {  	v11 =	vadd.s32 v2, v16;
	v9 =	vld.idx.msk [tilespmem:v18+s12+$0x0], $0xffff  }
0x4c: {  	v3 =	vadd.s32 v2, v10;
	v10 =	vadd.s32 v2, v17;
	[tilespmem:v22+s19+$0x0] =	vst.idx.add.f32.msk $0xffff, v20  }
0x4d: {  	[tilespmem:v7+s19+$0x0] =	vst.idx.add.f32.msk $0xffff, v13;
	v7 =	vadd.s32 v2, v19  }
0x4e: {  	s26 =	simm.s32 $0x0;
	s28 =	simm.s32 $0x1E;
	v4 =	vld.idx.msk [tilespmem:v21+s12+$0x0], $0xffff  }
.LBB2_5:
0x4f: {  	s29 =	sadd.s32 $0xFFFFFFF4, s28;
	s30 =	sadd.s32 $0xFFFFFFFE, s28;
	v13 =	vor.u32 s28, v1;
	s26 =	sadd.s32 $0x8, s26;
	[tilespmem:v12+s19+$0x0] =	vst.idx.add.f32.msk $0xffff, v8  }
0x50: {  	s31 =	sadd.s32 $0xFFFFFFF8, s28;
	v8 =	vor.u32 s29, v1;
	s29 =	sadd.s32 $0xFFFFFFF6, s28;
	v12 =	vor.u32 s30, v1;
	v14 =	vshll.u32 v13, $0x3;
	p1 =	slt.u32 s26, $0x3E0;
	[tilespmem:v11+s19+$0x0] =	vst.idx.add.f32.msk $0xffff, v9  }
0x51: {  	s30 =	sadd.s32 $0xFFFFFFF2, s28;
	v15 =	vor.u32 s31, v1;
	s31 =	sadd.s32 $0xFFFFFFFC, s28;
	v9 =	vshll.u32 v8, $0x3;
	v11 =	vor.u32 s29, v1;
	s29 =	sadd.s32 $0xFFFFFFFA, s28;
	[tilespmem:v10+s19+$0x0] =	vst.idx.add.f32.msk $0xffff, v6  }
0x52: {  	v6 =	vor.u32 s30, v1;
	v16 =	vor.u32 s31, v1;
	v10 =	vor.u32 s29, v1;
	[tilespmem:v7+s19+$0x0] =	vst.idx.add.f32.msk $0xffff, v5  }
0x53: {  	v17 =	vshll.u32 v15, $0x3;
	v5 =	vshll.u32 v6, $0x3;
	v7 =	vshll.u32 v11, $0x3;
	[tilespmem:v3+s19+$0x0] =	vst.idx.add.f32.msk $0xffff, v4  }
0x54: {  	v18 =	vshll.u32 v12, $0x3;
	v3 =	vshll.u32 v10, $0x3;
	v4 =	vshll.u32 v16, $0x3;
	v13 =	vld.idx.msk [tilespmem:v13+s13+$0x0], $0xffff  }
0x55: {  	v9 =	vor.u32 v2, v9;
	v18 =	vor.u32 v2, v18;
	v5 =	vor.u32 v2, v5;
	v12 =	vld.idx.msk [tilespmem:v12+s13+$0x0], $0xffff  }
0x56: {  	v17 =	vor.u32 v2, v17;
	v7 =	vor.u32 v2, v7;
	v19 =	vor.u32 v2, v3;
	v8 =	vld.idx.msk [tilespmem:v8+s13+$0x0], $0xffff  }
0x57: {  	v14 =	vor.u32 v2, v14;
	v4 =	vor.u32 v2, v4;
	v6 =	vld.idx.msk [tilespmem:v6+s13+$0x0], $0xffff  }
0x58: {  	v11 =	vld.idx.msk [tilespmem:v11+s13+$0x0], $0xffff  }
0x59: {  	v15 =	vld.idx.msk [tilespmem:v15+s13+$0x0], $0xffff  }
0x5a: {  	v3 =	vadd.s32 v2, v13;
	v18 =	vld.idx.msk [tilespmem:v18+s12+$0x0], $0xffff  }
0x5b: {  	v13 =	vadd.s32 v2, v12;
	v10 =	vld.idx.msk [tilespmem:v10+s13+$0x0], $0xffff  }
0x5c: {  	v20 =	vadd.s32 v2, v8;
	v16 =	vld.idx.msk [tilespmem:v16+s13+$0x0], $0xffff  }
0x5d: {  	v21 =	vadd.s32 v2, v6;
	v22 =	vld.idx.msk [tilespmem:v5+s12+$0x0], $0xffff  }
0x5e: {  	v12 =	vadd.s32 v2, v11;
	v23 =	vld.idx.msk [tilespmem:v9+s12+$0x0], $0xffff  }
0x5f: {  	v11 =	vadd.s32 v2, v15;
	v8 =	vld.idx.msk [tilespmem:v7+s12+$0x0], $0xffff  }
0x60: {  	[tilespmem:v13+s19+$0x0] =	vst.idx.add.f32.msk $0xffff, v18  }
0x61: {  	v10 =	vadd.s32 v2, v10;
	v9 =	vld.idx.msk [tilespmem:v17+s12+$0x0], $0xffff  }
.Ltmp3:
0x62: {  	v7 =	vadd.s32 v2, v16;
	v6 =	vld.idx.msk [tilespmem:v19+s12+$0x0], $0xffff;
	(pc) =	sbr.rel @p1 .LBB2_5-.Ltmp3, $4  }
0x63: {  	v5 =	vld.idx.msk [tilespmem:v4+s12+$0x0], $0xffff  }
0x64: {  	v4 =	vld.idx.msk [tilespmem:v14+s12+$0x0], $0xffff  }
0x65: {  	[tilespmem:v21+s19+$0x0] =	vst.idx.add.f32.msk $0xffff, v22  }
0x66: {  	s28 =	sadd.s32 $0x10, s28;
	[tilespmem:v20+s19+$0x0] =	vst.idx.add.f32.msk $0xffff, v23  }
0x67: {  	_ =	sdelay $0x3  }
0x68: {  	[tilespmem:v12+s19+$0x0] =	vst.idx.add.f32.msk $0xffff, v8  }
0x69: {  	[tilespmem:v11+s19+$0x0] =	vst.idx.add.f32.msk $0xffff, v9  }
0x6a: {  	[tilespmem:v10+s19+$0x0] =	vst.idx.add.f32.msk $0xffff, v6  }
0x6b: {  	[tilespmem:v7+s19+$0x0] =	vst.idx.add.f32.msk $0xffff, v5  }
0x6c: {  	s26 =	simm.s32 @p0 $0x4;
	[tilespmem:v3+s19+$0x0] =	vst.idx.add.f32.msk $0xffff, v4  }
0x6d: {  	_ =	swait.ge @p0 [sflag:s26], $0x3E80  }
0x6e: {  	s25 =	sadd.s32 @!p0 s4, s25;
	s28 =	simm.s32 @!p0 $0xFA0;
	[sflag:s26] =	ssyncset.done @p0 $0x0  }
0x6f: {  	s25 =	sadd.s32 @!p0 $0x1F4, s25;
	[sflag:s26] =	ssyncadd.s32 @p0 $0xFFFFC180;
	s26 =	simm.s32 @!p0 $0x0  }
0x70: {  	[tilespmem:s28], [sflag:$0x5] =	stream.linear.gather @!p0 [hbm4b:s25+s26], $0x7D0, $0x38;
	[tilespmem:$0x1D4C0] =	vst v63  }
0x71: {  	s25 =	simm.s32 @!p0 $0x1  }
0x72: {  	_ =	swait.ge @!p0 [sflag:s25], $0x7D0  }
0x73: {  	[sflag:s25] =	ssyncset.done @!p0 $0x0  }
0x74: {  	s28 =	simm.s32 @!p0 $0x1F40;
	[sflag:s25] =	ssyncadd.s32 @!p0 $0xFFFFF830;
	s25 =	simm.s32 @!p0 $0x7D0  }
0x75: {  	[tilespmem:s28], [sflag:$0x3] =	stream.indirect.gather @!p0 [hbm4b:s5+s25], $0x8, s26, s25, $0xb8;
	[tilespmem:$0x1D4C0] =	vst v63  }
0x76: {  	s28 =	simm.s32 @!p0 $0x4  }
0x77: {  	_ =	swait.ge @!p0 [sflag:s28], $0x3E80  }
0x78: {  	s24 =	sadd.s32 @!p0 $0x2EE, s24;
	s29 =	simm.s32 $0xE;
	[sflag:s28] =	ssyncset.done @!p0 $0x0  }
0x79: {  	s30 =	simm.s32 $0xC;
	s31 =	simm.s32 $0x2;
	v3 =	vor.u32 s29, v1;
	[sflag:s28] =	ssyncadd.s32 @!p0 $0xFFFFC180  }
0x7a: {  	v4 =	vor.u32 s30, v1;
	[tilespmem:s25], [sflag:$0x2] =	stream.linear.gather @!p0 [hbm4b:s24+s26], $0x7D0, $0x38;
	[tilespmem:$0x1D4C0] =	vst v63  }
0x7b: {  	v5 =	vor.u32 s31, v1;
	s29 =	simm.s32 $0x6;
	_ =	swait.ge [sflag:s20], $0x7D0  }
0x7c: {  	s30 =	simm.s32 $0x8;
	v8 =	vor.u32 s29, v1;
	[sflag:s20] =	ssyncset.done $0x0  }
0x7d: {  	v11 =	vor.u32 s30, v1;
	s28 =	simm.s32 $0x4;
	[sflag:s20] =	ssyncadd.s32 $0xFFFFF830  }
0x7e: {  	s31 =	simm.s32 $0xA;
	s26 =	simm.s32 $0x0;
	v7 =	vor.u32 s28, v1;
	v10 =	vld.idx.msk [tilespmem:v3+s14+$0x0], $0xffff  }
0x7f: {  	v13 =	vor.u32 s31, v1;
	v9 =	vshll.u32 v4, $0x3;
	v6 =	vor.u32 s26, v1;
	v4 =	vld.idx.msk [tilespmem:v4+s14+$0x0], $0xffff  }
0x80: {  	v14 =	vshll.u32 v6, $0x3;
	v12 =	vld.idx.msk [tilespmem:v5+s14+$0x0], $0xffff  }
0x81: {  	v14 =	vor.u32 v2, v14;
	v16 =	vld.idx.msk [tilespmem:v8+s14+$0x0], $0xffff  }
0x82: {  	v9 =	vor.u32 v2, v9;
	v5 =	vshll.u32 v5, $0x3;
	v17 =	vld.idx.msk [tilespmem:v11+s14+$0x0], $0xffff  }
0x83: {  	v15 =	vld.idx.msk [tilespmem:v7+s14+$0x0], $0xffff;
	v7 =	vshll.u32 v7, $0x3;
	v5 =	vor.u32 v2, v5  }
0x84: {  	v8 =	vshll.u32 v8, $0x3;
	v11 =	vshll.u32 v11, $0x3;
	v19 =	vld.idx.msk [tilespmem:v13+s14+$0x0], $0xffff;
	v7 =	vor.u32 v2, v7  }
0x85: {  	v18 =	vor.u32 v2, v8;
	v8 =	vshll.u32 v13, $0x3;
	v11 =	vor.u32 v2, v11;
	v6 =	vld.idx.msk [tilespmem:v6+s14+$0x0], $0xffff  }
0x86: {  	v13 =	vld.idx.msk [tilespmem:v14+s16+$0x0], $0xffff;
	v14 =	vor.u32 v2, v8  }
0x87: {  	v9 =	vld.idx.msk [tilespmem:v9+s16+$0x0], $0xffff;
	v4 =	vadd.s32 v2, v4  }
0x88: {  	v3 =	vshll.u32 v3, $0x3;
	v20 =	vld.idx.msk [tilespmem:v5+s16+$0x0], $0xffff  }
0x89: {  	v21 =	vor.u32 v2, v3;
	v8 =	vld.idx.msk [tilespmem:v7+s16+$0x0], $0xffff  }
0x8a: {  	v7 =	vadd.s32 v2, v6;
	v6 =	vld.idx.msk [tilespmem:v11+s16+$0x0], $0xffff  }
0x8b: {  	v22 =	vadd.s32 v2, v12;
	v5 =	vld.idx.msk [tilespmem:v14+s16+$0x0], $0xffff  }
0x8c: {  	v12 =	vadd.s32 v2, v15;
	[tilespmem:v4+s19+$0x0] =	vst.idx.add.f32.msk $0xffff, v9  }
0x8d: {  	v11 =	vadd.s32 v2, v16;
	v9 =	vld.idx.msk [tilespmem:v18+s16+$0x0], $0xffff  }
0x8e: {  	v3 =	vadd.s32 v2, v10;
	v10 =	vadd.s32 v2, v17;
	v4 =	vld.idx.msk [tilespmem:v21+s16+$0x0], $0xffff  }
0x8f: {  	[tilespmem:v7+s19+$0x0] =	vst.idx.add.f32.msk $0xffff, v13;
	v7 =	vadd.s32 v2, v19  }
0x90: {  	s24 =	simm.s32 $0x0;
	s25 =	simm.s32 $0x1E;
	[tilespmem:v22+s19+$0x0] =	vst.idx.add.f32.msk $0xffff, v20  }
.LBB2_7:
0x91: {  	s26 =	sadd.s32 $0xFFFFFFF4, s25;
	s28 =	sadd.s32 $0xFFFFFFFE, s25;
	v13 =	vor.u32 s25, v1;
	s24 =	sadd.s32 $0x8, s24;
	[tilespmem:v12+s19+$0x0] =	vst.idx.add.f32.msk $0xffff, v8  }
0x92: {  	s29 =	sadd.s32 $0xFFFFFFF8, s25;
	v8 =	vor.u32 s26, v1;
	s26 =	sadd.s32 $0xFFFFFFF6, s25;
	v12 =	vor.u32 s28, v1;
	v14 =	vshll.u32 v13, $0x3;
	p1 =	slt.u32 s24, $0x3E0;
	[tilespmem:v11+s19+$0x0] =	vst.idx.add.f32.msk $0xffff, v9  }
0x93: {  	s28 =	sadd.s32 $0xFFFFFFF2, s25;
	v15 =	vor.u32 s29, v1;
	s29 =	sadd.s32 $0xFFFFFFFC, s25;
	v9 =	vshll.u32 v8, $0x3;
	v11 =	vor.u32 s26, v1;
	s26 =	sadd.s32 $0xFFFFFFFA, s25;
	[tilespmem:v10+s19+$0x0] =	vst.idx.add.f32.msk $0xffff, v6  }
0x94: {  	v6 =	vor.u32 s28, v1;
	v16 =	vor.u32 s29, v1;
	v10 =	vor.u32 s26, v1;
	[tilespmem:v7+s19+$0x0] =	vst.idx.add.f32.msk $0xffff, v5  }
0x95: {  	v17 =	vshll.u32 v15, $0x3;
	v5 =	vshll.u32 v6, $0x3;
	v7 =	vshll.u32 v11, $0x3;
	[tilespmem:v3+s19+$0x0] =	vst.idx.add.f32.msk $0xffff, v4  }
0x96: {  	v18 =	vshll.u32 v12, $0x3;
	v3 =	vshll.u32 v10, $0x3;
	v4 =	vshll.u32 v16, $0x3;
	v13 =	vld.idx.msk [tilespmem:v13+s14+$0x0], $0xffff  }
0x97: {  	v9 =	vor.u32 v2, v9;
	v18 =	vor.u32 v2, v18;
	v5 =	vor.u32 v2, v5;
	v12 =	vld.idx.msk [tilespmem:v12+s14+$0x0], $0xffff  }
0x98: {  	v17 =	vor.u32 v2, v17;
	v7 =	vor.u32 v2, v7;
	v19 =	vor.u32 v2, v3;
	v8 =	vld.idx.msk [tilespmem:v8+s14+$0x0], $0xffff  }
0x99: {  	v14 =	vor.u32 v2, v14;
	v4 =	vor.u32 v2, v4;
	v6 =	vld.idx.msk [tilespmem:v6+s14+$0x0], $0xffff  }
0x9a: {  	v11 =	vld.idx.msk [tilespmem:v11+s14+$0x0], $0xffff  }
0x9b: {  	v15 =	vld.idx.msk [tilespmem:v15+s14+$0x0], $0xffff  }
0x9c: {  	v3 =	vadd.s32 v2, v13;
	v18 =	vld.idx.msk [tilespmem:v18+s16+$0x0], $0xffff  }
0x9d: {  	v13 =	vadd.s32 v2, v12;
	v10 =	vld.idx.msk [tilespmem:v10+s14+$0x0], $0xffff  }
0x9e: {  	v20 =	vadd.s32 v2, v8;
	v16 =	vld.idx.msk [tilespmem:v16+s14+$0x0], $0xffff  }
0x9f: {  	v21 =	vadd.s32 v2, v6;
	v22 =	vld.idx.msk [tilespmem:v5+s16+$0x0], $0xffff  }
0xa0: {  	v12 =	vadd.s32 v2, v11;
	v23 =	vld.idx.msk [tilespmem:v9+s16+$0x0], $0xffff  }
0xa1: {  	v11 =	vadd.s32 v2, v15;
	v8 =	vld.idx.msk [tilespmem:v7+s16+$0x0], $0xffff  }
0xa2: {  	[tilespmem:v13+s19+$0x0] =	vst.idx.add.f32.msk $0xffff, v18  }
0xa3: {  	v10 =	vadd.s32 v2, v10;
	v9 =	vld.idx.msk [tilespmem:v17+s16+$0x0], $0xffff  }
.Ltmp4:
0xa4: {  	v7 =	vadd.s32 v2, v16;
	v6 =	vld.idx.msk [tilespmem:v19+s16+$0x0], $0xffff;
	(pc) =	sbr.rel @p1 .LBB2_7-.Ltmp4, $4  }
0xa5: {  	v5 =	vld.idx.msk [tilespmem:v4+s16+$0x0], $0xffff  }
0xa6: {  	v4 =	vld.idx.msk [tilespmem:v14+s16+$0x0], $0xffff  }
0xa7: {  	[tilespmem:v21+s19+$0x0] =	vst.idx.add.f32.msk $0xffff, v22  }
0xa8: {  	s25 =	sadd.s32 $0x10, s25;
	[tilespmem:v20+s19+$0x0] =	vst.idx.add.f32.msk $0xffff, v23  }
0xa9: {  	_ =	sdelay $0x3  }
.Ltmp5:
0xaa: {  	[tilespmem:v12+s19+$0x0] =	vst.idx.add.f32.msk $0xffff, v8;
	(pc) =	sbr.rel @p0 .LBB2_10-.Ltmp5, $4  }
0xab: {  	[tilespmem:v11+s19+$0x0] =	vst.idx.add.f32.msk $0xffff, v9  }
0xac: {  	[tilespmem:v10+s19+$0x0] =	vst.idx.add.f32.msk $0xffff, v6  }
0xad: {  	[tilespmem:v7+s19+$0x0] =	vst.idx.add.f32.msk $0xffff, v5  }
0xae: {  	[tilespmem:v3+s19+$0x0] =	vst.idx.add.f32.msk $0xffff, v4  }
.Ltmp6:
0xaf: {  	(pc) =	sbr.rel .LBB2_4-.Ltmp6, $4  }
0xb0: {  	s23 =	sshrl.u32 s23, $0x3  }
0xb1: {  	s23 =	sadd.s32 s4, s23  }
0xb2: {  	s22 =	sadd.s32 $0x1, s22;
	s23 =	sadd.s32 $0x2EE, s23  }
0xb3: {  	[tilespmem:s14], [sflag:$0x6] =	stream.linear.gather [hbm4b:s23+s2], $0x7D0, $0x38;
	[tilespmem:$0x1D4C0] =	vst v63  }
.LBB2_11:
0xb4: {  	_ =	sfence.sel $0x180000  }
0xb5: {  	[bflag:$0x0] =	sbarrier.arrive $0xFFFF  }
0xb6: {  	p0 =	sne.s32 s1, $0x0;
	_ =	strace $0x9000004A  }
0xb7: {  	s0 =	sadd.s32 @!p0 $0x100000, s0;
	[bflag:$0x2] =	sbarrier.arrive $0xFFFF  }
0xb8: {  	[sflag:s0] =	ssyncadd.tile.s32 @!p0 $0x1;
	_ =	shalt  }
.Lfunc_end2:
_tile_overlayer_lowered:
.L_overlay_start_2:
0xb9: {  	(tag) =	ssettag $0x2  }
0xba: {  	s0 =	rddreg [dreg:$0x0];
	s2 =	stileid.u32  }
0xbb: {  	s1 =	rddreg [dreg:$0x1];
	p0 =	sne.s32 s2, $0x0  }
0xbc: {  	s3 =	rddreg [dreg:$0x2];
	[bflag:$0x3] =	sbarrier.arrive $0xFFFF;
	s2 =	simm.s32 @!p0 $0x1C07  }
0xbd: {  	[timem:s3], [sflag:s2] =	dma.local @!p0 [hbm:s0], s1  }
0xbe: {  	s0 =	simm.s32 @!p0 $0x7  }
0xbf: {  	_ =	swait.ge @!p0 [sflag:s0], s1  }
0xc0: {  	s1 =	ssub.s32 @!p0 $0x0, s1;
	[sflag:s0] =	ssyncset.done @!p0 $0x0  }
0xc1: {  	[sflag:s0] =	ssyncadd.s32 @!p0 s1  }
0xc2: {  	[bflag:$0x3] =	sbarrier.arrive $0xFFFF  }
0xc3: {  	_ =	shalt  }

// kernel: kernel.15.cloned.1.call-start
scs
__scs_entry_jumppad:
0x0: {  	(pc) =	sbr.rel $0x88, $3  }
0x1: {  	(tag) =	ssettag $0x0;
	lr =	simm.s32 $0x1  }
0x2: {  	[smem:$0x3F9B] =	sst lr;
	_ =	strace $0xD0000000  }
0x3: {  	_ = 	snop  }
0x4: {  	_ = 	snop  }
0x5: {  	_ = 	snop  }
0x6: {  	_ = 	snop  }
0x7: {  	_ = 	snop  }
__scs_overlays_trampoline_lowered:
0x8: {  	[smem:$0x3FAA] =	sst s0  }
0x9: {  	[smem:$0x3FAB] =	sst s1  }
0xa: {  	[smem:$0x3FAC] =	sst s2  }
0xb: {  	[smem:$0x3FAD] =	sst s3  }
0xc: {  	[smem:$0x3FAE] =	sst s4  }
0xd: {  	[smem:$0x3FAF] =	sst s5  }
0xe: {  	[smem:$0x3FB0] =	sst s6  }
0xf: {  	[smem:$0x3FB1] =	sst s7  }
0x10: {  	[smem:$0x3FB2] =	sst s8  }
0x11: {  	[smem:$0x3FB3] =	sst s9;
	s0 =	simm.s32 @!p0 $0x0  }
0x12: {  	s1 =	sld [smem:$0x3F99];
	s0 =	simm.s32 @p0 $0x1  }
0x13: {  	[smem:$0x3FB4] =	sst s0;
	s0 =	simm.s32 @!p1 $0x0  }
0x14: {  	s2 =	sld [smem:$0x3F98];
	s0 =	simm.s32 @p1 $0x1  }
0x15: {  	[smem:$0x3FB5] =	sst s0;
	s0 =	simm.s32 @!p2 $0x0  }
0x16: {  	s3 =	sld [smem:$0x3FDB];
	s0 =	simm.s32 @p2 $0x1  }
0x17: {  	s4 =	simm.s32 $0x1BF5;
	[smem:$0x3FB7] =	sst s0  }
0x18: {  	s0 =	sld [smem:$0x3F9A];
	_ =	swait.ge [sflag:s4], $0x0  }
0x19: {  	s7 =	sld [smem:$0x3F9B]  }
0x1a: {  	s8 =	sadd.s32 $0xFFFFE003, lr  }
0x1b: {  	s9 =	sadd.s32 $0xFFFFFEF7, lr;
	s5 =	simm.s32 $0xFFFFFFFF;
	p2 =	slt.u32 s8, $0xFFFFF086  }
0x1c: {  	p1 =	slt.u32 s9, $0xF7A;
	s5 =	simm.s32 @!p2 $0x0  }
0x1d: {  	s5 =	simm.s32 @p1 $0x1;
	p0 =	seq.s32 s7, s2  }
0x1e: {  	s7 =	smul.u32 @!p0 $0xF7A, s2;
	p2 =	seq.s32 @!p0 s5, $0x0  }
0x1f: {  	s9 =	smul.u32 $0xF7A, s1;
	s8 =	simm.s32 @!p0 $0x1BF5;
	p2 =	por !p2, p0  }
0x20: {  	[sflag:s8] =	ssyncset.s32 @!p0 $0xFFFFF086;
	s6 =	sadd.s32 @!p0 s3, s7;
	s7 =	simm.s32 @!p0 $0x108  }
0x21: {  	s3 =	sadd.s32 s3, s9;
	s6 =	sadd.s32 @!p0 $0x88, s6;
	s7 =	simm.s32 @p2 $0x1082  }
0x22: {  	[simem:s7], [sflag:s8] =	dma.local @!p0 [hbm:s6], $0xF7A  }
0x23: {  	s9 =	sor.u32 $0xD0000000, s2;
	s6 =	simm.s32 $0x108;
	_ =	swait.ge @!p0 [sflag:s8], $0x0  }
0x24: {  	s3 =	sadd.s32 $0x88, s3;
	s6 =	simm.s32 @!p1 $0x1082;
	[sflag:s4] =	ssyncset.s32 $0xFFFFF086  }
0x25: {  	[simem:s6], [sflag:s4] =	dma.local [hbm:s3], $0xF7A  }
0x26: {  	[smem:$0x3F9B] =	sst s1;
	(tag) =	ssettag s2;
	_ =	strace s9  }
0x27: {  	s1 =	sld [smem:$0x3FAB]  }
0x28: {  	s2 =	sld [smem:$0x3FAC]  }
0x29: {  	s4 =	sld [smem:$0x3FAE]  }
0x2a: {  	p0 =	seq.s32 s5, $0x0;
	s5 =	sld [smem:$0x3FAF]  }
0x2b: {  	s6 =	sld [smem:$0x3FB0]  }
0x2c: {  	s7 =	sld [smem:$0x3FB1]  }
0x2d: {  	s3 =	simm.s32 $0x108;
	s8 =	sld [smem:$0x3FB2]  }
0x2e: {  	s3 =	simm.s32 @!p0 $0x1082;
	s9 =	sld [smem:$0x3FB3]  }
0x2f: {  	lr =	sadd.s32 s0, s3;
	s0 =	sld [smem:$0x3FAA]  }
0x30: {  	s3 =	sld [smem:$0x3FAD]  }
0x31: {  	[smem:$0x3FB6] =	sst s10  }
0x32: {  	s10 =	sld [smem:$0x3FB4];
	_ =	sdelay $0x3  }
0x33: {  	p0 =	seq.s32 s10, $0x1;
	s10 =	sld [smem:$0x3FB6];
	_ =	sdelay $0x3  }
0x34: {  	[smem:$0x3FB6] =	sst s10  }
0x35: {  	s10 =	sld [smem:$0x3FB5];
	_ =	sdelay $0x3  }
0x36: {  	p1 =	seq.s32 s10, $0x1;
	s10 =	sld [smem:$0x3FB6];
	_ =	sdelay $0x3  }
0x37: {  	[smem:$0x3FB6] =	sst s10  }
0x38: {  	s10 =	sld [smem:$0x3FB7]  }
0x39: {  	_ = 	snop;
	(pc) =	sbr.ind lr, $3  }
0x3a: {  	_ = 	snop  }
0x3b: {  	_ = 	snop  }
0x3c: {  	p2 =	seq.s32 s10, $0x1;
	s10 =	sld [smem:$0x3FB6]  }
0x3d: {  	_ =	shalt  }
0x3e: {  	_ =	shalt  }
0x3f: {  	_ =	shalt  }
0x40: {  	_ =	shalt  }
0x41: {  	_ =	shalt  }
0x42: {  	_ =	shalt  }
0x43: {  	_ =	shalt  }
0x44: {  	_ =	shalt  }
0x45: {  	_ =	shalt  }
0x46: {  	_ =	shalt  }
0x47: {  	_ =	shalt  }
0x48: {  	_ =	shalt  }
0x49: {  	_ =	shalt  }
0x4a: {  	_ =	shalt  }
0x4b: {  	_ =	shalt  }
0x4c: {  	_ =	shalt  }
0x4d: {  	_ =	shalt  }
0x4e: {  	_ =	shalt  }
0x4f: {  	_ =	shalt  }
0x50: {  	_ =	shalt  }
0x51: {  	_ =	shalt  }
0x52: {  	_ =	shalt  }
0x53: {  	_ =	shalt  }
0x54: {  	_ =	shalt  }
0x55: {  	_ =	shalt  }
0x56: {  	_ =	shalt  }
0x57: {  	_ =	shalt  }
0x58: {  	_ =	shalt  }
0x59: {  	_ =	shalt  }
0x5a: {  	_ =	shalt  }
0x5b: {  	_ =	shalt  }
0x5c: {  	_ =	shalt  }
0x5d: {  	_ =	shalt  }
0x5e: {  	_ =	shalt  }
0x5f: {  	_ =	shalt  }
0x60: {  	_ =	shalt  }
0x61: {  	_ =	shalt  }
0x62: {  	_ =	shalt  }
0x63: {  	_ =	shalt  }
0x64: {  	_ =	shalt  }
0x65: {  	_ =	shalt  }
0x66: {  	_ =	shalt  }
0x67: {  	_ =	shalt  }
0x68: {  	_ =	shalt  }
0x69: {  	_ =	shalt  }
0x6a: {  	_ =	shalt  }
0x6b: {  	_ =	shalt  }
0x6c: {  	_ =	shalt  }
0x6d: {  	_ =	shalt  }
0x6e: {  	_ =	shalt  }
0x6f: {  	_ =	shalt  }
0x70: {  	_ =	shalt  }
0x71: {  	_ =	shalt  }
0x72: {  	_ =	shalt  }
0x73: {  	_ =	shalt  }
0x74: {  	_ =	shalt  }
0x75: {  	_ =	shalt  }
0x76: {  	_ =	shalt  }
0x77: {  	_ =	shalt  }
0x78: {  	_ =	shalt  }
0x79: {  	_ =	shalt  }
0x7a: {  	_ =	shalt  }
0x7b: {  	_ =	shalt  }
0x7c: {  	_ =	shalt  }
0x7d: {  	_ =	shalt  }
0x7e: {  	_ =	shalt  }
0x7f: {  	_ =	shalt  }
0x80: {  	_ =	shalt  }
0x81: {  	_ =	shalt  }
0x82: {  	_ =	shalt  }
0x83: {  	_ =	shalt  }
0x84: {  	_ =	shalt  }
0x85: {  	_ =	shalt  }
0x86: {  	_ =	shalt  }
0x87: {  	_ =	shalt  }
.Lfunc_end0:
.L_simem_size_0:
called_computation.2_lowered:
.L_overlay_start_0:
0x88: {  	s2 =	sld [smem:$0x3FD9]  }
0x89: {  	s3 =	sld [smem:$0x3FFE];
	_ =	sdelay $0x1  }
0x8a: {  	s1 =	srdreg.scid  }
0x8b: {  	s0 =	sand.u32 $0x1, s1  }
0x8c: {  	s16 =	sshll.u32 s0, $0xA;
	s2 =	sadd.s32 s3, s2  }
0x8d: {  	s2 =	sadd.s32 s2, s16  }
0x8e: {  	[smem:$0x3FC2] =	sst s2  }
0x8f: {  	_ = 	snop  }
0x90: {  	(tm) =	ssettm $0x1  }
0x91: {  	s17 =	sld [smem:$0x3FFB];
	_ =	sdelay $0x3  }
0x92: {  	_ =	strace s17  }
0x93: {  	s2 =	sld [smem:$0x3FFC];
	_ =	sdelay $0x3  }
0x94: {  	_ =	strace s2  }
0x95: {  	s2 =	sld [smem:$0x3FFD];
	_ =	sdelay $0x3  }
0x96: {  	_ =	strace s2  }
0x97: {  	_ =	strace $0x8FFFFFFF  }
0x98: {  	s18 =	sld [smem:$0x3FDB];
	_ =	sdelay $0x1  }
0x99: {  	s19 =	simm.s32 $_scs_section_size  }
0x9a: {  	s4 =	simm.s32 $_size__tile_overlayer_lowered;
	s5 =	simm.s32 $_tile_overlayer_lowered  }
0x9b: {  	s22 =	simm.s32 $0x1BFF;
	s21 =	sshll.u32 s5, $0x1;
	s2 =	sadd.s32 s19, s18  }
0x9c: {  	s6 =	simm.s32 $0x0;
	s20 =	sshll.u32 s4, $0x1;
	s4 =	sadd.s32 s21, s2  }
0x9d: {  	[timem:s6], [sflag:s22] =	dma.local [hbm:s4], s20  }
0x9e: {  	_ =	swait.ge [sflag:s22], s20  }
0x9f: {  	s3 =	ssub.s32 $0x0, s20;
	[sflag:s22] =	ssyncset.done $0x0  }
0xa0: {  	[sflag:s22] =	ssyncadd.s32 s3;
	_ =	sdelay $0x1  }
0xa1: {  	s23 =	simm.s32 $0x1B8B  }
0xa2: {  	_ =	swait.ge [sflag:s23], $0x1  }
0xa3: {  	[sflag:s23] =	ssyncset.done $0x0  }
0xa4: {  	s25 =	simm.s32 $0x1B8E;
	s24 =	sld [smem:$0x3FFE];
	[sflag:s23] =	ssyncadd.s32 $0xFFFFFFFF  }
0xa5: {  	s26 =	simm.s32 $execute0_lowered;
	[smem:$0x3FD2] =	sst s25  }
0xa6: {  	s4 =	sshll.u32 s26, $0x1;
	_ =	strace $0x8000004C;
	[dreg:$0x1] =	wrdreg $0xFFFFFFFF  }
0xa7: {  	s28 =	simm.s32 $_size_execute0_lowered;
	s2 =	sadd.s32 s2, s4;
	[dreg:$0x0] =	wrdreg $0x0  }
0xa8: {  	s4 =	sshll.u32 s28, $0x1;
	[dreg:$0x2] =	wrdreg s2  }
0xa9: {  	[dreg:$0x3] =	wrdreg s4  }
0xaa: {  	[dreg:$0x4] =	wrdreg $0xC0  }
0xab: {  	_ =	task [dreg:s6], $0x5FFFF  }
0xac: {  	[dreg:$0x1] =	wrdreg $0xFFFFFFFF  }
0xad: {  	[dreg:$0x0] =	wrdreg $0x60  }
0xae: {  	[dreg:$0x2] =	wrdreg s24  }
0xaf: {  	[dreg:$0x3] =	wrdreg $0x9  }
0xb0: {  	_ =	task.clear_ibuf [dreg:s6], $0x4FFFF;
	_ =	strace $0x9000004C  }
0xb1: {  	s29 =	simm.s32 $0x9;
	_ =	strace $0x8000004E  }
0xb2: {  	_ =	swait.ge [sflag:s29], $0x1  }
0xb3: {  	[sflag:s29] =	ssyncadd.s32 $0xFFFFFFFF  }
0xb4: {  	_ =	strace $0x9000004E  }
0xb5: {  	_ =	sfence  }
0xb6: {  	s30 =	sld [smem:$0x0];
	_ =	sdelay $0x2  }
0xb7: {  	s31 =	sshll.u32 s1, $0xD;
	s1 =	sshrl.u32 s1, $0x2  }
0xb8: {  	s3 =	sand.u32 $0x4000, s31;
	s1 =	sadd.s32 s1, s30  }
0xb9: {  	s0 =	sor.u32 s3, s0;
	s1 =	sshll.u32 s1, $0x11  }
0xba: {  	s0 =	sor.u32 s1, s0  }
0xbb: {  	s0 =	sadd.s32 $0x8F2B, s0  }
0xbc: {  	[sflag:s0] =	ssyncadd.remote.s32 $0x1  }
0xbd: {  	_ =	sfence.sel $0xFFFF  }
0xbe: {  	[dreg:$0x0] =	wrdreg $0xFFFFFFFF;
	(pc) =	sbr.abs _section_cstart, $3  }
0xbf: {  	[dreg:$0x1] =	wrdreg $0xFFFFFFFF  }
0xc0: {  	_ =	task.clear_ibuf [dreg:s6], $0x2FFFF;
	_ =	strace $0x9FFFFFFF  }
0xc1: {  	(tm) =	ssettm $0x7FFFFFFF  }
tec
execute0_lowered:
.L_overlay_start_1:
0x0: {  	(tag) =	ssettag $0x1  }
0x1: {  	s7 =	rddreg [dreg:$0x0];
	s1 =	simm.s32 $0x0;
	s5 =	srdreg.scid  }
0x2: {  	s0 =	stileid.u32;
	s15 =	simm.s32 $0xFA0;
	s16 =	simm.s32 $0x1770  }
0x3: {  	s17 =	simm.s32 $0x2;
	s18 =	simm.s32 $0x5DC0;
	s19 =	simm.s32 $0x3  }
0x4: {  	s20 =	simm.s32 $0x5;
	s21 =	simm.s32 $0x9C40;
	s22 =	simm.s32 $0x6  }
0x5: {  	s23 =	simm.s32 $0x0;
	[smem:$0x7FF] =	sst s1;
	s9 =	sadd.s32 $0x109800, s7  }
0x6: {  	s3 =	sadd.s32 $0x1400, s7;
	s4 =	sadd.s32 $0x1A200, s7;
	s5 =	sand.u32 $0x1, s5  }
0x7: {  	s6 =	sshll.u32 s0, $0x1;
	s10 =	sadd.s32 $0x1A5C00, s7;
	_ =	strace $0x8000004D  }
0x8: {  	s8 =	ssub.s32 $0x2, s5;
	s5 =	sor.u32 s5, s6;
	s6 =	sadd.s32 $0x14FA, s7  }
.Ltmp0:
0x9: {  	s7 =	sadd.s32 $0x1A2FA, s7;
	s31 =	sshrl.u32 s8, $0x1;
	(pc) =	sbr.rel .LBB2_1-.Ltmp0, $4  }
0xa: {  	s11 =	smul.u32 $0x2710, s5;
	s12 =	sor.u32 $0x20, s5;
	s5 =	sadd.s32 s9, s5  }
0xb: {  	s13 =	ssub.s32 s8, s31;
	s14 =	smul.u32 $0x2710, s12;
	s9 =	sadd.s32 s9, s12  }
0xc: {  	v2 =	vlaneseq.u32;
	s12 =	simm.s32 $0x7;
	s8 =	sadd.s32 s10, s11;
	s11 =	smax.u32 s13, $0x1  }
0xd: {  	v0 =	vimm.f32 $0.0e+00;
	v1 =	vshrl.u32 v2, $0x3;
	v2 =	vand.u32 $0x7, v2;
	s13 =	simm.s32 $0x7D0;
	s10 =	sadd.s32 s10, s14;
	s14 =	simm.s32 $0x1F40  }
.LBB2_19:
0xe: {  	s23 =	sadd.s32 $0x1, s23  }
0xf: {  	p0 =	sne.s32 s23, s11  }
.Ltmp1:
0x10: {  	_ = 	snop;
	(pc) =	sbr.rel @!p0 .LBB2_20-.Ltmp1, $4  }
0x11: {  	[hbm4b:s10+s1] =	stream.linear.scatter [tilespmem:s21], [sflag:$0x7], $0x13880, $0x38;
	[tilespmem:$0x1D4C0] =	vst v63  }
0x12: {  	_ =	swait.ge [sflag:s12], $0x13880  }
0x13: {  	[sflag:s12] =	ssyncset.done $0x0  }
0x14: {  	[sflag:s12] =	ssyncadd.s32 $0xFFFEC780  }
.LBB2_1:
0x15: {  	s24 =	simm.s32 $0x9C80  }
0x16: {  	[tilespmem:s24+$0xFFFFFFC0] =	vst v0  }
0x17: {  	[tilespmem:s24+$0x30] =	vst v0  }
0x18: {  	[tilespmem:s24+$0x20] =	vst v0  }
0x19: {  	[tilespmem:s24+$0x10] =	vst v0  }
0x1a: {  	[tilespmem:s24+$0x0] =	vst v0  }
0x1b: {  	[tilespmem:s24+$0xFFFFFFF0] =	vst v0  }
0x1c: {  	s25 =	simm.s32 $0x0;
	[tilespmem:s24+$0xFFFFFFE0] =	vst v0  }
.LBB2_2:
0x1d: {  	s25 =	sadd.s32 $0x8, s25;
	[tilespmem:s24+$0xFFFFFFD0] =	vst v0;
	s24 =	sadd.s32 $0x80, s24  }
0x1e: {  	[tilespmem:s24+$0xFFFFFFC0] =	vst v0;
	p0 =	slt.u32 s25, $0x1380  }
0x1f: {  	[tilespmem:s24+$0x30] =	vst v0  }
.Ltmp2:
0x20: {  	[tilespmem:s24+$0x20] =	vst v0;
	(pc) =	sbr.rel @p0 .LBB2_2-.Ltmp2, $4  }
0x21: {  	[tilespmem:s24+$0x10] =	vst v0  }
0x22: {  	[tilespmem:s24+$0x0] =	vst v0  }
0x23: {  	[tilespmem:s24+$0xFFFFFFF0] =	vst v0  }
0x24: {  	[tilespmem:s24+$0xFFFFFFE0] =	vst v0  }
0x25: {  	[tilespmem:s24+$0xFFFFFFD0] =	vst v0;
	s24 =	simm.s32 $0x0  }
0x26: {  	[tilespmem:s24], [sflag:$0x7] =	stream.linear.gather [hbm4b:s3+s24], $0x7D0, $0x38;
	[tilespmem:$0x1D4C0] =	vst v63  }
0x27: {  	_ =	swait.ge [sflag:s12], $0x7D0  }
0x28: {  	[sflag:s12] =	ssyncset.done $0x0  }
0x29: {  	[sflag:s12] =	ssyncadd.s32 $0xFFFFF830  }
0x2a: {  	[tilespmem:s14], [sflag:$0x3] =	stream.indirect.gather [hbm4b:s5+s13], $0x8, s24, s13, $0xb8;
	[tilespmem:$0x1D4C0] =	vst v63  }
0x2b: {  	_ = 	snop  }
0x2c: {  	[tilespmem:s13], [sflag:$0x2] =	stream.linear.gather [hbm4b:s6+s24], $0x7D0, $0x38;
	[tilespmem:$0x1D4C0] =	vst v63  }
0x2d: {  	_ = 	snop  }
0x2e: {  	[tilespmem:s15], [sflag:$0x5] =	stream.linear.gather [hbm4b:s4+s24], $0x7D0, $0x38;
	[tilespmem:$0x1D4C0] =	vst v63  }
0x2f: {  	_ = 	snop  }
0x30: {  	[tilespmem:s16], [sflag:$0x6] =	stream.linear.gather [hbm4b:s7+s24], $0x7D0, $0x38;
	[tilespmem:$0x1D4C0] =	vst v63  }
.LBB2_4:
0x31: {  	_ =	swait.ge [sflag:s17], $0x7D0  }
0x32: {  	[sflag:s17] =	ssyncset.done $0x0  }
0x33: {  	s25 =	smul.u32 $0xFA0, s24;
	p0 =	seq.s32 s24, $0x27;
	[sflag:s17] =	ssyncadd.s32 $0xFFFFF830  }
0x34: {  	[tilespmem:s18], [sflag:$0x4] =	stream.indirect.gather [hbm4b:s5+s13], $0x8, s13, s13, $0xb8;
	[tilespmem:$0x1D4C0] =	vst v63  }
0x35: {  	s28 =	sshrl.u32 @!p0 s25, $0x3;
	_ =	swait.ge [sflag:s19], $0x3E80  }
0x36: {  	s26 =	sadd.s32 @!p0 s3, s28;
	[sflag:s19] =	ssyncset.done $0x0  }
0x37: {  	s30 =	simm.s32 @!p0 $0x0;
	s29 =	sadd.s32 @!p0 $0x1F4, s26;
	[sflag:s19] =	ssyncadd.s32 $0xFFFFC180  }
0x38: {  	[tilespmem:s30], [sflag:$0x1] =	stream.linear.gather @!p0 [hbm4b:s29+s30], $0x7D0, $0x38;
	[tilespmem:$0x1D4C0] =	vst v63  }
0x39: {  	s29 =	simm.s32 $0xE  }
0x3a: {  	s30 =	simm.s32 $0xC;
	v3 =	vor.u32 s29, v1  }
0x3b: {  	s29 =	simm.s32 $0x2;
	v4 =	vor.u32 s30, v1  }
0x3c: {  	_ =	swait.ge [sflag:s20], $0x7D0;
	s30 =	simm.s32 $0x4;
	v5 =	vor.u32 s29, v1  }
0x3d: {  	s29 =	simm.s32 $0x0;
	[sflag:s20] =	ssyncset.done $0x0;
	v7 =	vor.u32 s30, v1  }
0x3e: {  	v9 =	vshll.u32 v4, $0x3;
	v6 =	vor.u32 s29, v1;
	[sflag:s20] =	ssyncadd.s32 $0xFFFFF830  }
0x3f: {  	s30 =	simm.s32 $0xA;
	v9 =	vor.u32 v2, v9;
	v10 =	vld.idx.msk [tilespmem:v3+s15+$0x0], $0xffff  }
0x40: {  	s29 =	simm.s32 $0x6;
	v13 =	vor.u32 s30, v1;
	v4 =	vld.idx.msk [tilespmem:v4+s15+$0x0], $0xffff  }
0x41: {  	v8 =	vor.u32 s29, v1;
	s29 =	simm.s32 $0x8;
	v12 =	vld.idx.msk [tilespmem:v5+s15+$0x0], $0xffff  }
0x42: {  	v14 =	vshll.u32 v6, $0x3;
	v11 =	vor.u32 s29, v1;
	v15 =	vld.idx.msk [tilespmem:v7+s15+$0x0], $0xffff  }
0x43: {  	v14 =	vor.u32 v2, v14;
	v5 =	vshll.u32 v5, $0x3;
	v6 =	vld.idx.msk [tilespmem:v6+s15+$0x0], $0xffff  }
0x44: {  	v7 =	vshll.u32 v7, $0x3;
	v5 =	vor.u32 v2, v5;
	v9 =	vld.idx.msk [tilespmem:v9+s14+$0x0], $0xffff  }
0x45: {  	v7 =	vor.u32 v2, v7;
	v19 =	vld.idx.msk [tilespmem:v13+s15+$0x0], $0xffff  }
0x46: {  	v16 =	vld.idx.msk [tilespmem:v8+s15+$0x0], $0xffff;
	v8 =	vshll.u32 v8, $0x3;
	v4 =	vadd.s32 v2, v4  }
0x47: {  	v17 =	vld.idx.msk [tilespmem:v11+s15+$0x0], $0xffff;
	v11 =	vshll.u32 v11, $0x3;
	v18 =	vor.u32 v2, v8  }
0x48: {  	v8 =	vshll.u32 v13, $0x3;
	v13 =	vld.idx.msk [tilespmem:v14+s14+$0x0], $0xffff;
	v11 =	vor.u32 v2, v11  }
0x49: {  	v3 =	vshll.u32 v3, $0x3;
	v14 =	vor.u32 v2, v8;
	v20 =	vld.idx.msk [tilespmem:v5+s14+$0x0], $0xffff  }
0x4a: {  	v21 =	vor.u32 v2, v3;
	v8 =	vld.idx.msk [tilespmem:v7+s14+$0x0], $0xffff  }
0x4b: {  	v7 =	vadd.s32 v2, v6;
	[tilespmem:v4+s21+$0x0] =	vst.idx.add.f32.msk $0xffff, v9  }
0x4c: {  	v22 =	vadd.s32 v2, v12;
	v9 =	vld.idx.msk [tilespmem:v18+s14+$0x0], $0xffff  }
0x4d: {  	v12 =	vadd.s32 v2, v15;
	v6 =	vld.idx.msk [tilespmem:v11+s14+$0x0], $0xffff  }
0x4e: {  	v5 =	vld.idx.msk [tilespmem:v14+s14+$0x0], $0xffff;
	v11 =	vadd.s32 v2, v16  }
0x4f: {  	v3 =	vadd.s32 v2, v10;
	v10 =	vadd.s32 v2, v17;
	v4 =	vld.idx.msk [tilespmem:v21+s14+$0x0], $0xffff  }
0x50: {  	[tilespmem:v7+s21+$0x0] =	vst.idx.add.f32.msk $0xffff, v13;
	v7 =	vadd.s32 v2, v19  }
0x51: {  	s30 =	simm.s32 $0x1E;
	s29 =	simm.s32 $0x0;
	[tilespmem:v22+s21+$0x0] =	vst.idx.add.f32.msk $0xffff, v20  }
.LBB2_5:
0x52: {  	s31 =	sadd.s32 $0xFFFFFFF4, s30;
	s0 =	sadd.s32 $0xFFFFFFFE, s30;
	v13 =	vor.u32 s30, v1;
	s29 =	sadd.s32 $0x8, s29;
	[tilespmem:v12+s21+$0x0] =	vst.idx.add.f32.msk $0xffff, v8  }
0x53: {  	s2 =	sadd.s32 $0xFFFFFFF8, s30;
	v8 =	vor.u32 s31, v1;
	s31 =	sadd.s32 $0xFFFFFFF6, s30;
	v12 =	vor.u32 s0, v1;
	v14 =	vshll.u32 v13, $0x3;
	p1 =	slt.u32 s29, $0x3E0;
	[tilespmem:v11+s21+$0x0] =	vst.idx.add.f32.msk $0xffff, v9  }
0x54: {  	s0 =	sadd.s32 $0xFFFFFFF2, s30;
	v15 =	vor.u32 s2, v1;
	s2 =	sadd.s32 $0xFFFFFFFA, s30;
	v9 =	vshll.u32 v8, $0x3;
	v11 =	vor.u32 s31, v1;
	s31 =	sadd.s32 $0xFFFFFFFC, s30;
	[tilespmem:v10+s21+$0x0] =	vst.idx.add.f32.msk $0xffff, v6  }
0x55: {  	v6 =	vor.u32 s0, v1;
	v10 =	vor.u32 s2, v1;
	v16 =	vor.u32 s31, v1;
	[tilespmem:v7+s21+$0x0] =	vst.idx.add.f32.msk $0xffff, v5  }
0x56: {  	v17 =	vshll.u32 v15, $0x3;
	v5 =	vshll.u32 v6, $0x3;
	v7 =	vshll.u32 v11, $0x3;
	[tilespmem:v3+s21+$0x0] =	vst.idx.add.f32.msk $0xffff, v4  }
0x57: {  	v18 =	vshll.u32 v12, $0x3;
	v3 =	vshll.u32 v10, $0x3;
	v4 =	vshll.u32 v16, $0x3;
	v13 =	vld.idx.msk [tilespmem:v13+s15+$0x0], $0xffff  }
0x58: {  	v9 =	vor.u32 v2, v9;
	v18 =	vor.u32 v2, v18;
	v5 =	vor.u32 v2, v5;
	v12 =	vld.idx.msk [tilespmem:v12+s15+$0x0], $0xffff  }
0x59: {  	v17 =	vor.u32 v2, v17;
	v7 =	vor.u32 v2, v7;
	v19 =	vor.u32 v2, v3;
	v8 =	vld.idx.msk [tilespmem:v8+s15+$0x0], $0xffff  }
0x5a: {  	v14 =	vor.u32 v2, v14;
	v4 =	vor.u32 v2, v4;
	v6 =	vld.idx.msk [tilespmem:v6+s15+$0x0], $0xffff  }
0x5b: {  	v11 =	vld.idx.msk [tilespmem:v11+s15+$0x0], $0xffff  }
0x5c: {  	v15 =	vld.idx.msk [tilespmem:v15+s15+$0x0], $0xffff  }
0x5d: {  	v3 =	vadd.s32 v2, v13;
	v18 =	vld.idx.msk [tilespmem:v18+s14+$0x0], $0xffff  }
0x5e: {  	v13 =	vadd.s32 v2, v12;
	v10 =	vld.idx.msk [tilespmem:v10+s15+$0x0], $0xffff  }
0x5f: {  	v20 =	vadd.s32 v2, v8;
	v16 =	vld.idx.msk [tilespmem:v16+s15+$0x0], $0xffff  }
0x60: {  	v21 =	vadd.s32 v2, v6;
	v22 =	vld.idx.msk [tilespmem:v5+s14+$0x0], $0xffff  }
0x61: {  	v12 =	vadd.s32 v2, v11;
	v23 =	vld.idx.msk [tilespmem:v9+s14+$0x0], $0xffff  }
0x62: {  	v11 =	vadd.s32 v2, v15;
	v8 =	vld.idx.msk [tilespmem:v7+s14+$0x0], $0xffff  }
0x63: {  	[tilespmem:v13+s21+$0x0] =	vst.idx.add.f32.msk $0xffff, v18  }
0x64: {  	v10 =	vadd.s32 v2, v10;
	v9 =	vld.idx.msk [tilespmem:v17+s14+$0x0], $0xffff  }
.Ltmp3:
0x65: {  	v7 =	vadd.s32 v2, v16;
	v6 =	vld.idx.msk [tilespmem:v19+s14+$0x0], $0xffff;
	(pc) =	sbr.rel @p1 .LBB2_5-.Ltmp3, $4  }
0x66: {  	v5 =	vld.idx.msk [tilespmem:v4+s14+$0x0], $0xffff  }
0x67: {  	v4 =	vld.idx.msk [tilespmem:v14+s14+$0x0], $0xffff  }
0x68: {  	[tilespmem:v21+s21+$0x0] =	vst.idx.add.f32.msk $0xffff, v22  }
0x69: {  	s30 =	sadd.s32 $0x10, s30;
	[tilespmem:v20+s21+$0x0] =	vst.idx.add.f32.msk $0xffff, v23  }
0x6a: {  	_ =	sdelay $0x3  }
0x6b: {  	[tilespmem:v12+s21+$0x0] =	vst.idx.add.f32.msk $0xffff, v8  }
0x6c: {  	[tilespmem:v11+s21+$0x0] =	vst.idx.add.f32.msk $0xffff, v9  }
0x6d: {  	[tilespmem:v10+s21+$0x0] =	vst.idx.add.f32.msk $0xffff, v6  }
0x6e: {  	[tilespmem:v7+s21+$0x0] =	vst.idx.add.f32.msk $0xffff, v5  }
0x6f: {  	s0 =	simm.s32 @p0 $0x4;
	[tilespmem:v3+s21+$0x0] =	vst.idx.add.f32.msk $0xffff, v4  }
0x70: {  	_ =	swait.ge @p0 [sflag:s0], $0x3E80  }
0x71: {  	[sflag:s0] =	ssyncset.done @p0 $0x0  }
0x72: {  	[sflag:s0] =	ssyncadd.s32 @p0 $0xFFFFC180;
	s0 =	sadd.s32 @!p0 s4, s28  }
0x73: {  	s2 =	simm.s32 @!p0 $0x0;
	s28 =	simm.s32 @!p0 $0xFA0;
	s0 =	sadd.s32 @!p0 $0x1F4, s0  }
0x74: {  	[tilespmem:s28], [sflag:$0x5] =	stream.linear.gather @!p0 [hbm4b:s0+s2], $0x7D0, $0x38;
	[tilespmem:$0x1D4C0] =	vst v63  }
0x75: {  	s0 =	simm.s32 @!p0 $0x1  }
0x76: {  	_ =	swait.ge @!p0 [sflag:s0], $0x7D0  }
0x77: {  	[sflag:s0] =	ssyncset.done @!p0 $0x0  }
0x78: {  	s28 =	simm.s32 @!p0 $0x1F40;
	[sflag:s0] =	ssyncadd.s32 @!p0 $0xFFFFF830;
	s0 =	simm.s32 @!p0 $0x7D0  }
0x79: {  	[tilespmem:s28], [sflag:$0x3] =	stream.indirect.gather @!p0 [hbm4b:s5+s0], $0x8, s2, s0, $0xb8;
	[tilespmem:$0x1D4C0] =	vst v63  }
0x7a: {  	s28 =	simm.s32 @!p0 $0x4  }
0x7b: {  	_ =	swait.ge @!p0 [sflag:s28], $0x3E80  }
0x7c: {  	s26 =	sadd.s32 @!p0 $0x2EE, s26;
	s29 =	simm.s32 $0xE;
	[sflag:s28] =	ssyncset.done @!p0 $0x0  }
0x7d: {  	s30 =	simm.s32 $0xC;
	s31 =	simm.s32 $0x2;
	v3 =	vor.u32 s29, v1;
	[sflag:s28] =	ssyncadd.s32 @!p0 $0xFFFFC180  }
0x7e: {  	v4 =	vor.u32 s30, v1;
	[tilespmem:s0], [sflag:$0x2] =	stream.linear.gather @!p0 [hbm4b:s26+s2], $0x7D0, $0x38;
	[tilespmem:$0x1D4C0] =	vst v63  }
0x7f: {  	v5 =	vor.u32 s31, v1;
	s29 =	simm.s32 $0x6;
	_ =	swait.ge [sflag:s22], $0x7D0  }
0x80: {  	s30 =	simm.s32 $0x8;
	v8 =	vor.u32 s29, v1;
	[sflag:s22] =	ssyncset.done $0x0  }
0x81: {  	v11 =	vor.u32 s30, v1;
	s26 =	simm.s32 $0x4;
	[sflag:s22] =	ssyncadd.s32 $0xFFFFF830  }
0x82: {  	s31 =	simm.s32 $0xA;
	s2 =	simm.s32 $0x0;
	v7 =	vor.u32 s26, v1;
	v10 =	vld.idx.msk [tilespmem:v3+s16+$0x0], $0xffff  }
0x83: {  	v13 =	vor.u32 s31, v1;
	v9 =	vshll.u32 v4, $0x3;
	v6 =	vor.u32 s2, v1;
	v4 =	vld.idx.msk [tilespmem:v4+s16+$0x0], $0xffff  }
0x84: {  	v14 =	vshll.u32 v6, $0x3;
	v12 =	vld.idx.msk [tilespmem:v5+s16+$0x0], $0xffff  }
0x85: {  	v14 =	vor.u32 v2, v14;
	v16 =	vld.idx.msk [tilespmem:v8+s16+$0x0], $0xffff  }
0x86: {  	v9 =	vor.u32 v2, v9;
	v5 =	vshll.u32 v5, $0x3;
	v17 =	vld.idx.msk [tilespmem:v11+s16+$0x0], $0xffff  }
0x87: {  	v5 =	vor.u32 v2, v5;
	v15 =	vld.idx.msk [tilespmem:v7+s16+$0x0], $0xffff;
	v7 =	vshll.u32 v7, $0x3  }
0x88: {  	v8 =	vshll.u32 v8, $0x3;
	v11 =	vshll.u32 v11, $0x3;
	v19 =	vld.idx.msk [tilespmem:v13+s16+$0x0], $0xffff;
	v7 =	vor.u32 v2, v7  }
0x89: {  	v18 =	vor.u32 v2, v8;
	v8 =	vshll.u32 v13, $0x3;
	v11 =	vor.u32 v2, v11;
	v6 =	vld.idx.msk [tilespmem:v6+s16+$0x0], $0xffff  }
0x8a: {  	v13 =	vld.idx.msk [tilespmem:v14+s18+$0x0], $0xffff;
	v14 =	vor.u32 v2, v8  }
0x8b: {  	v9 =	vld.idx.msk [tilespmem:v9+s18+$0x0], $0xffff;
	v4 =	vadd.s32 v2, v4  }
0x8c: {  	v3 =	vshll.u32 v3, $0x3;
	v20 =	vld.idx.msk [tilespmem:v5+s18+$0x0], $0xffff  }
0x8d: {  	v21 =	vor.u32 v2, v3;
	v8 =	vld.idx.msk [tilespmem:v7+s18+$0x0], $0xffff  }
0x8e: {  	v7 =	vadd.s32 v2, v6;
	v6 =	vld.idx.msk [tilespmem:v11+s18+$0x0], $0xffff  }
0x8f: {  	v22 =	vadd.s32 v2, v12;
	v5 =	vld.idx.msk [tilespmem:v14+s18+$0x0], $0xffff  }
0x90: {  	v12 =	vadd.s32 v2, v15;
	[tilespmem:v4+s21+$0x0] =	vst.idx.add.f32.msk $0xffff, v9  }
0x91: {  	v11 =	vadd.s32 v2, v16;
	v9 =	vld.idx.msk [tilespmem:v18+s18+$0x0], $0xffff  }
0x92: {  	v3 =	vadd.s32 v2, v10;
	v10 =	vadd.s32 v2, v17;
	v4 =	vld.idx.msk [tilespmem:v21+s18+$0x0], $0xffff  }
0x93: {  	[tilespmem:v7+s21+$0x0] =	vst.idx.add.f32.msk $0xffff, v13;
	v7 =	vadd.s32 v2, v19  }
0x94: {  	s28 =	simm.s32 $0x1E;
	s26 =	simm.s32 $0x0;
	[tilespmem:v22+s21+$0x0] =	vst.idx.add.f32.msk $0xffff, v20  }
.LBB2_7:
0x95: {  	s0 =	sadd.s32 $0xFFFFFFF4, s28;
	s2 =	sadd.s32 $0xFFFFFFFE, s28;
	v13 =	vor.u32 s28, v1;
	s26 =	sadd.s32 $0x8, s26;
	[tilespmem:v12+s21+$0x0] =	vst.idx.add.f32.msk $0xffff, v8  }
0x96: {  	s29 =	sadd.s32 $0xFFFFFFF8, s28;
	v8 =	vor.u32 s0, v1;
	s0 =	sadd.s32 $0xFFFFFFF6, s28;
	v12 =	vor.u32 s2, v1;
	v14 =	vshll.u32 v13, $0x3;
	p1 =	slt.u32 s26, $0x3E0;
	[tilespmem:v11+s21+$0x0] =	vst.idx.add.f32.msk $0xffff, v9  }
0x97: {  	s2 =	sadd.s32 $0xFFFFFFF2, s28;
	v15 =	vor.u32 s29, v1;
	s29 =	sadd.s32 $0xFFFFFFFC, s28;
	v9 =	vshll.u32 v8, $0x3;
	v11 =	vor.u32 s0, v1;
	s0 =	sadd.s32 $0xFFFFFFFA, s28;
	[tilespmem:v10+s21+$0x0] =	vst.idx.add.f32.msk $0xffff, v6  }
0x98: {  	v6 =	vor.u32 s2, v1;
	v16 =	vor.u32 s29, v1;
	v10 =	vor.u32 s0, v1;
	[tilespmem:v7+s21+$0x0] =	vst.idx.add.f32.msk $0xffff, v5  }
0x99: {  	v17 =	vshll.u32 v15, $0x3;
	v5 =	vshll.u32 v6, $0x3;
	v7 =	vshll.u32 v11, $0x3;
	[tilespmem:v3+s21+$0x0] =	vst.idx.add.f32.msk $0xffff, v4  }
0x9a: {  	v18 =	vshll.u32 v12, $0x3;
	v3 =	vshll.u32 v10, $0x3;
	v4 =	vshll.u32 v16, $0x3;
	v13 =	vld.idx.msk [tilespmem:v13+s16+$0x0], $0xffff  }
0x9b: {  	v9 =	vor.u32 v2, v9;
	v18 =	vor.u32 v2, v18;
	v5 =	vor.u32 v2, v5;
	v12 =	vld.idx.msk [tilespmem:v12+s16+$0x0], $0xffff  }
0x9c: {  	v17 =	vor.u32 v2, v17;
	v7 =	vor.u32 v2, v7;
	v19 =	vor.u32 v2, v3;
	v8 =	vld.idx.msk [tilespmem:v8+s16+$0x0], $0xffff  }
0x9d: {  	v14 =	vor.u32 v2, v14;
	v4 =	vor.u32 v2, v4;
	v6 =	vld.idx.msk [tilespmem:v6+s16+$0x0], $0xffff  }
0x9e: {  	v11 =	vld.idx.msk [tilespmem:v11+s16+$0x0], $0xffff  }
0x9f: {  	v15 =	vld.idx.msk [tilespmem:v15+s16+$0x0], $0xffff  }
0xa0: {  	v3 =	vadd.s32 v2, v13;
	v18 =	vld.idx.msk [tilespmem:v18+s18+$0x0], $0xffff  }
0xa1: {  	v13 =	vadd.s32 v2, v12;
	v10 =	vld.idx.msk [tilespmem:v10+s16+$0x0], $0xffff  }
0xa2: {  	v20 =	vadd.s32 v2, v8;
	v16 =	vld.idx.msk [tilespmem:v16+s16+$0x0], $0xffff  }
0xa3: {  	v21 =	vadd.s32 v2, v6;
	v22 =	vld.idx.msk [tilespmem:v5+s18+$0x0], $0xffff  }
0xa4: {  	v12 =	vadd.s32 v2, v11;
	v23 =	vld.idx.msk [tilespmem:v9+s18+$0x0], $0xffff  }
0xa5: {  	v11 =	vadd.s32 v2, v15;
	v8 =	vld.idx.msk [tilespmem:v7+s18+$0x0], $0xffff  }
0xa6: {  	[tilespmem:v13+s21+$0x0] =	vst.idx.add.f32.msk $0xffff, v18  }
0xa7: {  	v10 =	vadd.s32 v2, v10;
	v9 =	vld.idx.msk [tilespmem:v17+s18+$0x0], $0xffff  }
.Ltmp4:
0xa8: {  	v7 =	vadd.s32 v2, v16;
	v6 =	vld.idx.msk [tilespmem:v19+s18+$0x0], $0xffff;
	(pc) =	sbr.rel @p1 .LBB2_7-.Ltmp4, $4  }
0xa9: {  	v5 =	vld.idx.msk [tilespmem:v4+s18+$0x0], $0xffff  }
0xaa: {  	v4 =	vld.idx.msk [tilespmem:v14+s18+$0x0], $0xffff  }
0xab: {  	[tilespmem:v21+s21+$0x0] =	vst.idx.add.f32.msk $0xffff, v22  }
0xac: {  	s28 =	sadd.s32 $0x10, s28;
	[tilespmem:v20+s21+$0x0] =	vst.idx.add.f32.msk $0xffff, v23  }
0xad: {  	_ =	sdelay $0x3  }
.Ltmp5:
0xae: {  	[tilespmem:v12+s21+$0x0] =	vst.idx.add.f32.msk $0xffff, v8;
	(pc) =	sbr.rel @p0 .LBB2_10-.Ltmp5, $4  }
0xaf: {  	[tilespmem:v11+s21+$0x0] =	vst.idx.add.f32.msk $0xffff, v9  }
0xb0: {  	[tilespmem:v10+s21+$0x0] =	vst.idx.add.f32.msk $0xffff, v6  }
0xb1: {  	[tilespmem:v7+s21+$0x0] =	vst.idx.add.f32.msk $0xffff, v5  }
0xb2: {  	[tilespmem:v3+s21+$0x0] =	vst.idx.add.f32.msk $0xffff, v4  }
.Ltmp6:
0xb3: {  	(pc) =	sbr.rel .LBB2_4-.Ltmp6, $4  }
0xb4: {  	s0 =	sshrl.u32 s25, $0x3  }
0xb5: {  	s0 =	sadd.s32 s4, s0  }
0xb6: {  	s24 =	sadd.s32 $0x1, s24;
	s0 =	sadd.s32 $0x2EE, s0  }
0xb7: {  	[tilespmem:s16], [sflag:$0x6] =	stream.linear.gather [hbm4b:s0+s1], $0x7D0, $0x38;
	[tilespmem:$0x1D4C0] =	vst v63  }
.LBB2_10:
0xb8: {  	[hbm4b:s8+s1] =	stream.linear.scatter [tilespmem:s21], [sflag:$0x7], $0x13880, $0x38;
	[tilespmem:$0x1D4C0] =	vst v63  }
0xb9: {  	_ =	swait.ge [sflag:s12], $0x13880  }
0xba: {  	[sflag:s12] =	ssyncset.done $0x0  }
0xbb: {  	s24 =	simm.s32 $0x9C80;
	[sflag:s12] =	ssyncadd.s32 $0xFFFEC780  }
0xbc: {  	[tilespmem:s24+$0xFFFFFFC0] =	vst v0  }
0xbd: {  	[tilespmem:s24+$0x30] =	vst v0  }
0xbe: {  	[tilespmem:s24+$0x20] =	vst v0  }
0xbf: {  	[tilespmem:s24+$0x10] =	vst v0  }
0xc0: {  	[tilespmem:s24+$0x0] =	vst v0  }
0xc1: {  	[tilespmem:s24+$0xFFFFFFF0] =	vst v0  }
0xc2: {  	s25 =	simm.s32 $0x0;
	[tilespmem:s24+$0xFFFFFFE0] =	vst v0  }
.LBB2_11:
0xc3: {  	s25 =	sadd.s32 $0x8, s25;
	[tilespmem:s24+$0xFFFFFFD0] =	vst v0;
	s24 =	sadd.s32 $0x80, s24  }
0xc4: {  	[tilespmem:s24+$0xFFFFFFC0] =	vst v0;
	p0 =	slt.u32 s25, $0x1380  }
0xc5: {  	[tilespmem:s24+$0x30] =	vst v0  }
.Ltmp7:
0xc6: {  	[tilespmem:s24+$0x20] =	vst v0;
	(pc) =	sbr.rel @p0 .LBB2_11-.Ltmp7, $4  }
0xc7: {  	[tilespmem:s24+$0x10] =	vst v0  }
0xc8: {  	[tilespmem:s24+$0x0] =	vst v0  }
0xc9: {  	[tilespmem:s24+$0xFFFFFFF0] =	vst v0  }
0xca: {  	[tilespmem:s24+$0xFFFFFFE0] =	vst v0  }
0xcb: {  	[tilespmem:s24+$0xFFFFFFD0] =	vst v0;
	s24 =	simm.s32 $0x0  }
0xcc: {  	[tilespmem:s24], [sflag:$0x7] =	stream.linear.gather [hbm4b:s3+s24], $0x7D0, $0x38;
	[tilespmem:$0x1D4C0] =	vst v63  }
0xcd: {  	_ =	swait.ge [sflag:s12], $0x7D0  }
0xce: {  	[sflag:s12] =	ssyncset.done $0x0  }
0xcf: {  	[sflag:s12] =	ssyncadd.s32 $0xFFFFF830  }
0xd0: {  	[tilespmem:s14], [sflag:$0x3] =	stream.indirect.gather [hbm4b:s9+s13], $0x8, s24, s13, $0xb8;
	[tilespmem:$0x1D4C0] =	vst v63  }
0xd1: {  	_ = 	snop  }
0xd2: {  	[tilespmem:s13], [sflag:$0x2] =	stream.linear.gather [hbm4b:s6+s24], $0x7D0, $0x38;
	[tilespmem:$0x1D4C0] =	vst v63  }
0xd3: {  	_ = 	snop  }
0xd4: {  	[tilespmem:s15], [sflag:$0x5] =	stream.linear.gather [hbm4b:s4+s24], $0x7D0, $0x38;
	[tilespmem:$0x1D4C0] =	vst v63  }
0xd5: {  	_ = 	snop  }
0xd6: {  	[tilespmem:s16], [sflag:$0x6] =	stream.linear.gather [hbm4b:s7+s24], $0x7D0, $0x38;
	[tilespmem:$0x1D4C0] =	vst v63  }
.LBB2_13:
0xd7: {  	_ =	swait.ge [sflag:s17], $0x7D0  }
0xd8: {  	s25 =	smul.u32 $0xFA0, s24;
	p0 =	seq.s32 s24, $0x27;
	[sflag:s17] =	ssyncset.done $0x0  }
0xd9: {  	s31 =	simm.s32 $0xE;
	s2 =	simm.s32 @!p0 $0x0;
	[sflag:s17] =	ssyncadd.s32 $0xFFFFF830  }
0xda: {  	[tilespmem:s18], [sflag:$0x4] =	stream.indirect.gather [hbm4b:s9+s13], $0x8, s13, s13, $0xb8;
	[tilespmem:$0x1D4C0] =	vst v63  }
0xdb: {  	v3 =	vor.u32 s31, v1;
	s31 =	simm.s32 $0x2;
	s28 =	sshrl.u32 @!p0 s25, $0x3;
	_ =	swait.ge [sflag:s19], $0x3E80  }
0xdc: {  	v5 =	vor.u32 s31, v1;
	s31 =	simm.s32 $0x0;
	s26 =	sadd.s32 @!p0 s3, s28;
	[sflag:s19] =	ssyncset.done $0x0  }
0xdd: {  	v6 =	vor.u32 s31, v1;
	s31 =	simm.s32 $0x6;
	s0 =	sadd.s32 @!p0 $0x1F4, s26;
	[sflag:s19] =	ssyncadd.s32 $0xFFFFC180  }
0xde: {  	[tilespmem:s2], [sflag:$0x1] =	stream.linear.gather @!p0 [hbm4b:s0+s2], $0x7D0, $0x38;
	[tilespmem:$0x1D4C0] =	vst v63  }
0xdf: {  	v8 =	vor.u32 s31, v1;
	s31 =	simm.s32 $0xA;
	_ =	swait.ge [sflag:s20], $0x7D0  }
0xe0: {  	v13 =	vor.u32 s31, v1;
	s2 =	simm.s32 $0xC;
	[sflag:s20] =	ssyncset.done $0x0  }
0xe1: {  	v14 =	vshll.u32 v6, $0x3;
	v4 =	vor.u32 s2, v1;
	[sflag:s20] =	ssyncadd.s32 $0xFFFFF830  }
0xe2: {  	v14 =	vor.u32 v2, v14;
	s2 =	simm.s32 $0x4;
	v12 =	vld.idx.msk [tilespmem:v5+s15+$0x0], $0xffff  }
0xe3: {  	v7 =	vor.u32 s2, v1;
	s2 =	simm.s32 $0x8;
	v6 =	vld.idx.msk [tilespmem:v6+s15+$0x0], $0xffff  }
0xe4: {  	v11 =	vor.u32 s2, v1;
	v16 =	vld.idx.msk [tilespmem:v8+s15+$0x0], $0xffff  }
0xe5: {  	v9 =	vshll.u32 v4, $0x3;
	v19 =	vld.idx.msk [tilespmem:v13+s15+$0x0], $0xffff  }
0xe6: {  	v9 =	vor.u32 v2, v9;
	v5 =	vshll.u32 v5, $0x3;
	v8 =	vshll.u32 v8, $0x3;
	v4 =	vld.idx.msk [tilespmem:v4+s15+$0x0], $0xffff  }
0xe7: {  	v5 =	vor.u32 v2, v5;
	v18 =	vor.u32 v2, v8;
	v8 =	vshll.u32 v13, $0x3;
	v13 =	vld.idx.msk [tilespmem:v14+s14+$0x0], $0xffff  }
0xe8: {  	v14 =	vor.u32 v2, v8;
	v15 =	vld.idx.msk [tilespmem:v7+s15+$0x0], $0xffff;
	v7 =	vshll.u32 v7, $0x3  }
0xe9: {  	v7 =	vor.u32 v2, v7;
	v17 =	vld.idx.msk [tilespmem:v11+s15+$0x0], $0xffff;
	v11 =	vshll.u32 v11, $0x3  }
0xea: {  	v10 =	vld.idx.msk [tilespmem:v3+s15+$0x0], $0xffff;
	v11 =	vor.u32 v2, v11  }
0xeb: {  	v9 =	vld.idx.msk [tilespmem:v9+s14+$0x0], $0xffff;
	v4 =	vadd.s32 v2, v4  }
0xec: {  	v20 =	vld.idx.msk [tilespmem:v5+s14+$0x0], $0xffff  }
0xed: {  	v22 =	vadd.s32 v2, v12;
	v5 =	vld.idx.msk [tilespmem:v14+s14+$0x0], $0xffff  }
0xee: {  	v3 =	vshll.u32 v3, $0x3;
	v8 =	vld.idx.msk [tilespmem:v7+s14+$0x0], $0xffff;
	v7 =	vadd.s32 v2, v6  }
0xef: {  	v21 =	vor.u32 v2, v3;
	v6 =	vld.idx.msk [tilespmem:v11+s14+$0x0], $0xffff  }
0xf0: {  	v12 =	vadd.s32 v2, v15;
	[tilespmem:v4+s21+$0x0] =	vst.idx.add.f32.msk $0xffff, v9  }
0xf1: {  	v11 =	vadd.s32 v2, v16;
	v9 =	vld.idx.msk [tilespmem:v18+s14+$0x0], $0xffff  }
0xf2: {  	v3 =	vadd.s32 v2, v10;
	v10 =	vadd.s32 v2, v17;
	[tilespmem:v22+s21+$0x0] =	vst.idx.add.f32.msk $0xffff, v20  }
0xf3: {  	[tilespmem:v7+s21+$0x0] =	vst.idx.add.f32.msk $0xffff, v13;
	v7 =	vadd.s32 v2, v19  }
0xf4: {  	s29 =	simm.s32 $0x0;
	s30 =	simm.s32 $0x1E;
	v4 =	vld.idx.msk [tilespmem:v21+s14+$0x0], $0xffff  }
.LBB2_14:
0xf5: {  	s0 =	sadd.s32 $0xFFFFFFF4, s30;
	s2 =	sadd.s32 $0xFFFFFFFE, s30;
	v13 =	vor.u32 s30, v1;
	s29 =	sadd.s32 $0x8, s29;
	[tilespmem:v12+s21+$0x0] =	vst.idx.add.f32.msk $0xffff, v8  }
0xf6: {  	s31 =	sadd.s32 $0xFFFFFFF8, s30;
	v8 =	vor.u32 s0, v1;
	s0 =	sadd.s32 $0xFFFFFFF6, s30;
	v12 =	vor.u32 s2, v1;
	v14 =	vshll.u32 v13, $0x3;
	p1 =	slt.u32 s29, $0x3E0;
	[tilespmem:v11+s21+$0x0] =	vst.idx.add.f32.msk $0xffff, v9  }
0xf7: {  	s2 =	sadd.s32 $0xFFFFFFF2, s30;
	v15 =	vor.u32 s31, v1;
	s31 =	sadd.s32 $0xFFFFFFFC, s30;
	v9 =	vshll.u32 v8, $0x3;
	v11 =	vor.u32 s0, v1;
	s0 =	sadd.s32 $0xFFFFFFFA, s30;
	[tilespmem:v10+s21+$0x0] =	vst.idx.add.f32.msk $0xffff, v6  }
0xf8: {  	v6 =	vor.u32 s2, v1;
	v16 =	vor.u32 s31, v1;
	v10 =	vor.u32 s0, v1;
	[tilespmem:v7+s21+$0x0] =	vst.idx.add.f32.msk $0xffff, v5  }
0xf9: {  	v17 =	vshll.u32 v15, $0x3;
	v5 =	vshll.u32 v6, $0x3;
	v7 =	vshll.u32 v11, $0x3;
	[tilespmem:v3+s21+$0x0] =	vst.idx.add.f32.msk $0xffff, v4  }
0xfa: {  	v18 =	vshll.u32 v12, $0x3;
	v3 =	vshll.u32 v10, $0x3;
	v4 =	vshll.u32 v16, $0x3;
	v13 =	vld.idx.msk [tilespmem:v13+s15+$0x0], $0xffff  }
0xfb: {  	v9 =	vor.u32 v2, v9;
	v18 =	vor.u32 v2, v18;
	v5 =	vor.u32 v2, v5;
	v12 =	vld.idx.msk [tilespmem:v12+s15+$0x0], $0xffff  }
0xfc: {  	v17 =	vor.u32 v2, v17;
	v7 =	vor.u32 v2, v7;
	v19 =	vor.u32 v2, v3;
	v8 =	vld.idx.msk [tilespmem:v8+s15+$0x0], $0xffff  }
0xfd: {  	v14 =	vor.u32 v2, v14;
	v4 =	vor.u32 v2, v4;
	v6 =	vld.idx.msk [tilespmem:v6+s15+$0x0], $0xffff  }
0xfe: {  	v11 =	vld.idx.msk [tilespmem:v11+s15+$0x0], $0xffff  }
0xff: {  	v15 =	vld.idx.msk [tilespmem:v15+s15+$0x0], $0xffff  }
0x100: {  	v3 =	vadd.s32 v2, v13;
	v18 =	vld.idx.msk [tilespmem:v18+s14+$0x0], $0xffff  }
0x101: {  	v13 =	vadd.s32 v2, v12;
	v10 =	vld.idx.msk [tilespmem:v10+s15+$0x0], $0xffff  }
0x102: {  	v20 =	vadd.s32 v2, v8;
	v16 =	vld.idx.msk [tilespmem:v16+s15+$0x0], $0xffff  }
0x103: {  	v21 =	vadd.s32 v2, v6;
	v22 =	vld.idx.msk [tilespmem:v5+s14+$0x0], $0xffff  }
0x104: {  	v12 =	vadd.s32 v2, v11;
	v23 =	vld.idx.msk [tilespmem:v9+s14+$0x0], $0xffff  }
0x105: {  	v11 =	vadd.s32 v2, v15;
	v8 =	vld.idx.msk [tilespmem:v7+s14+$0x0], $0xffff  }
0x106: {  	[tilespmem:v13+s21+$0x0] =	vst.idx.add.f32.msk $0xffff, v18  }
0x107: {  	v10 =	vadd.s32 v2, v10;
	v9 =	vld.idx.msk [tilespmem:v17+s14+$0x0], $0xffff  }
.Ltmp8:
0x108: {  	v7 =	vadd.s32 v2, v16;
	v6 =	vld.idx.msk [tilespmem:v19+s14+$0x0], $0xffff;
	(pc) =	sbr.rel @p1 .LBB2_14-.Ltmp8, $4  }
0x109: {  	v5 =	vld.idx.msk [tilespmem:v4+s14+$0x0], $0xffff  }
0x10a: {  	v4 =	vld.idx.msk [tilespmem:v14+s14+$0x0], $0xffff  }
0x10b: {  	[tilespmem:v21+s21+$0x0] =	vst.idx.add.f32.msk $0xffff, v22  }
0x10c: {  	s30 =	sadd.s32 $0x10, s30;
	[tilespmem:v20+s21+$0x0] =	vst.idx.add.f32.msk $0xffff, v23  }
0x10d: {  	_ =	sdelay $0x3  }
0x10e: {  	[tilespmem:v12+s21+$0x0] =	vst.idx.add.f32.msk $0xffff, v8  }
0x10f: {  	[tilespmem:v11+s21+$0x0] =	vst.idx.add.f32.msk $0xffff, v9  }
0x110: {  	[tilespmem:v10+s21+$0x0] =	vst.idx.add.f32.msk $0xffff, v6  }
0x111: {  	[tilespmem:v7+s21+$0x0] =	vst.idx.add.f32.msk $0xffff, v5  }
0x112: {  	s0 =	simm.s32 @p0 $0x4;
	[tilespmem:v3+s21+$0x0] =	vst.idx.add.f32.msk $0xffff, v4  }
0x113: {  	_ =	swait.ge @p0 [sflag:s0], $0x3E80  }
0x114: {  	[sflag:s0] =	ssyncset.done @p0 $0x0  }
0x115: {  	[sflag:s0] =	ssyncadd.s32 @p0 $0xFFFFC180;
	s0 =	sadd.s32 @!p0 s4, s28  }
0x116: {  	s2 =	simm.s32 @!p0 $0x0;
	s28 =	simm.s32 @!p0 $0xFA0;
	s0 =	sadd.s32 @!p0 $0x1F4, s0  }
0x117: {  	[tilespmem:s28], [sflag:$0x5] =	stream.linear.gather @!p0 [hbm4b:s0+s2], $0x7D0, $0x38;
	[tilespmem:$0x1D4C0] =	vst v63  }
0x118: {  	s0 =	simm.s32 @!p0 $0x1  }
0x119: {  	_ =	swait.ge @!p0 [sflag:s0], $0x7D0  }
0x11a: {  	[sflag:s0] =	ssyncset.done @!p0 $0x0  }
0x11b: {  	s28 =	simm.s32 @!p0 $0x1F40;
	[sflag:s0] =	ssyncadd.s32 @!p0 $0xFFFFF830;
	s0 =	simm.s32 @!p0 $0x7D0  }
0x11c: {  	[tilespmem:s28], [sflag:$0x3] =	stream.indirect.gather @!p0 [hbm4b:s9+s0], $0x8, s2, s0, $0xb8;
	[tilespmem:$0x1D4C0] =	vst v63  }
0x11d: {  	s28 =	simm.s32 @!p0 $0x4  }
0x11e: {  	_ =	swait.ge @!p0 [sflag:s28], $0x3E80  }
0x11f: {  	s26 =	sadd.s32 @!p0 $0x2EE, s26;
	s29 =	simm.s32 $0xE;
	[sflag:s28] =	ssyncset.done @!p0 $0x0  }
0x120: {  	s30 =	simm.s32 $0xC;
	s31 =	simm.s32 $0x2;
	v3 =	vor.u32 s29, v1;
	[sflag:s28] =	ssyncadd.s32 @!p0 $0xFFFFC180  }
0x121: {  	v4 =	vor.u32 s30, v1;
	[tilespmem:s0], [sflag:$0x2] =	stream.linear.gather @!p0 [hbm4b:s26+s2], $0x7D0, $0x38;
	[tilespmem:$0x1D4C0] =	vst v63  }
0x122: {  	v5 =	vor.u32 s31, v1;
	s29 =	simm.s32 $0x6;
	_ =	swait.ge [sflag:s22], $0x7D0  }
0x123: {  	s30 =	simm.s32 $0x8;
	v8 =	vor.u32 s29, v1;
	[sflag:s22] =	ssyncset.done $0x0  }
0x124: {  	v11 =	vor.u32 s30, v1;
	s26 =	simm.s32 $0x4;
	[sflag:s22] =	ssyncadd.s32 $0xFFFFF830  }
0x125: {  	s31 =	simm.s32 $0xA;
	s2 =	simm.s32 $0x0;
	v7 =	vor.u32 s26, v1;
	v10 =	vld.idx.msk [tilespmem:v3+s16+$0x0], $0xffff  }
0x126: {  	v13 =	vor.u32 s31, v1;
	v9 =	vshll.u32 v4, $0x3;
	v6 =	vor.u32 s2, v1;
	v4 =	vld.idx.msk [tilespmem:v4+s16+$0x0], $0xffff  }
0x127: {  	v14 =	vshll.u32 v6, $0x3;
	v12 =	vld.idx.msk [tilespmem:v5+s16+$0x0], $0xffff  }
0x128: {  	v14 =	vor.u32 v2, v14;
	v16 =	vld.idx.msk [tilespmem:v8+s16+$0x0], $0xffff  }
0x129: {  	v9 =	vor.u32 v2, v9;
	v5 =	vshll.u32 v5, $0x3;
	v17 =	vld.idx.msk [tilespmem:v11+s16+$0x0], $0xffff  }
0x12a: {  	v5 =	vor.u32 v2, v5;
	v15 =	vld.idx.msk [tilespmem:v7+s16+$0x0], $0xffff;
	v7 =	vshll.u32 v7, $0x3  }
0x12b: {  	v8 =	vshll.u32 v8, $0x3;
	v11 =	vshll.u32 v11, $0x3;
	v19 =	vld.idx.msk [tilespmem:v13+s16+$0x0], $0xffff;
	v7 =	vor.u32 v2, v7  }
0x12c: {  	v18 =	vor.u32 v2, v8;
	v8 =	vshll.u32 v13, $0x3;
	v11 =	vor.u32 v2, v11;
	v6 =	vld.idx.msk [tilespmem:v6+s16+$0x0], $0xffff  }
0x12d: {  	v13 =	vld.idx.msk [tilespmem:v14+s18+$0x0], $0xffff;
	v14 =	vor.u32 v2, v8  }
0x12e: {  	v9 =	vld.idx.msk [tilespmem:v9+s18+$0x0], $0xffff;
	v4 =	vadd.s32 v2, v4  }
0x12f: {  	v3 =	vshll.u32 v3, $0x3;
	v20 =	vld.idx.msk [tilespmem:v5+s18+$0x0], $0xffff  }
0x130: {  	v21 =	vor.u32 v2, v3;
	v8 =	vld.idx.msk [tilespmem:v7+s18+$0x0], $0xffff  }
0x131: {  	v7 =	vadd.s32 v2, v6;
	v6 =	vld.idx.msk [tilespmem:v11+s18+$0x0], $0xffff  }
0x132: {  	v22 =	vadd.s32 v2, v12;
	v5 =	vld.idx.msk [tilespmem:v14+s18+$0x0], $0xffff  }
0x133: {  	v12 =	vadd.s32 v2, v15;
	[tilespmem:v4+s21+$0x0] =	vst.idx.add.f32.msk $0xffff, v9  }
0x134: {  	v11 =	vadd.s32 v2, v16;
	v9 =	vld.idx.msk [tilespmem:v18+s18+$0x0], $0xffff  }
0x135: {  	v3 =	vadd.s32 v2, v10;
	v10 =	vadd.s32 v2, v17;
	v4 =	vld.idx.msk [tilespmem:v21+s18+$0x0], $0xffff  }
0x136: {  	[tilespmem:v7+s21+$0x0] =	vst.idx.add.f32.msk $0xffff, v13;
	v7 =	vadd.s32 v2, v19  }
0x137: {  	s28 =	simm.s32 $0x1E;
	s26 =	simm.s32 $0x0;
	[tilespmem:v22+s21+$0x0] =	vst.idx.add.f32.msk $0xffff, v20  }
.LBB2_16:
0x138: {  	s0 =	sadd.s32 $0xFFFFFFF4, s28;
	s2 =	sadd.s32 $0xFFFFFFFE, s28;
	v13 =	vor.u32 s28, v1;
	s26 =	sadd.s32 $0x8, s26;
	[tilespmem:v12+s21+$0x0] =	vst.idx.add.f32.msk $0xffff, v8  }
0x139: {  	s29 =	sadd.s32 $0xFFFFFFF8, s28;
	v8 =	vor.u32 s0, v1;
	s0 =	sadd.s32 $0xFFFFFFF6, s28;
	v12 =	vor.u32 s2, v1;
	v14 =	vshll.u32 v13, $0x3;
	p1 =	slt.u32 s26, $0x3E0;
	[tilespmem:v11+s21+$0x0] =	vst.idx.add.f32.msk $0xffff, v9  }
0x13a: {  	s2 =	sadd.s32 $0xFFFFFFF2, s28;
	v15 =	vor.u32 s29, v1;
	s29 =	sadd.s32 $0xFFFFFFFC, s28;
	v9 =	vshll.u32 v8, $0x3;
	v11 =	vor.u32 s0, v1;
	s0 =	sadd.s32 $0xFFFFFFFA, s28;
	[tilespmem:v10+s21+$0x0] =	vst.idx.add.f32.msk $0xffff, v6  }
0x13b: {  	v6 =	vor.u32 s2, v1;
	v16 =	vor.u32 s29, v1;
	v10 =	vor.u32 s0, v1;
	[tilespmem:v7+s21+$0x0] =	vst.idx.add.f32.msk $0xffff, v5  }
0x13c: {  	v17 =	vshll.u32 v15, $0x3;
	v5 =	vshll.u32 v6, $0x3;
	v7 =	vshll.u32 v11, $0x3;
	[tilespmem:v3+s21+$0x0] =	vst.idx.add.f32.msk $0xffff, v4  }
0x13d: {  	v18 =	vshll.u32 v12, $0x3;
	v3 =	vshll.u32 v10, $0x3;
	v4 =	vshll.u32 v16, $0x3;
	v13 =	vld.idx.msk [tilespmem:v13+s16+$0x0], $0xffff  }
0x13e: {  	v9 =	vor.u32 v2, v9;
	v18 =	vor.u32 v2, v18;
	v5 =	vor.u32 v2, v5;
	v12 =	vld.idx.msk [tilespmem:v12+s16+$0x0], $0xffff  }
0x13f: {  	v17 =	vor.u32 v2, v17;
	v7 =	vor.u32 v2, v7;
	v19 =	vor.u32 v2, v3;
	v8 =	vld.idx.msk [tilespmem:v8+s16+$0x0], $0xffff  }
0x140: {  	v14 =	vor.u32 v2, v14;
	v4 =	vor.u32 v2, v4;
	v6 =	vld.idx.msk [tilespmem:v6+s16+$0x0], $0xffff  }
0x141: {  	v11 =	vld.idx.msk [tilespmem:v11+s16+$0x0], $0xffff  }
0x142: {  	v15 =	vld.idx.msk [tilespmem:v15+s16+$0x0], $0xffff  }
0x143: {  	v3 =	vadd.s32 v2, v13;
	v18 =	vld.idx.msk [tilespmem:v18+s18+$0x0], $0xffff  }
0x144: {  	v13 =	vadd.s32 v2, v12;
	v10 =	vld.idx.msk [tilespmem:v10+s16+$0x0], $0xffff  }
0x145: {  	v20 =	vadd.s32 v2, v8;
	v16 =	vld.idx.msk [tilespmem:v16+s16+$0x0], $0xffff  }
0x146: {  	v21 =	vadd.s32 v2, v6;
	v22 =	vld.idx.msk [tilespmem:v5+s18+$0x0], $0xffff  }
0x147: {  	v12 =	vadd.s32 v2, v11;
	v23 =	vld.idx.msk [tilespmem:v9+s18+$0x0], $0xffff  }
0x148: {  	v11 =	vadd.s32 v2, v15;
	v8 =	vld.idx.msk [tilespmem:v7+s18+$0x0], $0xffff  }
0x149: {  	[tilespmem:v13+s21+$0x0] =	vst.idx.add.f32.msk $0xffff, v18  }
0x14a: {  	v10 =	vadd.s32 v2, v10;
	v9 =	vld.idx.msk [tilespmem:v17+s18+$0x0], $0xffff  }
.Ltmp9:
0x14b: {  	v7 =	vadd.s32 v2, v16;
	v6 =	vld.idx.msk [tilespmem:v19+s18+$0x0], $0xffff;
	(pc) =	sbr.rel @p1 .LBB2_16-.Ltmp9, $4  }
0x14c: {  	v5 =	vld.idx.msk [tilespmem:v4+s18+$0x0], $0xffff  }
0x14d: {  	v4 =	vld.idx.msk [tilespmem:v14+s18+$0x0], $0xffff  }
0x14e: {  	[tilespmem:v21+s21+$0x0] =	vst.idx.add.f32.msk $0xffff, v22  }
0x14f: {  	s28 =	sadd.s32 $0x10, s28;
	[tilespmem:v20+s21+$0x0] =	vst.idx.add.f32.msk $0xffff, v23  }
0x150: {  	_ =	sdelay $0x3  }
.Ltmp10:
0x151: {  	[tilespmem:v12+s21+$0x0] =	vst.idx.add.f32.msk $0xffff, v8;
	(pc) =	sbr.rel @p0 .LBB2_19-.Ltmp10, $4  }
0x152: {  	[tilespmem:v11+s21+$0x0] =	vst.idx.add.f32.msk $0xffff, v9  }
0x153: {  	[tilespmem:v10+s21+$0x0] =	vst.idx.add.f32.msk $0xffff, v6  }
0x154: {  	[tilespmem:v7+s21+$0x0] =	vst.idx.add.f32.msk $0xffff, v5  }
0x155: {  	[tilespmem:v3+s21+$0x0] =	vst.idx.add.f32.msk $0xffff, v4  }
.Ltmp11:
0x156: {  	(pc) =	sbr.rel .LBB2_13-.Ltmp11, $4  }
0x157: {  	s0 =	sshrl.u32 s25, $0x3  }
0x158: {  	s0 =	sadd.s32 s4, s0  }
0x159: {  	s24 =	sadd.s32 $0x1, s24;
	s0 =	sadd.s32 $0x2EE, s0  }
0x15a: {  	[tilespmem:s16], [sflag:$0x6] =	stream.linear.gather [hbm4b:s0+s1], $0x7D0, $0x38;
	[tilespmem:$0x1D4C0] =	vst v63  }
.LBB2_20:
0x15b: {  	_ =	sfence.sel $0x180000  }
0x15c: {  	[bflag:$0x0] =	sbarrier.arrive $0xFFFF  }
0x15d: {  	_ =	strace $0x9000004D  }
0x15e: {  	s0 =	stileid.u32;
	[bflag:$0x2] =	sbarrier.arrive $0xFFFF  }
0x15f: {  	p0 =	sne.s32 s0, $0x0;
	s0 =	rddreg [dreg:$0x1]  }
0x160: {  	s0 =	sadd.s32 @!p0 $0x100000, s0  }
0x161: {  	[sflag:s0] =	ssyncadd.tile.s32 @!p0 $0x1;
	_ =	shalt  }
.Lfunc_end2:
_tile_overlayer_lowered:
.L_overlay_start_2:
0x162: {  	(tag) =	ssettag $0x2  }
0x163: {  	s0 =	rddreg [dreg:$0x0];
	s2 =	stileid.u32  }
0x164: {  	s1 =	rddreg [dreg:$0x1];
	p0 =	sne.s32 s2, $0x0  }
0x165: {  	s3 =	rddreg [dreg:$0x2];
	[bflag:$0x3] =	sbarrier.arrive $0xFFFF;
	s2 =	simm.s32 @!p0 $0x1C07  }
0x166: {  	[timem:s3], [sflag:s2] =	dma.local @!p0 [hbm:s0], s1  }
0x167: {  	s0 =	simm.s32 @!p0 $0x7  }
0x168: {  	_ =	swait.ge @!p0 [sflag:s0], s1  }
0x169: {  	s1 =	ssub.s32 @!p0 $0x0, s1;
	[sflag:s0] =	ssyncset.done @!p0 $0x0  }
0x16a: {  	[sflag:s0] =	ssyncadd.s32 @!p0 s1  }
0x16b: {  	[bflag:$0x3] =	sbarrier.arrive $0xFFFF  }
0x16c: {  	_ =	shalt  }

// kernel: kernel.9.cloned.1.call-start
scs
__scs_entry_jumppad:
0x0: {  	(pc) =	sbr.rel $0x88, $3  }
0x1: {  	(tag) =	ssettag $0x0;
	lr =	simm.s32 $0x1  }
0x2: {  	[smem:$0x3F9B] =	sst lr;
	_ =	strace $0xD0000000  }
0x3: {  	_ = 	snop  }
0x4: {  	_ = 	snop  }
0x5: {  	_ = 	snop  }
0x6: {  	_ = 	snop  }
0x7: {  	_ = 	snop  }
__scs_overlays_trampoline_lowered:
0x8: {  	[smem:$0x3FAA] =	sst s0  }
0x9: {  	[smem:$0x3FAB] =	sst s1  }
0xa: {  	[smem:$0x3FAC] =	sst s2  }
0xb: {  	[smem:$0x3FAD] =	sst s3  }
0xc: {  	[smem:$0x3FAE] =	sst s4  }
0xd: {  	[smem:$0x3FAF] =	sst s5  }
0xe: {  	[smem:$0x3FB0] =	sst s6  }
0xf: {  	[smem:$0x3FB1] =	sst s7  }
0x10: {  	[smem:$0x3FB2] =	sst s8  }
0x11: {  	[smem:$0x3FB3] =	sst s9;
	s0 =	simm.s32 @!p0 $0x0  }
0x12: {  	s1 =	sld [smem:$0x3F99];
	s0 =	simm.s32 @p0 $0x1  }
0x13: {  	[smem:$0x3FB4] =	sst s0;
	s0 =	simm.s32 @!p1 $0x0  }
0x14: {  	s2 =	sld [smem:$0x3F98];
	s0 =	simm.s32 @p1 $0x1  }
0x15: {  	[smem:$0x3FB5] =	sst s0;
	s0 =	simm.s32 @!p2 $0x0  }
0x16: {  	s3 =	sld [smem:$0x3FDB];
	s0 =	simm.s32 @p2 $0x1  }
0x17: {  	s4 =	simm.s32 $0x1BF5;
	[smem:$0x3FB7] =	sst s0  }
0x18: {  	s0 =	sld [smem:$0x3F9A];
	_ =	swait.ge [sflag:s4], $0x0  }
0x19: {  	s7 =	sld [smem:$0x3F9B]  }
0x1a: {  	s8 =	sadd.s32 $0xFFFFE003, lr  }
0x1b: {  	s9 =	sadd.s32 $0xFFFFFEF7, lr;
	s5 =	simm.s32 $0xFFFFFFFF;
	p2 =	slt.u32 s8, $0xFFFFF086  }
0x1c: {  	p1 =	slt.u32 s9, $0xF7A;
	s5 =	simm.s32 @!p2 $0x0  }
0x1d: {  	s5 =	simm.s32 @p1 $0x1;
	p0 =	seq.s32 s7, s2  }
0x1e: {  	s7 =	smul.u32 @!p0 $0xF7A, s2;
	p2 =	seq.s32 @!p0 s5, $0x0  }
0x1f: {  	s9 =	smul.u32 $0xF7A, s1;
	s8 =	simm.s32 @!p0 $0x1BF5;
	p2 =	por !p2, p0  }
0x20: {  	[sflag:s8] =	ssyncset.s32 @!p0 $0xFFFFF086;
	s6 =	sadd.s32 @!p0 s3, s7;
	s7 =	simm.s32 @!p0 $0x108  }
0x21: {  	s3 =	sadd.s32 s3, s9;
	s6 =	sadd.s32 @!p0 $0x88, s6;
	s7 =	simm.s32 @p2 $0x1082  }
0x22: {  	[simem:s7], [sflag:s8] =	dma.local @!p0 [hbm:s6], $0xF7A  }
0x23: {  	s9 =	sor.u32 $0xD0000000, s2;
	s6 =	simm.s32 $0x108;
	_ =	swait.ge @!p0 [sflag:s8], $0x0  }
0x24: {  	s3 =	sadd.s32 $0x88, s3;
	s6 =	simm.s32 @!p1 $0x1082;
	[sflag:s4] =	ssyncset.s32 $0xFFFFF086  }
0x25: {  	[simem:s6], [sflag:s4] =	dma.local [hbm:s3], $0xF7A  }
0x26: {  	[smem:$0x3F9B] =	sst s1;
	(tag) =	ssettag s2;
	_ =	strace s9  }
0x27: {  	s1 =	sld [smem:$0x3FAB]  }
0x28: {  	s2 =	sld [smem:$0x3FAC]  }
0x29: {  	s4 =	sld [smem:$0x3FAE]  }
0x2a: {  	p0 =	seq.s32 s5, $0x0;
	s5 =	sld [smem:$0x3FAF]  }
0x2b: {  	s6 =	sld [smem:$0x3FB0]  }
0x2c: {  	s7 =	sld [smem:$0x3FB1]  }
0x2d: {  	s3 =	simm.s32 $0x108;
	s8 =	sld [smem:$0x3FB2]  }
0x2e: {  	s3 =	simm.s32 @!p0 $0x1082;
	s9 =	sld [smem:$0x3FB3]  }
0x2f: {  	lr =	sadd.s32 s0, s3;
	s0 =	sld [smem:$0x3FAA]  }
0x30: {  	s3 =	sld [smem:$0x3FAD]  }
0x31: {  	[smem:$0x3FB6] =	sst s10  }
0x32: {  	s10 =	sld [smem:$0x3FB4];
	_ =	sdelay $0x3  }
0x33: {  	p0 =	seq.s32 s10, $0x1;
	s10 =	sld [smem:$0x3FB6];
	_ =	sdelay $0x3  }
0x34: {  	[smem:$0x3FB6] =	sst s10  }
0x35: {  	s10 =	sld [smem:$0x3FB5];
	_ =	sdelay $0x3  }
0x36: {  	p1 =	seq.s32 s10, $0x1;
	s10 =	sld [smem:$0x3FB6];
	_ =	sdelay $0x3  }
0x37: {  	[smem:$0x3FB6] =	sst s10  }
0x38: {  	s10 =	sld [smem:$0x3FB7]  }
0x39: {  	_ = 	snop;
	(pc) =	sbr.ind lr, $3  }
0x3a: {  	_ = 	snop  }
0x3b: {  	_ = 	snop  }
0x3c: {  	p2 =	seq.s32 s10, $0x1;
	s10 =	sld [smem:$0x3FB6]  }
0x3d: {  	_ =	shalt  }
0x3e: {  	_ =	shalt  }
0x3f: {  	_ =	shalt  }
0x40: {  	_ =	shalt  }
0x41: {  	_ =	shalt  }
0x42: {  	_ =	shalt  }
0x43: {  	_ =	shalt  }
0x44: {  	_ =	shalt  }
0x45: {  	_ =	shalt  }
0x46: {  	_ =	shalt  }
0x47: {  	_ =	shalt  }
0x48: {  	_ =	shalt  }
0x49: {  	_ =	shalt  }
0x4a: {  	_ =	shalt  }
0x4b: {  	_ =	shalt  }
0x4c: {  	_ =	shalt  }
0x4d: {  	_ =	shalt  }
0x4e: {  	_ =	shalt  }
0x4f: {  	_ =	shalt  }
0x50: {  	_ =	shalt  }
0x51: {  	_ =	shalt  }
0x52: {  	_ =	shalt  }
0x53: {  	_ =	shalt  }
0x54: {  	_ =	shalt  }
0x55: {  	_ =	shalt  }
0x56: {  	_ =	shalt  }
0x57: {  	_ =	shalt  }
0x58: {  	_ =	shalt  }
0x59: {  	_ =	shalt  }
0x5a: {  	_ =	shalt  }
0x5b: {  	_ =	shalt  }
0x5c: {  	_ =	shalt  }
0x5d: {  	_ =	shalt  }
0x5e: {  	_ =	shalt  }
0x5f: {  	_ =	shalt  }
0x60: {  	_ =	shalt  }
0x61: {  	_ =	shalt  }
0x62: {  	_ =	shalt  }
0x63: {  	_ =	shalt  }
0x64: {  	_ =	shalt  }
0x65: {  	_ =	shalt  }
0x66: {  	_ =	shalt  }
0x67: {  	_ =	shalt  }
0x68: {  	_ =	shalt  }
0x69: {  	_ =	shalt  }
0x6a: {  	_ =	shalt  }
0x6b: {  	_ =	shalt  }
0x6c: {  	_ =	shalt  }
0x6d: {  	_ =	shalt  }
0x6e: {  	_ =	shalt  }
0x6f: {  	_ =	shalt  }
0x70: {  	_ =	shalt  }
0x71: {  	_ =	shalt  }
0x72: {  	_ =	shalt  }
0x73: {  	_ =	shalt  }
0x74: {  	_ =	shalt  }
0x75: {  	_ =	shalt  }
0x76: {  	_ =	shalt  }
0x77: {  	_ =	shalt  }
0x78: {  	_ =	shalt  }
0x79: {  	_ =	shalt  }
0x7a: {  	_ =	shalt  }
0x7b: {  	_ =	shalt  }
0x7c: {  	_ =	shalt  }
0x7d: {  	_ =	shalt  }
0x7e: {  	_ =	shalt  }
0x7f: {  	_ =	shalt  }
0x80: {  	_ =	shalt  }
0x81: {  	_ =	shalt  }
0x82: {  	_ =	shalt  }
0x83: {  	_ =	shalt  }
0x84: {  	_ =	shalt  }
0x85: {  	_ =	shalt  }
0x86: {  	_ =	shalt  }
0x87: {  	_ =	shalt  }
.Lfunc_end0:
.L_simem_size_0:
called_computation_lowered:
.L_overlay_start_0:
0x88: {  	s2 =	sld [smem:$0x3FD9]  }
0x89: {  	s3 =	sld [smem:$0x3FFE];
	_ =	sdelay $0x1  }
0x8a: {  	s1 =	srdreg.scid  }
0x8b: {  	s0 =	sand.u32 $0x1, s1  }
0x8c: {  	s16 =	sshll.u32 s0, $0xA;
	s2 =	sadd.s32 s3, s2  }
0x8d: {  	s2 =	sadd.s32 s2, s16  }
0x8e: {  	[smem:$0x3FC2] =	sst s2  }
0x8f: {  	_ = 	snop  }
0x90: {  	(tm) =	ssettm $0x1  }
0x91: {  	s17 =	sld [smem:$0x3FFB];
	_ =	sdelay $0x3  }
0x92: {  	_ =	strace s17  }
0x93: {  	s2 =	sld [smem:$0x3FFC];
	_ =	sdelay $0x3  }
0x94: {  	_ =	strace s2  }
0x95: {  	s2 =	sld [smem:$0x3FFD];
	_ =	sdelay $0x3  }
0x96: {  	_ =	strace s2  }
0x97: {  	_ =	strace $0x8FFFFFFF  }
0x98: {  	s18 =	sld [smem:$0x3FDB];
	_ =	sdelay $0x1  }
0x99: {  	s19 =	simm.s32 $_scs_section_size  }
0x9a: {  	s4 =	simm.s32 $_size__tile_overlayer_lowered;
	s5 =	simm.s32 $_tile_overlayer_lowered  }
0x9b: {  	s22 =	simm.s32 $0x1BFF;
	s21 =	sshll.u32 s5, $0x1;
	s2 =	sadd.s32 s19, s18  }
0x9c: {  	s6 =	simm.s32 $0x0;
	s20 =	sshll.u32 s4, $0x1;
	s4 =	sadd.s32 s21, s2  }
0x9d: {  	[timem:s6], [sflag:s22] =	dma.local [hbm:s4], s20  }
0x9e: {  	_ =	swait.ge [sflag:s22], s20  }
0x9f: {  	s3 =	ssub.s32 $0x0, s20;
	[sflag:s22] =	ssyncset.done $0x0  }
0xa0: {  	[sflag:s22] =	ssyncadd.s32 s3;
	_ =	sdelay $0x1  }
0xa1: {  	s23 =	simm.s32 $0x1B8B  }
0xa2: {  	_ =	swait.ge [sflag:s23], $0x1  }
0xa3: {  	[sflag:s23] =	ssyncset.done $0x0  }
0xa4: {  	s25 =	simm.s32 $0x1B8E;
	s24 =	sld [smem:$0x3FFE];
	[sflag:s23] =	ssyncadd.s32 $0xFFFFFFFF  }
0xa5: {  	s26 =	simm.s32 $execute0_lowered;
	[smem:$0x3FD2] =	sst s25  }
0xa6: {  	s4 =	sshll.u32 s26, $0x1;
	_ =	strace $0x80000046;
	[dreg:$0x1] =	wrdreg $0xFFFFFFFF  }
0xa7: {  	s28 =	simm.s32 $_size_execute0_lowered;
	s2 =	sadd.s32 s2, s4;
	[dreg:$0x0] =	wrdreg $0x0  }
0xa8: {  	s4 =	sshll.u32 s28, $0x1;
	[dreg:$0x2] =	wrdreg s2  }
0xa9: {  	[dreg:$0x3] =	wrdreg s4  }
0xaa: {  	[dreg:$0x4] =	wrdreg $0xC0  }
0xab: {  	_ =	task [dreg:s6], $0x5FFFF  }
0xac: {  	[dreg:$0x1] =	wrdreg $0xFFFFFFFF  }
0xad: {  	[dreg:$0x0] =	wrdreg $0x60  }
0xae: {  	[dreg:$0x2] =	wrdreg s24  }
0xaf: {  	[dreg:$0x3] =	wrdreg $0x9  }
0xb0: {  	_ =	task.clear_ibuf [dreg:s6], $0x4FFFF;
	_ =	strace $0x90000046  }
0xb1: {  	s29 =	simm.s32 $0x9;
	_ =	strace $0x80000048  }
0xb2: {  	_ =	swait.ge [sflag:s29], $0x1  }
0xb3: {  	[sflag:s29] =	ssyncadd.s32 $0xFFFFFFFF  }
0xb4: {  	_ =	strace $0x90000048  }
0xb5: {  	_ =	sfence  }
0xb6: {  	s30 =	sld [smem:$0x0];
	_ =	sdelay $0x2  }
0xb7: {  	s31 =	sshll.u32 s1, $0xD;
	s1 =	sshrl.u32 s1, $0x2  }
0xb8: {  	s3 =	sand.u32 $0x4000, s31;
	s1 =	sadd.s32 s1, s30  }
0xb9: {  	s0 =	sor.u32 s3, s0;
	s1 =	sshll.u32 s1, $0x11  }
0xba: {  	s0 =	sor.u32 s1, s0  }
0xbb: {  	s0 =	sadd.s32 $0x8F2B, s0  }
0xbc: {  	[sflag:s0] =	ssyncadd.remote.s32 $0x1  }
0xbd: {  	_ =	sfence.sel $0xFFFF  }
0xbe: {  	[dreg:$0x0] =	wrdreg $0xFFFFFFFF;
	(pc) =	sbr.abs _section_cstart, $3  }
0xbf: {  	[dreg:$0x1] =	wrdreg $0xFFFFFFFF  }
0xc0: {  	_ =	task.clear_ibuf [dreg:s6], $0x2FFFF;
	_ =	strace $0x9FFFFFFF  }
0xc1: {  	(tm) =	ssettm $0x7FFFFFFF  }
tec
execute0_lowered:
.L_overlay_start_1:
0x0: {  	(tag) =	ssettag $0x1  }
0x1: {  	s1 =	srdreg.scid  }
0x2: {  	s0 =	stileid.u32;
	s4 =	rddreg [dreg:$0x0];
	s2 =	simm.s32 $0x0  }
0x3: {  	s9 =	simm.s32 $0x1;
	s3 =	sand.u32 $0x1, s1;
	s29 =	sshll.u32 s0, $0x1  }
0x4: {  	s10 =	simm.s32 $0x1398;
	s11 =	simm.s32 $0x3AC8;
	s5 =	sor.u32 s3, s29  }
0x5: {  	vm0 =	vcmask $0x3F20;
	s12 =	simm.s32 $0x2730;
	s13 =	simm.s32 $0x0;
	s6 =	smul.u32 $0x4E2, s5  }
0x6: {  	[smem:$0x7FF] =	sst s2;
	s3 =	ssub.s32 $0x2, s3;
	s5 =	smul.u32 $0x271, s5  }
0x7: {  	s1 =	rddreg [dreg:$0x1];
	_ =	strace $0x80000047;
	s31 =	sshrl.u32 s3, $0x1  }
0x8: {  	v1 =	vlaneseq.u32;
	s8 =	ssub.s32 s3, s31;
	s7 =	sadd.s32 s6, s4;
	s30 =	sadd.s32 s5, s4  }
0x9: {  	v1 =	vand.u32 $0x7, v1;
	s8 =	smax.u32 s8, $0x1;
	s3 =	sadd.s32 $0x6400, s30;
	s4 =	sadd.s32 $0x1400, s30  }
0xa: {  	v0 =	vimm.f32 $0.0e+00;
	v2 =	vimm.f32 $1.000000000e+00;
	v1 =	vmul.u32 $0x2710, v1;
	s5 =	sadd.s32 $0x15200, s30;
	s6 =	sadd.s32 $0x1A200, s30;
	s7 =	sadd.s32 $0xB400, s7  }
.LBB2_1:
0xb: {  	[tilespmem:s2], [sflag:$0x1] =	stream.linear.gather [hbm4b:s3+s2], $0x1388, $0x38;
	[tilespmem:$0x17348] =	vst v63  }
0xc: {  	_ =	swait.ge [sflag:s9], $0x1388  }
0xd: {  	[sflag:s9] =	ssyncset.done $0x0  }
0xe: {  	[sflag:s9] =	ssyncadd.s32 $0xFFFFEC78  }
0xf: {  	[tilespmem:s10], [sflag:$0x1] =	stream.linear.gather [hbm4b:s4+s2], $0x1388, $0x38;
	[tilespmem:$0x17348] =	vst v63  }
0x10: {  	_ =	swait.ge [sflag:s9], $0x1388  }
0x11: {  	[sflag:s9] =	ssyncset.done $0x0  }
0x12: {  	s14 =	simm.s32 $0x3B08;
	[sflag:s9] =	ssyncadd.s32 $0xFFFFEC78  }
0x13: {  	[tilespmem:s14+$0xFFFFFFC0] =	vst v0  }
0x14: {  	[tilespmem:s14+$0x30] =	vst v0  }
0x15: {  	[tilespmem:s14+$0x20] =	vst v0  }
0x16: {  	[tilespmem:s14+$0x10] =	vst v0  }
0x17: {  	[tilespmem:s14+$0x0] =	vst v0  }
0x18: {  	[tilespmem:s14+$0xFFFFFFF0] =	vst v0  }
0x19: {  	s18 =	simm.s32 $0x0;
	s16 =	simm.s32 $0x13D8;
	s15 =	simm.s32 $0x2770;
	[tilespmem:s14+$0xFFFFFFE0] =	vst v0  }
.LBB2_2:
0x1a: {  	s18 =	sadd.s32 $0x8, s18;
	[tilespmem:s14+$0xFFFFFFD0] =	vst v0;
	s14 =	sadd.s32 $0x80, s14;
	s17 =	simm.s32 $0x40  }
0x1b: {  	[tilespmem:s14+$0xFFFFFFC0] =	vst v0;
	p0 =	slt.u32 s18, $0x1380  }
0x1c: {  	[tilespmem:s14+$0x30] =	vst v0  }
.Ltmp0:
0x1d: {  	[tilespmem:s14+$0x20] =	vst v0;
	(pc) =	sbr.rel @p0 .LBB2_2-.Ltmp0, $4  }
0x1e: {  	[tilespmem:s14+$0x10] =	vst v0  }
0x1f: {  	[tilespmem:s14+$0x0] =	vst v0  }
0x20: {  	[tilespmem:s14+$0xFFFFFFF0] =	vst v0  }
0x21: {  	[tilespmem:s14+$0xFFFFFFE0] =	vst v0  }
0x22: {  	[tilespmem:s14+$0xFFFFFFD0] =	vst v0  }
0x23: {  	v3 =	vld [tilespmem:s17+$0x10]  }
0x24: {  	v4 =	vld [tilespmem:s17+$0xFFFFFFD0]  }
0x25: {  	v6 =	vld [tilespmem:s17+$0xFFFFFFF0]  }
0x26: {  	v5 =	vld [tilespmem:s17+$0xFFFFFFE0]  }
0x27: {  	v7 =	vld [tilespmem:s17+$0x20]  }
0x28: {  	s14 =	simm.s32 $0xC0;
	v9 =	vld [tilespmem:s17+$0x30]  }
0x29: {  	v10 =	vld [tilespmem:s14+$0xFFFFFFD0];
	v3 =	vshll.u32 v3, $0x5  }
0x2a: {  	v4 =	vshll.u32 v4, $0x5;
	[tilespmem:s17+$0x10] =	vst v3;
	v3 =	vld [tilespmem:s17+$0xFFFFFFC0]  }
0x2b: {  	[tilespmem:s17+$0xFFFFFFD0] =	vst v4;
	v8 =	vld [tilespmem:s16+$0x10]  }
0x2c: {  	v5 =	vshll.u32 v5, $0x5;
	v15 =	vld [tilespmem:s16+$0xFFFFFFD0]  }
0x2d: {  	v7 =	vshll.u32 v7, $0x5;
	v4 =	vld [tilespmem:s17+$0x0];
	[tilespmem:s17+$0xFFFFFFE0] =	vst v5  }
0x2e: {  	v6 =	vshll.u32 v6, $0x5;
	[tilespmem:s17+$0x20] =	vst v7;
	v5 =	vld [tilespmem:s16+$0xFFFFFFE0]  }
0x2f: {  	v13 =	vld [tilespmem:s14+$0xFFFFFFF0];
	[tilespmem:s17+$0xFFFFFFF0] =	vst v6;
	v3 =	vshll.u32 v3, $0x5  }
0x30: {  	v14 =	vld [tilespmem:s14+$0xFFFFFFE0];
	v11 =	vshll.u32 v8, $0x3;
	[tilespmem:s17+$0xFFFFFFC0] =	vst v3  }
0x31: {  	v3 =	vshll.u32 v9, $0x5;
	v9 =	vld [tilespmem:s14+$0x10];
	v7 =	vshll.u32 v15, $0x3;
	v8 =	vadd.s32 v1, v8;
	[tilespmem:s15+$0x10] =	vst v11  }
0x32: {  	[tilespmem:s15+$0xFFFFFFD0] =	vst v7;
	v7 =	vld [tilespmem:s16+$0xFFFFFFF0]  }
0x33: {  	[tilespmem:s17+$0x30] =	vst v3;
	v3 =	vshll.u32 v4, $0x5;
	v4 =	vshll.u32 v5, $0x3;
	v5 =	vadd.s32 v1, v5;
	v18 =	vld [tilespmem:s16+$0xFFFFFFC0]  }
0x34: {  	[tilespmem:s17+$0x0] =	vst v3;
	v3 =	vld [tilespmem:s16+$0x20]  }
0x35: {  	[tilespmem:s15+$0xFFFFFFE0] =	vst v4;
	v16 =	vld [tilespmem:s16+$0x30]  }
0x36: {  	v6 =	vshll.u32 v9, $0x5;
	[tilespmem:v8+s11+$0x0] =	vst.idx.add.f32.msk $0xff, v2  }
0x37: {  	v4 =	vld [tilespmem:s16+$0x0];
	[tilespmem:s14+$0x10] =	vst v6  }
0x38: {  	[tilespmem:v5+s11+$0x0] =	vst.idx.add.f32.msk $0xff, v2  }
0x39: {  	v6 =	vshll.u32 v10, $0x5;
	[tilespmem:v8+s11+$0x0] =	vst.idx.add.f32.msk vm0, v2  }
0x3a: {  	v17 =	vld [tilespmem:s14+$0x20];
	v8 =	vshll.u32 v7, $0x3;
	[tilespmem:s14+$0xFFFFFFD0] =	vst v6  }
0x3b: {  	v20 =	vld [tilespmem:s14+$0xFFFFFFC0];
	v19 =	vadd.s32 v1, v7;
	v10 =	vshll.u32 v3, $0x3;
	[tilespmem:s15+$0xFFFFFFF0] =	vst v8  }
0x3c: {  	v11 =	vld [tilespmem:s14+$0x30];
	v9 =	vadd.s32 v1, v3;
	v8 =	vshll.u32 v18, $0x3;
	[tilespmem:s15+$0x20] =	vst v10  }
0x3d: {  	s17 =	simm.s32 $0x1458;
	v6 =	vld [tilespmem:s14+$0x0];
	v3 =	vshll.u32 v4, $0x3;
	[tilespmem:s15+$0xFFFFFFC0] =	vst v8  }
0x3e: {  	v7 =	vld [tilespmem:s17+$0x10];
	v12 =	vadd.s32 v1, v4;
	[tilespmem:s15+$0x0] =	vst v3;
	v3 =	vshll.u32 v16, $0x3  }
0x3f: {  	[tilespmem:s15+$0x30] =	vst v3;
	v3 =	vld [tilespmem:s17+$0xFFFFFFD0]  }
0x40: {  	v10 =	vshll.u32 v14, $0x5;
	v14 =	vadd.s32 v1, v18;
	[tilespmem:v19+s11+$0x0] =	vst.idx.add.f32.msk $0xff, v2  }
0x41: {  	[tilespmem:v9+s11+$0x0] =	vst.idx.add.f32.msk $0xff, v2  }
0x42: {  	s18 =	simm.s32 $0x8;
	s19 =	simm.s32 $0x27F0;
	v15 =	vadd.s32 v1, v15;
	v4 =	vshll.u32 v13, $0x5;
	[tilespmem:v19+s11+$0x0] =	vst.idx.add.f32.msk vm0, v2  }
0x43: {  	s20 =	simm.s32 $0x140;
	s16 =	simm.s32 $0x1458;
	v8 =	vshll.u32 v17, $0x5;
	v13 =	vadd.s32 v1, v16;
	v16 =	vshll.u32 v20, $0x5;
	s15 =	simm.s32 $0x27F0;
	[tilespmem:v12+s11+$0x0] =	vst.idx.add.f32.msk $0xff, v2  }
.LBB2_4:
0x44: {  	s18 =	sadd.s32 $0x8, s18;
	s17 =	sadd.s32 $0x80, s17;
	s19 =	sadd.s32 $0x80, s19;
	[tilespmem:v12+s11+$0x0] =	vst.idx.add.f32.msk vm0, v2  }
0x45: {  	p0 =	slt.u32 s18, $0x130;
	[tilespmem:v14+s11+$0x0] =	vst.idx.add.f32.msk $0xff, v2  }
0x46: {  	v12 =	vld [tilespmem:s20+$0xFFFFFFD0];
	[tilespmem:s14+$0xFFFFFFE0] =	vst v10  }
0x47: {  	[tilespmem:v5+s11+$0x0] =	vst.idx.add.f32.msk vm0, v2  }
0x48: {  	v5 =	vshll.u32 v11, $0x5;
	[tilespmem:v13+s11+$0x0] =	vst.idx.add.f32.msk $0xff, v2  }
0x49: {  	[tilespmem:v9+s11+$0x0] =	vst.idx.add.f32.msk vm0, v2  }
0x4a: {  	v9 =	vshll.u32 v7, $0x3;
	[tilespmem:v15+s11+$0x0] =	vst.idx.add.f32.msk $0xff, v2  }
0x4b: {  	[tilespmem:s14+$0xFFFFFFC0] =	vst v16;
	v10 =	vld [tilespmem:s16+$0xFFFFFFE0]  }
0x4c: {  	[tilespmem:v13+s11+$0x0] =	vst.idx.add.f32.msk vm0, v2  }
0x4d: {  	[tilespmem:v14+s11+$0x0] =	vst.idx.add.f32.msk vm0, v2  }
0x4e: {  	[tilespmem:v15+s11+$0x0] =	vst.idx.add.f32.msk vm0, v2  }
0x4f: {  	v11 =	vld [tilespmem:s20+$0xFFFFFFF0];
	[tilespmem:s15+$0x10] =	vst v9  }
0x50: {  	v9 =	vld [tilespmem:s20+$0x10];
	[tilespmem:s14+$0x30] =	vst v5  }
0x51: {  	v6 =	vshll.u32 v6, $0x5;
	v13 =	vld [tilespmem:s20+$0xFFFFFFE0];
	[tilespmem:s14+$0x20] =	vst v8  }
0x52: {  	v5 =	vadd.s32 v1, v10;
	v8 =	vshll.u32 v10, $0x3;
	[tilespmem:s14+$0x0] =	vst v6;
	v14 =	vld [tilespmem:s16+$0x20]  }
0x53: {  	[tilespmem:s15+$0xFFFFFFE0] =	vst v8;
	v8 =	vld [tilespmem:s16+$0x0]  }
0x54: {  	v7 =	vadd.s32 v1, v7;
	v6 =	vshll.u32 v3, $0x3;
	[tilespmem:s14+$0xFFFFFFF0] =	vst v4;
	v15 =	vld [tilespmem:s16+$0x30];
	s14 =	smov.u32 s20  }
0x55: {  	v4 =	vshll.u32 v11, $0x5;
	v9 =	vshll.u32 v9, $0x5;
	v11 =	vld [tilespmem:s20+$0x20];
	[tilespmem:s15+$0xFFFFFFD0] =	vst v6  }
0x56: {  	v10 =	vshll.u32 v13, $0x5;
	[tilespmem:s20+$0x10] =	vst v9;
	v13 =	vld [tilespmem:s16+$0xFFFFFFF0]  }
0x57: {  	v6 =	vshll.u32 v12, $0x5;
	[tilespmem:v5+s11+$0x0] =	vst.idx.add.f32.msk $0xff, v2;
	v16 =	vshll.u32 v14, $0x3  }
0x58: {  	v9 =	vadd.s32 v1, v14;
	[tilespmem:s20+$0xFFFFFFD0] =	vst v6;
	v6 =	vld [tilespmem:s20+$0x0];
	v17 =	vshll.u32 v8, $0x3;
	v12 =	vadd.s32 v1, v8  }
0x59: {  	[tilespmem:v7+s11+$0x0] =	vst.idx.add.f32.msk $0xff, v2  }
0x5a: {  	v14 =	vshll.u32 v15, $0x3;
	[tilespmem:v7+s11+$0x0] =	vst.idx.add.f32.msk vm0, v2  }
0x5b: {  	v8 =	vshll.u32 v11, $0x5;
	v18 =	vld [tilespmem:s16+$0xFFFFFFC0];
	v11 =	vshll.u32 v13, $0x3;
	v19 =	vadd.s32 v1, v13;
	[tilespmem:s15+$0x20] =	vst v16;
	s16 =	smov.u32 s17  }
0x5c: {  	v7 =	vld [tilespmem:s17+$0x10];
	[tilespmem:s15+$0x0] =	vst v17  }
0x5d: {  	v16 =	vld [tilespmem:s20+$0xFFFFFFC0];
	[tilespmem:s15+$0xFFFFFFF0] =	vst v11  }
0x5e: {  	v13 =	vadd.s32 v1, v15;
	v11 =	vld [tilespmem:s20+$0x30];
	[tilespmem:s15+$0x30] =	vst v14  }
.Ltmp1:
0x5f: {  	[tilespmem:v9+s11+$0x0] =	vst.idx.add.f32.msk $0xff, v2;
	(pc) =	sbr.rel @p0 .LBB2_4-.Ltmp1, $4  }
0x60: {  	v15 =	vshll.u32 v18, $0x3;
	v14 =	vadd.s32 v1, v18;
	[tilespmem:v19+s11+$0x0] =	vst.idx.add.f32.msk $0xff, v2  }
0x61: {  	[tilespmem:s15+$0xFFFFFFC0] =	vst v15;
	v15 =	vadd.s32 v1, v3;
	v3 =	vld [tilespmem:s17+$0xFFFFFFD0];
	s15 =	smov.u32 s19  }
0x62: {  	v16 =	vshll.u32 v16, $0x5;
	[tilespmem:v19+s11+$0x0] =	vst.idx.add.f32.msk vm0, v2  }
0x63: {  	s20 =	sadd.s32 $0x80, s20;
	[tilespmem:v12+s11+$0x0] =	vst.idx.add.f32.msk $0xff, v2  }
0x64: {  	_ =	sdelay $0x4  }
0x65: {  	[tilespmem:v12+s11+$0x0] =	vst.idx.add.f32.msk vm0, v2  }
0x66: {  	[tilespmem:v14+s11+$0x0] =	vst.idx.add.f32.msk $0xff, v2  }
0x67: {  	[tilespmem:s14+$0xFFFFFFE0] =	vst v10  }
0x68: {  	[tilespmem:v5+s11+$0x0] =	vst.idx.add.f32.msk vm0, v2  }
0x69: {  	[tilespmem:v13+s11+$0x0] =	vst.idx.add.f32.msk $0xff, v2  }
0x6a: {  	[tilespmem:v9+s11+$0x0] =	vst.idx.add.f32.msk vm0, v2  }
0x6b: {  	[tilespmem:v15+s11+$0x0] =	vst.idx.add.f32.msk $0xff, v2  }
0x6c: {  	[tilespmem:s14+$0xFFFFFFC0] =	vst v16  }
0x6d: {  	[tilespmem:s14+$0x20] =	vst v8  }
0x6e: {  	[tilespmem:s14+$0xFFFFFFF0] =	vst v4  }
0x6f: {  	[tilespmem:v13+s11+$0x0] =	vst.idx.add.f32.msk vm0, v2  }
0x70: {  	[tilespmem:v14+s11+$0x0] =	vst.idx.add.f32.msk vm0, v2  }
0x71: {  	v9 =	vshll.u32 v7, $0x3;
	v7 =	vadd.s32 v1, v7;
	[tilespmem:v15+s11+$0x0] =	vst.idx.add.f32.msk vm0, v2  }
0x72: {  	v6 =	vshll.u32 v6, $0x5;
	v5 =	vld [tilespmem:s16+$0xFFFFFFE0];
	[tilespmem:s15+$0x10] =	vst v9  }
0x73: {  	v10 =	vshll.u32 v11, $0x5;
	[tilespmem:s14+$0x0] =	vst v6;
	v6 =	vld [tilespmem:s16+$0x20]  }
0x74: {  	[tilespmem:s14+$0x30] =	vst v10;
	v4 =	vshll.u32 v3, $0x3  }
0x75: {  	v9 =	vld [tilespmem:s16+$0x0];
	v3 =	vadd.s32 v1, v3;
	[tilespmem:s15+$0xFFFFFFD0] =	vst v4  }
0x76: {  	[tilespmem:v7+s11+$0x0] =	vst.idx.add.f32.msk $0xff, v2  }
0x77: {  	v8 =	vadd.s32 v1, v5;
	v5 =	vshll.u32 v5, $0x3;
	[tilespmem:v7+s11+$0x0] =	vst.idx.add.f32.msk vm0, v2  }
0x78: {  	v11 =	vld [tilespmem:s16+$0xFFFFFFC0];
	v4 =	vshll.u32 v6, $0x3;
	[tilespmem:s15+$0xFFFFFFE0] =	vst v5  }
0x79: {  	v10 =	vld [tilespmem:s16+$0x30];
	v6 =	vadd.s32 v1, v6;
	[tilespmem:s15+$0x20] =	vst v4  }
0x7a: {  	v7 =	vshll.u32 v9, $0x3;
	[tilespmem:v3+s11+$0x0] =	vst.idx.add.f32.msk $0xff, v2  }
0x7b: {  	v5 =	vld [tilespmem:s16+$0xFFFFFFF0];
	[tilespmem:s15+$0x0] =	vst v7  }
0x7c: {  	[tilespmem:v3+s11+$0x0] =	vst.idx.add.f32.msk vm0, v2  }
0x7d: {  	[tilespmem:v8+s11+$0x0] =	vst.idx.add.f32.msk $0xff, v2  }
0x7e: {  	[tilespmem:v6+s11+$0x0] =	vst.idx.add.f32.msk $0xff, v2  }
0x7f: {  	v7 =	vadd.s32 v1, v11;
	[tilespmem:v8+s11+$0x0] =	vst.idx.add.f32.msk vm0, v2  }
0x80: {  	v4 =	vshll.u32 v5, $0x3;
	[tilespmem:v6+s11+$0x0] =	vst.idx.add.f32.msk vm0, v2  }
0x81: {  	v59 =	vadd.s32 v1, v5;
	v5 =	vshll.u32 v10, $0x3;
	[tilespmem:s15+$0xFFFFFFF0] =	vst v4  }
0x82: {  	[tilespmem:s15+$0x30] =	vst v5;
	v5 =	vshll.u32 v11, $0x3  }
0x83: {  	v4 =	vadd.s32 v1, v9;
	[tilespmem:s15+$0xFFFFFFC0] =	vst v5  }
0x84: {  	[tilespmem:v7+s11+$0x0] =	vst.idx.add.f32.msk $0xff, v2  }
0x85: {  	v5 =	vadd.s32 v1, v10;
	[tilespmem:v7+s11+$0x0] =	vst.idx.add.f32.msk vm0, v2  }
0x86: {  	[tilespmem:v59+s11+$0x0] =	vst.idx.add.f32.msk $0xff, v2  }
0x87: {  	[tilespmem:v59+s11+$0x0] =	vst.idx.add.f32.msk vm0, v2  }
0x88: {  	[tilespmem:v4+s11+$0x0] =	vst.idx.add.f32.msk $0xff, v2  }
0x89: {  	[tilespmem:v4+s11+$0x0] =	vst.idx.add.f32.msk vm0, v2  }
0x8a: {  	[tilespmem:v5+s11+$0x0] =	vst.idx.add.f32.msk $0xff, v2  }
0x8b: {  	[tilespmem:v5+s11+$0x0] =	vst.idx.add.f32.msk vm0, v2  }
0x8c: {  	v3 =	vld [tilespmem:$0x2718];
	_ =	sdelay $0x1  }
0x8d: {  	v4 =	vld [tilespmem:$0x1380];
	_ =	sdelay $0x2  }
0x8e: {  	v5 =	vadd.s32 v1, v3;
	_ =	sdelay $0x1  }
0x8f: {  	v4 =	vshll.u32 v4, $0x5  }
0x90: {  	v3 =	vshll.u32 v3, $0x3;
	[tilespmem:$0x1380] =	vst v4  }
0x91: {  	s14 =	simm.s32 $0x3AC8;
	[tilespmem:$0x3AB0] =	vst v3  }
0x92: {  	[tilespmem:v5+s14+$0x0] =	vst.idx.add.f32.msk $0xff, v2  }
0x93: {  	v3 =	vld [tilespmem:s14+$0x30]  }
0x94: {  	v4 =	vld [tilespmem:s14+$0x2740]  }
0x95: {  	v5 =	vld [tilespmem:s14+$0x2710]  }
0x96: {  	v6 =	vld [tilespmem:s14+$0x4E50]  }
0x97: {  	v7 =	vld [tilespmem:s14+$0x10]  }
0x98: {  	v8 =	vld [tilespmem:s14+$0x7560]  }
0x99: {  	v9 =	vld [tilespmem:s14+$0x2720]  }
0x9a: {  	v10 =	vld [tilespmem:s14+$0x9C70]  }
0x9b: {  	v11 =	vld [tilespmem:s14+$0x20]  }
0x9c: {  	v12 =	vld [tilespmem:s14+$0xC380]  }
0x9d: {  	v13 =	vld [tilespmem:s14+$0x2730]  }
0x9e: {  	v14 =	vld [tilespmem:s14+$0xEA90]  }
0x9f: {  	v15 =	vld [tilespmem:s14+$0x0]  }
0xa0: {  	v16 =	vld [tilespmem:s14+$0x111A0]  }
0xa1: {  	v17 =	vld [tilespmem:s14+$0x4E20]  }
0xa2: {  	v18 =	vld [tilespmem:s14+$0x4E30]  }
0xa3: {  	v19 =	vld [tilespmem:s14+$0x7530]  }
0xa4: {  	v20 =	vld [tilespmem:s14+$0x7550];
	v3 =	vadd.f32 v4, v3  }
0xa5: {  	v60 =	vld [tilespmem:s14+$0x9C50]  }
0xa6: {  	v3 =	vadd.f32 v6, v3;
	v6 =	vld [tilespmem:s14+$0x7540]  }
0xa7: {  	v4 =	vld [tilespmem:s14+$0x4E40];
	v5 =	vadd.f32 v5, v15;
	v7 =	vadd.f32 v9, v7  }
0xa8: {  	v3 =	vadd.f32 v8, v3;
	v8 =	vld [tilespmem:s14+$0x9C40]  }
0xa9: {  	v61 =	vld [tilespmem:s14+$0xC360];
	v5 =	vadd.f32 v17, v5;
	v7 =	vadd.f32 v18, v7  }
0xaa: {  	v3 =	vadd.f32 v10, v3;
	v10 =	vadd.f32 v13, v11;
	v11 =	vld [tilespmem:s14+$0xC350]  }
0xab: {  	v9 =	vld [tilespmem:s14+$0x9C60];
	v5 =	vadd.f32 v19, v5;
	v6 =	vadd.f32 v6, v7  }
0xac: {  	v7 =	vld [tilespmem:s14+$0xEA60];
	v3 =	vadd.f32 v12, v3;
	v4 =	vadd.f32 v4, v10  }
0xad: {  	v10 =	vld [tilespmem:s14+$0xC370];
	v5 =	vadd.f32 v8, v5  }
0xae: {  	v62 =	vadd.f32 v14, v3;
	v63 =	vadd.f32 v20, v4;
	v3 =	vld [tilespmem:s14+$0xEA70]  }
0xaf: {  	v6 =	vadd.f32 v60, v6;
	v4 =	vld [tilespmem:s14+$0xEA80];
	v11 =	vadd.f32 v11, v5  }
0xb0: {  	v5 =	vld [tilespmem:s14+$0x11170];
	v13 =	vadd.f32 v16, v62;
	v9 =	vadd.f32 v9, v63  }
0xb1: {  	v8 =	vadd.f32 v61, v6;
	v6 =	vld [tilespmem:s14+$0x11180]  }
0xb2: {  	s16 =	simm.s32 $0x3B08;
	s15 =	simm.s32 $0x0;
	[tilespmem:s14+$0x30] =	vst v13;
	v10 =	vadd.f32 v10, v9;
	v9 =	vadd.f32 v7, v11;
	v7 =	vld [tilespmem:s14+$0x11190]  }
.LBB2_6:
0xb3: {  	v11 =	vld [tilespmem:s16+$0x30];
	v3 =	vadd.f32 v3, v8  }
0xb4: {  	s15 =	sadd.s32 $0x4, s15;
	v8 =	vld [tilespmem:s16+$0x2740];
	v4 =	vadd.f32 v4, v10  }
0xb5: {  	p0 =	slt.u32 s15, $0x26C;
	v10 =	vld [tilespmem:s16+$0x2710];
	v5 =	vadd.f32 v5, v9  }
0xb6: {  	v9 =	vld [tilespmem:s16+$0x4E50];
	v3 =	vadd.f32 v6, v3  }
0xb7: {  	v6 =	vld [tilespmem:s16+$0x10];
	[tilespmem:s14+$0x0] =	vst v5;
	v4 =	vadd.f32 v7, v4  }
0xb8: {  	v5 =	vld [tilespmem:s16+$0x7560];
	[tilespmem:s14+$0x10] =	vst v3  }
0xb9: {  	v3 =	vld [tilespmem:s16+$0x2720];
	v7 =	vadd.f32 v8, v11;
	[tilespmem:s14+$0x20] =	vst v4;
	s14 =	smov.u32 s16  }
0xba: {  	v4 =	vld [tilespmem:s16+$0x9C70]  }
0xbb: {  	v8 =	vld [tilespmem:s16+$0x20];
	v7 =	vadd.f32 v9, v7  }
0xbc: {  	v9 =	vld [tilespmem:s16+$0xC380]  }
0xbd: {  	v11 =	vld [tilespmem:s16+$0x2730];
	v5 =	vadd.f32 v5, v7  }
0xbe: {  	v3 =	vadd.f32 v3, v6;
	v6 =	vld [tilespmem:s16+$0xEA90]  }
0xbf: {  	v7 =	vld [tilespmem:s16+$0x0];
	v4 =	vadd.f32 v4, v5  }
0xc0: {  	v5 =	vld [tilespmem:s16+$0x111A0]  }
0xc1: {  	v12 =	vld [tilespmem:s16+$0x4E20];
	v4 =	vadd.f32 v9, v4  }
0xc2: {  	v9 =	vld [tilespmem:s16+$0x4E30];
	v8 =	vadd.f32 v11, v8  }
0xc3: {  	v11 =	vld [tilespmem:s16+$0x4E40];
	v4 =	vadd.f32 v6, v4  }
0xc4: {  	v6 =	vadd.f32 v10, v7;
	v7 =	vld [tilespmem:s16+$0x7530]  }
0xc5: {  	v10 =	vld [tilespmem:s16+$0x7540];
	v4 =	vadd.f32 v5, v4  }
0xc6: {  	v5 =	vadd.f32 v12, v6;
	v6 =	vld [tilespmem:s16+$0x7550]  }
0xc7: {  	v12 =	vld [tilespmem:s16+$0x9C40];
	v3 =	vadd.f32 v9, v3;
	[tilespmem:s16+$0x30] =	vst v4  }
0xc8: {  	v4 =	vld [tilespmem:s16+$0x9C50];
	v8 =	vadd.f32 v11, v8  }
0xc9: {  	v5 =	vadd.f32 v7, v5;
	v7 =	vld [tilespmem:s16+$0x9C60]  }
0xca: {  	v9 =	vld [tilespmem:s16+$0xC350];
	v3 =	vadd.f32 v10, v3  }
0xcb: {  	v10 =	vld [tilespmem:s16+$0xC360];
	v6 =	vadd.f32 v6, v8  }
0xcc: {  	v5 =	vadd.f32 v12, v5;
	v11 =	vld [tilespmem:s16+$0xC370]  }
0xcd: {  	v12 =	vld [tilespmem:s16+$0xEA60];
	v8 =	vadd.f32 v4, v3  }
.Ltmp2:
0xce: {  	v3 =	vld [tilespmem:s16+$0xEA70];
	v7 =	vadd.f32 v7, v6;
	(pc) =	sbr.rel @p0 .LBB2_6-.Ltmp2, $4  }
0xcf: {  	v9 =	vadd.f32 v9, v5;
	v4 =	vld [tilespmem:s16+$0xEA80]  }
0xd0: {  	v5 =	vld [tilespmem:s16+$0x11170];
	v8 =	vadd.f32 v10, v8  }
0xd1: {  	v6 =	vld [tilespmem:s16+$0x11180];
	v10 =	vadd.f32 v11, v7  }
0xd2: {  	s16 =	sadd.s32 $0x40, s16;
	v9 =	vadd.f32 v12, v9;
	v7 =	vld [tilespmem:s14+$0x11190]  }
0xd3: {  	_ = 	snop  }
0xd4: {  	v3 =	vadd.f32 v3, v8  }
0xd5: {  	v4 =	vadd.f32 v4, v10;
	v5 =	vadd.f32 v5, v9  }
0xd6: {  	v3 =	vadd.f32 v6, v3  }
0xd7: {  	[tilespmem:s14+$0x0] =	vst v5;
	v4 =	vadd.f32 v7, v4  }
0xd8: {  	[tilespmem:s14+$0x10] =	vst v3  }
0xd9: {  	[tilespmem:s14+$0x20] =	vst v4  }
0xda: {  	v3 =	vld [tilespmem:$0x61C8]  }
0xdb: {  	v4 =	vld [tilespmem:$0x88D8];
	_ =	sdelay $0x1  }
0xdc: {  	v5 =	vld [tilespmem:$0xAFE8];
	_ =	sdelay $0x1  }
0xdd: {  	v59 =	vld [tilespmem:$0xD6F8]  }
0xde: {  	v3 =	vadd.f32 v4, v3  }
0xdf: {  	v60 =	vld [tilespmem:$0xFE08]  }
0xe0: {  	v3 =	vadd.f32 v5, v3  }
0xe1: {  	v61 =	vld [tilespmem:$0x12518]  }
0xe2: {  	v3 =	vadd.f32 v59, v3  }
0xe3: {  	v62 =	vld [tilespmem:$0x14C28]  }
0xe4: {  	v3 =	vadd.f32 v60, v3  }
0xe5: {  	v63 =	vld [tilespmem:$0x17338]  }
0xe6: {  	v3 =	vadd.f32 v61, v3;
	_ =	sdelay $0x1  }
0xe7: {  	v3 =	vadd.f32 v62, v3;
	_ =	sdelay $0x1  }
0xe8: {  	v3 =	vadd.f32 v63, v3;
	_ =	sdelay $0x1  }
0xe9: {  	[tilespmem:$0x61C8] =	vst v3  }
0xea: {  	[hbm4b:s5+s2] =	stream.linear.scatter [tilespmem:s2], [sflag:$0x1], $0x1388, $0x38;
	[tilespmem:$0x17348] =	vst v63  }
0xeb: {  	_ =	swait.ge [sflag:s9], $0x1388  }
0xec: {  	[sflag:s9] =	ssyncset.done $0x0  }
0xed: {  	[sflag:s9] =	ssyncadd.s32 $0xFFFFEC78  }
0xee: {  	[hbm4b:s6+s2] =	stream.linear.scatter [tilespmem:s12], [sflag:$0x1], $0x1388, $0x38;
	[tilespmem:$0x17348] =	vst v63  }
0xef: {  	s13 =	sadd.s32 $0x1, s13;
	_ =	swait.ge [sflag:s9], $0x1388  }
0xf0: {  	p0 =	sne.s32 s13, s8;
	[sflag:s9] =	ssyncset.done $0x0  }
.Ltmp3:
0xf1: {  	[sflag:s9] =	ssyncadd.s32 $0xFFFFEC78;
	(pc) =	sbr.rel @p0 .LBB2_1-.Ltmp3, $4  }
0xf2: {  	[hbm4b:s7+s2] =	stream.linear.scatter [tilespmem:s11], [sflag:$0x1], $0x2710, $0x38;
	[tilespmem:$0x17348] =	vst v63  }
0xf3: {  	_ =	swait.ge [sflag:s9], $0x2710  }
0xf4: {  	[sflag:s9] =	ssyncset.done $0x0  }
0xf5: {  	[sflag:s9] =	ssyncadd.s32 $0xFFFFD8F0  }
0xf6: {  	_ =	sfence.sel $0x180000  }
0xf7: {  	[bflag:$0x0] =	sbarrier.arrive $0xFFFF  }
0xf8: {  	p0 =	sne.s32 s0, $0x0;
	_ =	strace $0x90000047  }
0xf9: {  	s0 =	sadd.s32 @!p0 $0x100000, s1;
	[bflag:$0x2] =	sbarrier.arrive $0xFFFF  }
0xfa: {  	[sflag:s0] =	ssyncadd.tile.s32 @!p0 $0x1;
	_ =	shalt  }
.Lfunc_end2:
_tile_overlayer_lowered:
.L_overlay_start_2:
0xfb: {  	(tag) =	ssettag $0x2  }
0xfc: {  	s0 =	rddreg [dreg:$0x0];
	s2 =	stileid.u32  }
0xfd: {  	s1 =	rddreg [dreg:$0x1];
	p0 =	sne.s32 s2, $0x0  }
0xfe: {  	s3 =	rddreg [dreg:$0x2];
	[bflag:$0x3] =	sbarrier.arrive $0xFFFF;
	s2 =	simm.s32 @!p0 $0x1C01  }
0xff: {  	[timem:s3], [sflag:s2] =	dma.local @!p0 [hbm:s0], s1  }
0x100: {  	s0 =	simm.s32 @!p0 $0x1  }
0x101: {  	_ =	swait.ge @!p0 [sflag:s0], s1  }
0x102: {  	s1 =	ssub.s32 @!p0 $0x0, s1;
	[sflag:s0] =	ssyncset.done @!p0 $0x0  }
0x103: {  	[sflag:s0] =	ssyncadd.s32 @!p0 s1  }
0x104: {  	[bflag:$0x3] =	sbarrier.arrive $0xFFFF  }
0x105: {  	_ =	shalt  }

</sc_bundles>
